<compile_context>
chip_gen: v7x
topology: tpu7x:2x2x1
jax: 0.10.2.dev20260603
libtpu: 0.0.44.dev20260713+nightly
codegen_flags: <defaults>
</compile_context>

<pallas_src>
import functools

import jax
import jax.numpy as jnp
from jax import lax
from jax.experimental import pallas as pl
from jax.experimental.pallas import tpu as pltpu
from jax.experimental.pallas import tpu_sc as plsc

NS = 16
L = 16
OWN_BITS = 16
OWN = 1 << OWN_BITS


def _dyemb_sc(batch, dimp):
    rows_t = batch // NS
    nvec = batch // L
    cpt = nvec // NS

    mesh = plsc.VectorSubcoreMesh(
        core_axis_name="c", subcore_axis_name="s", num_cores=1)

    @functools.partial(
        pl.kernel,
        out_type=jax.ShapeDtypeStruct((batch, dimp), jnp.float32),
        mesh=mesh,
        compiler_params=pltpu.CompilerParams(
            needs_layout_passes=False, use_tc_tiling_on_sc=True),
        scratch_types=[
            pltpu.HBM((NS * OWN,), jnp.int32),
            pltpu.VMEM_SHARED((batch,), jnp.int32),
            pltpu.VMEM((batch,), jnp.int32),
            pltpu.VMEM((OWN,), jnp.int32),
            pltpu.VMEM((cpt * L,), jnp.int32),
            pltpu.VMEM((rows_t,), jnp.int32),
            pltpu.VMEM((5, 64, dimp), jnp.float32),
            pltpu.SemaphoreType.DMA,
            pltpu.SemaphoreType.DMA((5,)),
            pltpu.SemaphoreType.DMA((5,)),
        ],
    )
    def k(idx_hbm, values_hbm, out_hbm, p_tab, masks_sp, idx_v, tab_v,
          mbuf_v, p_v, rows_v, sem, gsem, osem):
        tid = lax.axis_index("s")
        lane = lax.iota(jnp.int32, L)

        with jax.named_scope("idx_stage"):
            pltpu.sync_copy(idx_hbm, idx_v)

        sign = jnp.int32(-2147483648)

        def mask_step(j, carry):
            start = pl.multiple_of((tid * cpt + j) * L, L)
            x = idx_v[pl.ds(start, L)]
            _, last = plsc.scan_count(x)
            jstart = pl.multiple_of(j * L, L)
            mbuf_v[pl.ds(jstart, L)] = jnp.where(last, x | sign, x)
            return carry

        with jax.named_scope("mask_phase"):
            lax.fori_loop(0, cpt, mask_step, 0, unroll=4)
            pltpu.sync_copy(mbuf_v, masks_sp.at[pl.ds(tid * cpt * L, cpt * L)])
            plsc.subcore_barrier()
            pltpu.sync_copy(masks_sp, idx_v)

        def scan_step(i, carry):
            start = pl.multiple_of(i * L, L)
            x = idx_v[pl.ds(start, L)]
            last = x < 0
            mine = (lax.shift_right_logical(x, OWN_BITS) & (NS - 1)) == tid
            xl = x & (OWN - 1)
            pos = i * L + lane
            plsc.store_scatter(tab_v, [xl], pos, mask=last & mine)
            return carry

        with jax.named_scope("scan_phase"):
            lax.fori_loop(0, nvec, scan_step, 0, unroll=8)

        with jax.named_scope("publish_phase"):
            pltpu.sync_copy(tab_v, p_tab.at[pl.ds(tid * OWN, OWN)])
            plsc.subcore_barrier()

        tbase = tid * rows_t

        def clean_step(j, carry):
            start = pl.multiple_of(j * L, L)
            mbuf_v[pl.ds(start, L)] = (
                idx_v[pl.ds(pl.multiple_of(tbase + j * L, L), L)] & ~sign)
            return carry

        with jax.named_scope("winner_gather"):
            lax.fori_loop(0, rows_t // L, clean_step, 0, unroll=8)
            cps = [
                pltpu.async_copy(
                    p_tab.at[mbuf_v.at[pl.ds(c * 128, 128)]],
                    p_v.at[pl.ds(c * 128, 128)], sem)
                for c in range(rows_t // 128)
            ]
            for cp in cps:
                cp.wait()

        depth = 5
        rchunks = rows_t // 64

        def row_gather(c, b):
            return pltpu.async_copy(
                values_hbm.at[p_v.at[pl.ds(c * 64, 64)]],
                rows_v.at[b], gsem.at[b])

        with jax.named_scope("row_emit"):
            pend_g = [row_gather(b, b) for b in range(depth)]
            pend_o = [None] * rchunks
            for c in range(rchunks):
                b = c % depth
                pend_g[b].wait()
                pend_o[c] = pltpu.async_copy(
                    rows_v.at[b], out_hbm.at[pl.ds(tbase + c * 64, 64)],
                    osem.at[b])
                if c + depth < rchunks:
                    pend_o[c].wait()
                    pend_g[b] = row_gather(c + depth, b)
            for c in range(max(0, rchunks - depth), rchunks):
                pend_o[c].wait()

    return k


@jax.jit
def kernel(raw_feature, node_idxs, values):
    del raw_feature
    batch, dim = values.shape
    values128 = jnp.pad(values, ((0, 0), (0, 128 - dim)))
    out128 = _dyemb_sc(batch, 128)(node_idxs.astype(jnp.int32), values128)
    return out128[:, :dim]

# --- scband reference (transcript-rebuilt; emitter-appended) ---
"""Pipeline reference for scband-dyemb-54107997995388 (READ-ONLY COPY).

The authoritative reference and input builder live on the scoring server;
editing this copy changes nothing except your own understanding.
"""

import jax, jax.numpy as jnp
import numpy as np

N_NODES = 1000000
DIM = 64
BATCH = 16384


def setup_inputs(seed: int = 0) -> dict:
    key = jax.random.key(seed)
    k1, k2, k3 = jax.random.split(key, 3)
    raw_feature = jax.random.normal(k1, (N_NODES, DIM), dtype=jnp.float32)
    node_idxs = jax.random.randint(k2, (BATCH,), 0, N_NODES, dtype=jnp.int64) if jax.config.jax_enable_x64 else jax.random.randint(k2, (BATCH,), 0, N_NODES, dtype=jnp.int32)
    values = jax.random.normal(k3, (BATCH, DIM), dtype=jnp.float32)
    return {"raw_feature": raw_feature, "node_idxs": node_idxs, "values": values}


def reference(raw_feature, node_idxs, values):
    # Dyemb.set_Dyemb: scatter-overwrite rows of the dynamic embedding memory
    mem = raw_feature.at[node_idxs].set(values)
    # Dyemb.get_Dyemb: gather the (just updated) rows back out
    out = mem[node_idxs, :]
    return out

if __name__ == "__main__":
    import jax
    _d = setup_inputs()
    print(jax.jit(kernel)(*tuple(_d.values())))

</pallas_src>

<mosaic_0001>
#map = affine_map<(d0, d1) -> (0)>
#map1 = affine_map<(d0, d1) -> (0, 0)>
module attributes {stable_mosaic.version = 14 : i64} {
  func.func @k(%arg0: i32, %arg1: i32, %arg2: memref<16384xi32, #tpu.memory_space<hbm>>, %arg3: memref<16384x128xf32, #tpu.memory_space<hbm>>, %arg4: memref<16384x128xf32, #tpu.memory_space<hbm>>, %arg5: memref<1048576xi32, #tpu.memory_space<hbm>>, %arg6: memref<16384xi32, #tpu.memory_space<vmem_shared>>, %arg7: memref<16384xi32, #tpu.memory_space<vmem>>, %arg8: memref<65536xi32, #tpu.memory_space<vmem>>, %arg9: memref<1024xi32, #tpu.memory_space<vmem>>, %arg10: memref<1024xi32, #tpu.memory_space<vmem>>, %arg11: memref<5x64x128xf32, #tpu.memory_space<vmem>>, %arg12: memref<!tpu.dma_semaphore, #tpu.memory_space<semaphore_mem>>, %arg13: memref<5x!tpu.dma_semaphore, #tpu.memory_space<semaphore_mem>>, %arg14: memref<5x!tpu.dma_semaphore, #tpu.memory_space<semaphore_mem>>) attributes {dimension_semantics = [#tpu.dimension_semantics<core_parallel>, #tpu.dimension_semantics<subcore_parallel>], iteration_bounds = array<i64: 1, 16>, scalar_prefetch = 0 : i64, scratch_operands = 10 : i64, tpu.core_type = #tpu.core_type<sc_vector_subcore>, window_params = [{transform_indices = #map}, {transform_indices = #map1}, {transform_indices = #map1}]} {
    %iota3A = tpu.iota {dimensions = array<i32: 0>} : vector<16xi32>
    "tpu.trace_start"() <{level = 10 : i32, message = "idx_stage"}> : () -> ()
    "tpu.region"() ({
      %run_scoped3A = tpu.sem_alloc : memref<!tpu.dma_semaphore, #tpu.memory_space<semaphore_mem>>
      tpu.enqueue_dma source(%arg2 : memref<16384xi32, #tpu.memory_space<hbm>>) target(%arg7 : memref<16384xi32, #tpu.memory_space<vmem>>) target_semaphore(%run_scoped3A : memref<!tpu.dma_semaphore, #tpu.memory_space<semaphore_mem>>)
      tpu.wait_dma2 semaphore(%run_scoped3A : memref<!tpu.dma_semaphore, #tpu.memory_space<semaphore_mem>>) src(%arg2 : memref<16384xi32, #tpu.memory_space<hbm>>) dst(%arg7 : memref<16384xi32, #tpu.memory_space<vmem>>)
      tpu.yield
    }) : () -> ()
    "tpu.trace_stop"() : () -> ()
    "tpu.trace_start"() <{level = 10 : i32, message = "mask_phase"}> : () -> ()
    %scan3A = arith.constant 0 : i32
    %scan3A_0 = arith.constant -2147483648 : i32
    %scan3A_1 = arith.constant 0 : i32
    %scan3A_2 = arith.constant 64 : i32
    %scan3A_3 = arith.addi %scan3A_1, %scan3A_2 : i32
    %scan3A_4 = arith.constant 4 : i32
    scf.for %scan3A_1080 = %scan3A_1 to %scan3A_3 step %scan3A_4  : i32 {
      %mul3A_1081 = arith.constant 64 : i32
      %mul3A_1082 = arith.muli %arg1, %mul3A_1081 : i32
      %add3A_1083 = arith.addi %mul3A_1082, %scan3A_1080 : i32
      %mul3A_1084 = arith.constant 16 : i32
      %mul3A_1085 = arith.muli %add3A_1083, %mul3A_1084 : i32
      %multiple_of3A = tpu.assume_multiple %mul3A_1085, 16 : i32
      %get3A = arith.index_cast %multiple_of3A : i32 to index
      %get3A_1086 = tpu.vector_load %arg7[%get3A] {strides = array<i32>} : memref<16384xi32, #tpu.memory_space<vmem>>, vector<16xi32>,
      %broadcast_in_dim3A = arith.constant true
      %broadcast_in_dim3A_1087 = vector.broadcast %broadcast_in_dim3A : i1 to vector<16xi1>
      %unique3A, %unique3A_1088 = tpu.scan_count mask(%broadcast_in_dim3A_1087 : vector<16xi1>) value(%get3A_1086 : vector<16xi32>) : vector<16xi1>, vector<16xi32>
      %mul3A_1089 = arith.constant 16 : i32
      %mul3A_1090 = arith.muli %scan3A_1080, %mul3A_1089 : i32
      %multiple_of3A_1091 = tpu.assume_multiple %mul3A_1090, 16 : i32
      %or3A = vector.broadcast %scan3A_0 : i32 to vector<16xi32>
      %or3A_1092 = arith.ori %get3A_1086, %or3A : vector<16xi32>
      %select_n3A = arith.select %unique3A, %or3A_1092, %get3A_1086 : vector<16xi1>, vector<16xi32>
      %swap3A = arith.index_cast %multiple_of3A_1091 : i32 to index
      %swap3A_1093 = tpu.vector_load %arg9[%swap3A] {strides = array<i32>} : memref<1024xi32, #tpu.memory_space<vmem>>, vector<16xi32>,
      tpu.vector_store %arg9[%swap3A], %select_n3A {strides = array<i32>} : memref<1024xi32, #tpu.memory_space<vmem>>, vector<16xi32>,
      %scan3A_1094 = arith.constant 1 : i32
      %scan3A_1095 = arith.addi %scan3A_1080, %scan3A_1094 : i32
      %mul3A_1096 = arith.constant 64 : i32
      %mul3A_1097 = arith.muli %arg1, %mul3A_1096 : i32
      %add3A_1098 = arith.addi %mul3A_1097, %scan3A_1095 : i32
      %mul3A_1099 = arith.constant 16 : i32
      %mul3A_1100 = arith.muli %add3A_1098, %mul3A_1099 : i32
      %multiple_of3A_1101 = tpu.assume_multiple %mul3A_1100, 16 : i32
      %get3A_1102 = arith.index_cast %multiple_of3A_1101 : i32 to index
      %get3A_1103 = tpu.vector_load %arg7[%get3A_1102] {strides = array<i32>} : memref<16384xi32, #tpu.memory_space<vmem>>, vector<16xi32>,
      %broadcast_in_dim3A_1104 = arith.constant true
      %broadcast_in_dim3A_1105 = vector.broadcast %broadcast_in_dim3A_1104 : i1 to vector<16xi1>
      %unique3A_1106, %unique3A_1107 = tpu.scan_count mask(%broadcast_in_dim3A_1105 : vector<16xi1>) value(%get3A_1103 : vector<16xi32>) : vector<16xi1>, vector<16xi32>
      %mul3A_1108 = arith.constant 16 : i32
      %mul3A_1109 = arith.muli %scan3A_1095, %mul3A_1108 : i32
      %multiple_of3A_1110 = tpu.assume_multiple %mul3A_1109, 16 : i32
      %or3A_1111 = vector.broadcast %scan3A_0 : i32 to vector<16xi32>
      %or3A_1112 = arith.ori %get3A_1103, %or3A_1111 : vector<16xi32>
      %select_n3A_1113 = arith.select %unique3A_1106, %or3A_1112, %get3A_1103 : vector<16xi1>, vector<16xi32>
      %swap3A_1114 = arith.index_cast %multiple_of3A_1110 : i32 to index
      %swap3A_1115 = tpu.vector_load %arg9[%swap3A_1114] {strides = array<i32>} : memref<1024xi32, #tpu.memory_space<vmem>>, vector<16xi32>,
      tpu.vector_store %arg9[%swap3A_1114], %select_n3A_1113 {strides = array<i32>} : memref<1024xi32, #tpu.memory_space<vmem>>, vector<16xi32>,
      %scan3A_1116 = arith.constant 2 : i32
      %scan3A_1117 = arith.addi %scan3A_1080, %scan3A_1116 : i32
      %mul3A_1118 = arith.constant 64 : i32
      %mul3A_1119 = arith.muli %arg1, %mul3A_1118 : i32
      %add3A_1120 = arith.addi %mul3A_1119, %scan3A_1117 : i32
      %mul3A_1121 = arith.constant 16 : i32
      %mul3A_1122 = arith.muli %add3A_1120, %mul3A_1121 : i32
      %multiple_of3A_1123 = tpu.assume_multiple %mul3A_1122, 16 : i32
      %get3A_1124 = arith.index_cast %multiple_of3A_1123 : i32 to index
      %get3A_1125 = tpu.vector_load %arg7[%get3A_1124] {strides = array<i32>} : memref<16384xi32, #tpu.memory_space<vmem>>, vector<16xi32>,
      %broadcast_in_dim3A_1126 = arith.constant true
      %broadcast_in_dim3A_1127 = vector.broadcast %broadcast_in_dim3A_1126 : i1 to vector<16xi1>
      %unique3A_1128, %unique3A_1129 = tpu.scan_count mask(%broadcast_in_dim3A_1127 : vector<16xi1>) value(%get3A_1125 : vector<16xi32>) : vector<16xi1>, vector<16xi32>
      %mul3A_1130 = arith.constant 16 : i32
      %mul3A_1131 = arith.muli %scan3A_1117, %mul3A_1130 : i32
      %multiple_of3A_1132 = tpu.assume_multiple %mul3A_1131, 16 : i32
      %or3A_1133 = vector.broadcast %scan3A_0 : i32 to vector<16xi32>
      %or3A_1134 = arith.ori %get3A_1125, %or3A_1133 : vector<16xi32>
      %select_n3A_1135 = arith.select %unique3A_1128, %or3A_1134, %get3A_1125 : vector<16xi1>, vector<16xi32>
      %swap3A_1136 = arith.index_cast %multiple_of3A_1132 : i32 to index
      %swap3A_1137 = tpu.vector_load %arg9[%swap3A_1136] {strides = array<i32>} : memref<1024xi32, #tpu.memory_space<vmem>>, vector<16xi32>,
      tpu.vector_store %arg9[%swap3A_1136], %select_n3A_1135 {strides = array<i32>} : memref<1024xi32, #tpu.memory_space<vmem>>, vector<16xi32>,
      %scan3A_1138 = arith.constant 3 : i32
      %scan3A_1139 = arith.addi %scan3A_1080, %scan3A_1138 : i32
      %mul3A_1140 = arith.constant 64 : i32
      %mul3A_1141 = arith.muli %arg1, %mul3A_1140 : i32
      %add3A_1142 = arith.addi %mul3A_1141, %scan3A_1139 : i32
      %mul3A_1143 = arith.constant 16 : i32
      %mul3A_1144 = arith.muli %add3A_1142, %mul3A_1143 : i32
      %multiple_of3A_1145 = tpu.assume_multiple %mul3A_1144, 16 : i32
      %get3A_1146 = arith.index_cast %multiple_of3A_1145 : i32 to index
      %get3A_1147 = tpu.vector_load %arg7[%get3A_1146] {strides = array<i32>} : memref<16384xi32, #tpu.memory_space<vmem>>, vector<16xi32>,
      %broadcast_in_dim3A_1148 = arith.constant true
      %broadcast_in_dim3A_1149 = vector.broadcast %broadcast_in_dim3A_1148 : i1 to vector<16xi1>
      %unique3A_1150, %unique3A_1151 = tpu.scan_count mask(%broadcast_in_dim3A_1149 : vector<16xi1>) value(%get3A_1147 : vector<16xi32>) : vector<16xi1>, vector<16xi32>
      %mul3A_1152 = arith.constant 16 : i32
      %mul3A_1153 = arith.muli %scan3A_1139, %mul3A_1152 : i32
      %multiple_of3A_1154 = tpu.assume_multiple %mul3A_1153, 16 : i32
      %or3A_1155 = vector.broadcast %scan3A_0 : i32 to vector<16xi32>
      %or3A_1156 = arith.ori %get3A_1147, %or3A_1155 : vector<16xi32>
      %select_n3A_1157 = arith.select %unique3A_1150, %or3A_1156, %get3A_1147 : vector<16xi1>, vector<16xi32>
      %swap3A_1158 = arith.index_cast %multiple_of3A_1154 : i32 to index
      %swap3A_1159 = tpu.vector_load %arg9[%swap3A_1158] {strides = array<i32>} : memref<1024xi32, #tpu.memory_space<vmem>>, vector<16xi32>,
      tpu.vector_store %arg9[%swap3A_1158], %select_n3A_1157 {strides = array<i32>} : memref<1024xi32, #tpu.memory_space<vmem>>, vector<16xi32>,
    }
    %scan3A_5 = arith.constant 64 : i32
    %mul3A = arith.constant 64 : i32
    %mul3A_6 = arith.muli %arg1, %mul3A : i32
    %mul3A_7 = arith.constant 16 : i32
    %mul3A_8 = arith.muli %mul3A_6, %mul3A_7 : i32
    "tpu.region"() ({
      %run_scoped3A = tpu.sem_alloc : memref<!tpu.dma_semaphore, #tpu.memory_space<semaphore_mem>>
      %dma_start3A_1080 = tpu.memref_slice %arg6[%mul3A_8] : memref<16384xi32, #tpu.memory_space<vmem_shared>> -> memref<1024xi32, #tpu.memory_space<vmem_shared>>
      %dma_start3A_1081 = tpu.memref_slice %arg6[%mul3A_8] : memref<16384xi32, #tpu.memory_space<vmem_shared>> -> memref<1024xi32, #tpu.memory_space<vmem_shared>>
      tpu.enqueue_dma source(%arg9 : memref<1024xi32, #tpu.memory_space<vmem>>) target(%dma_start3A_1081 : memref<1024xi32, #tpu.memory_space<vmem_shared>>) target_semaphore(%run_scoped3A : memref<!tpu.dma_semaphore, #tpu.memory_space<semaphore_mem>>)
      %dma_wait3A_1082 = tpu.memref_slice %arg6[%mul3A_8] : memref<16384xi32, #tpu.memory_space<vmem_shared>> -> memref<1024xi32, #tpu.memory_space<vmem_shared>>
      %dma_wait3A_1083 = tpu.memref_slice %arg6[%mul3A_8] : memref<16384xi32, #tpu.memory_space<vmem_shared>> -> memref<1024xi32, #tpu.memory_space<vmem_shared>>
      tpu.wait_dma2 semaphore(%run_scoped3A : memref<!tpu.dma_semaphore, #tpu.memory_space<semaphore_mem>>) src(%arg9 : memref<1024xi32, #tpu.memory_space<vmem>>) dst(%dma_wait3A_1083 : memref<1024xi32, #tpu.memory_space<vmem_shared>>)
      tpu.yield
    }) : () -> ()
    %barrier3A = arith.constant 0 : index
    tpu.barrier barrier_id(%barrier3A)
    "tpu.region"() ({
      %run_scoped3A = tpu.sem_alloc : memref<!tpu.dma_semaphore, #tpu.memory_space<semaphore_mem>>
      tpu.enqueue_dma source(%arg6 : memref<16384xi32, #tpu.memory_space<vmem_shared>>) target(%arg7 : memref<16384xi32, #tpu.memory_space<vmem>>) target_semaphore(%run_scoped3A : memref<!tpu.dma_semaphore, #tpu.memory_space<semaphore_mem>>)
      tpu.wait_dma2 semaphore(%run_scoped3A : memref<!tpu.dma_semaphore, #tpu.memory_space<semaphore_mem>>) src(%arg6 : memref<16384xi32, #tpu.memory_space<vmem_shared>>) dst(%arg7 : memref<16384xi32, #tpu.memory_space<vmem>>)
      tpu.yield
    }) : () -> ()
    "tpu.trace_stop"() : () -> ()
    "tpu.trace_start"() <{level = 10 : i32, message = "scan_phase"}> : () -> ()
    %scan3A_9 = arith.constant 0 : i32
    %scan3A_10 = arith.constant 0 : i32
    %scan3A_11 = arith.constant 1024 : i32
    %scan3A_12 = arith.addi %scan3A_10, %scan3A_11 : i32
    %scan3A_13 = arith.constant 8 : i32
    scf.for %scan3A_1080 = %scan3A_10 to %scan3A_12 step %scan3A_13  : i32 {
      %mul3A_1081 = arith.constant 16 : i32
      %mul3A_1082 = arith.muli %scan3A_1080, %mul3A_1081 : i32
      %multiple_of3A = tpu.assume_multiple %mul3A_1082, 16 : i32
      %get3A = arith.index_cast %multiple_of3A : i32 to index
      %get3A_1083 = tpu.vector_load %arg7[%get3A] {strides = array<i32>} : memref<16384xi32, #tpu.memory_space<vmem>>, vector<16xi32>,
      %lt3A = arith.constant 0 : i32
      %lt3A_1084 = vector.broadcast %lt3A : i32 to vector<16xi32>
      %lt3A_1085 = arith.cmpi slt, %get3A_1083, %lt3A_1084 : vector<16xi32>
      %shift_right_logical3A = arith.constant 16 : i32
      %shift_right_logical3A_1086 = vector.broadcast %shift_right_logical3A : i32 to vector<16xi32>
      %shift_right_logical3A_1087 = arith.shrui %get3A_1083, %shift_right_logical3A_1086 : vector<16xi32>
      %and3A = arith.constant 15 : i32
      %and3A_1088 = vector.broadcast %and3A : i32 to vector<16xi32>
      %and3A_1089 = arith.andi %shift_right_logical3A_1087, %and3A_1088 : vector<16xi32>
      %eq3A = vector.broadcast %arg1 : i32 to vector<16xi32>
      %eq3A_1090 = arith.cmpi eq, %and3A_1089, %eq3A : vector<16xi32>
      %and3A_1091 = arith.constant 65535 : i32
      %and3A_1092 = vector.broadcast %and3A_1091 : i32 to vector<16xi32>
      %and3A_1093 = arith.andi %get3A_1083, %and3A_1092 : vector<16xi32>
      %mul3A_1094 = arith.constant 16 : i32
      %mul3A_1095 = arith.muli %scan3A_1080, %mul3A_1094 : i32
      %add3A_1096 = vector.broadcast %mul3A_1095 : i32 to vector<16xi32>
      %add3A_1097 = arith.addi %add3A_1096, %iota3A : vector<16xi32>
      %and3A_1098 = arith.andi %lt3A_1085, %eq3A_1090 : vector<16xi1>
      tpu.vector_store_idx %arg8[%and3A_1093], %add3A_1097 masked %and3A_1098 : memref<65536xi32, #tpu.memory_space<vmem>>[vector<16xi32>], vector<16xi32>, vector<16xi1>
      %scan3A_1099 = arith.constant 1 : i32
      %scan3A_1100 = arith.addi %scan3A_1080, %scan3A_1099 : i32
      %mul3A_1101 = arith.constant 16 : i32
      %mul3A_1102 = arith.muli %scan3A_1100, %mul3A_1101 : i32
      %multiple_of3A_1103 = tpu.assume_multiple %mul3A_1102, 16 : i32
      %get3A_1104 = arith.index_cast %multiple_of3A_1103 : i32 to index
      %get3A_1105 = tpu.vector_load %arg7[%get3A_1104] {strides = array<i32>} : memref<16384xi32, #tpu.memory_space<vmem>>, vector<16xi32>,
      %lt3A_1106 = arith.constant 0 : i32
      %lt3A_1107 = vector.broadcast %lt3A_1106 : i32 to vector<16xi32>
      %lt3A_1108 = arith.cmpi slt, %get3A_1105, %lt3A_1107 : vector<16xi32>
      %shift_right_logical3A_1109 = arith.constant 16 : i32
      %shift_right_logical3A_1110 = vector.broadcast %shift_right_logical3A_1109 : i32 to vector<16xi32>
      %shift_right_logical3A_1111 = arith.shrui %get3A_1105, %shift_right_logical3A_1110 : vector<16xi32>
      %and3A_1112 = arith.constant 15 : i32
      %and3A_1113 = vector.broadcast %and3A_1112 : i32 to vector<16xi32>
      %and3A_1114 = arith.andi %shift_right_logical3A_1111, %and3A_1113 : vector<16xi32>
      %eq3A_1115 = vector.broadcast %arg1 : i32 to vector<16xi32>
      %eq3A_1116 = arith.cmpi eq, %and3A_1114, %eq3A_1115 : vector<16xi32>
      %and3A_1117 = arith.constant 65535 : i32
      %and3A_1118 = vector.broadcast %and3A_1117 : i32 to vector<16xi32>
      %and3A_1119 = arith.andi %get3A_1105, %and3A_1118 : vector<16xi32>
      %mul3A_1120 = arith.constant 16 : i32
      %mul3A_1121 = arith.muli %scan3A_1100, %mul3A_1120 : i32
      %add3A_1122 = vector.broadcast %mul3A_1121 : i32 to vector<16xi32>
      %add3A_1123 = arith.addi %add3A_1122, %iota3A : vector<16xi32>
      %and3A_1124 = arith.andi %lt3A_1108, %eq3A_1116 : vector<16xi1>
      tpu.vector_store_idx %arg8[%and3A_1119], %add3A_1123 masked %and3A_1124 : memref<65536xi32, #tpu.memory_space<vmem>>[vector<16xi32>], vector<16xi32>, vector<16xi1>
      %scan3A_1125 = arith.constant 2 : i32
      %scan3A_1126 = arith.addi %scan3A_1080, %scan3A_1125 : i32
      %mul3A_1127 = arith.constant 16 : i32
      %mul3A_1128 = arith.muli %scan3A_1126, %mul3A_1127 : i32
      %multiple_of3A_1129 = tpu.assume_multiple %mul3A_1128, 16 : i32
      %get3A_1130 = arith.index_cast %multiple_of3A_1129 : i32 to index
      %get3A_1131 = tpu.vector_load %arg7[%get3A_1130] {strides = array<i32>} : memref<16384xi32, #tpu.memory_space<vmem>>, vector<16xi32>,
      %lt3A_1132 = arith.constant 0 : i32
      %lt3A_1133 = vector.broadcast %lt3A_1132 : i32 to vector<16xi32>
      %lt3A_1134 = arith.cmpi slt, %get3A_1131, %lt3A_1133 : vector<16xi32>
      %shift_right_logical3A_1135 = arith.constant 16 : i32
      %shift_right_logical3A_1136 = vector.broadcast %shift_right_logical3A_1135 : i32 to vector<16xi32>
      %shift_right_logical3A_1137 = arith.shrui %get3A_1131, %shift_right_logical3A_1136 : vector<16xi32>
      %and3A_1138 = arith.constant 15 : i32
      %and3A_1139 = vector.broadcast %and3A_1138 : i32 to vector<16xi32>
      %and3A_1140 = arith.andi %shift_right_logical3A_1137, %and3A_1139 : vector<16xi32>
      %eq3A_1141 = vector.broadcast %arg1 : i32 to vector<16xi32>
      %eq3A_1142 = arith.cmpi eq, %and3A_1140, %eq3A_1141 : vector<16xi32>
      %and3A_1143 = arith.constant 65535 : i32
      %and3A_1144 = vector.broadcast %and3A_1143 : i32 to vector<16xi32>
      %and3A_1145 = arith.andi %get3A_1131, %and3A_1144 : vector<16xi32>
      %mul3A_1146 = arith.constant 16 : i32
      %mul3A_1147 = arith.muli %scan3A_1126, %mul3A_1146 : i32
      %add3A_1148 = vector.broadcast %mul3A_1147 : i32 to vector<16xi32>
      %add3A_1149 = arith.addi %add3A_1148, %iota3A : vector<16xi32>
      %and3A_1150 = arith.andi %lt3A_1134, %eq3A_1142 : vector<16xi1>
      tpu.vector_store_idx %arg8[%and3A_1145], %add3A_1149 masked %and3A_1150 : memref<65536xi32, #tpu.memory_space<vmem>>[vector<16xi32>], vector<16xi32>, vector<16xi1>
      %scan3A_1151 = arith.constant 3 : i32
      %scan3A_1152 = arith.addi %scan3A_1080, %scan3A_1151 : i32
      %mul3A_1153 = arith.constant 16 : i32
      %mul3A_1154 = arith.muli %scan3A_1152, %mul3A_1153 : i32
      %multiple_of3A_1155 = tpu.assume_multiple %mul3A_1154, 16 : i32
      %get3A_1156 = arith.index_cast %multiple_of3A_1155 : i32 to index
      %get3A_1157 = tpu.vector_load %arg7[%get3A_1156] {strides = array<i32>} : memref<16384xi32, #tpu.memory_space<vmem>>, vector<16xi32>,
      %lt3A_1158 = arith.constant 0 : i32
      %lt3A_1159 = vector.broadcast %lt3A_1158 : i32 to vector<16xi32>
      %lt3A_1160 = arith.cmpi slt, %get3A_1157, %lt3A_1159 : vector<16xi32>
      %shift_right_logical3A_1161 = arith.constant 16 : i32
      %shift_right_logical3A_1162 = vector.broadcast %shift_right_logical3A_1161 : i32 to vector<16xi32>
      %shift_right_logical3A_1163 = arith.shrui %get3A_1157, %shift_right_logical3A_1162 : vector<16xi32>
      %and3A_1164 = arith.constant 15 : i32
      %and3A_1165 = vector.broadcast %and3A_1164 : i32 to vector<16xi32>
      %and3A_1166 = arith.andi %shift_right_logical3A_1163, %and3A_1165 : vector<16xi32>
      %eq3A_1167 = vector.broadcast %arg1 : i32 to vector<16xi32>
      %eq3A_1168 = arith.cmpi eq, %and3A_1166, %eq3A_1167 : vector<16xi32>
      %and3A_1169 = arith.constant 65535 : i32
      %and3A_1170 = vector.broadcast %and3A_1169 : i32 to vector<16xi32>
      %and3A_1171 = arith.andi %get3A_1157, %and3A_1170 : vector<16xi32>
      %mul3A_1172 = arith.constant 16 : i32
      %mul3A_1173 = arith.muli %scan3A_1152, %mul3A_1172 : i32
      %add3A_1174 = vector.broadcast %mul3A_1173 : i32 to vector<16xi32>
      %add3A_1175 = arith.addi %add3A_1174, %iota3A : vector<16xi32>
      %and3A_1176 = arith.andi %lt3A_1160, %eq3A_1168 : vector<16xi1>
      tpu.vector_store_idx %arg8[%and3A_1171], %add3A_1175 masked %and3A_1176 : memref<65536xi32, #tpu.memory_space<vmem>>[vector<16xi32>], vector<16xi32>, vector<16xi1>
      %scan3A_1177 = arith.constant 4 : i32
      %scan3A_1178 = arith.addi %scan3A_1080, %scan3A_1177 : i32
      %mul3A_1179 = arith.constant 16 : i32
      %mul3A_1180 = arith.muli %scan3A_1178, %mul3A_1179 : i32
      %multiple_of3A_1181 = tpu.assume_multiple %mul3A_1180, 16 : i32
      %get3A_1182 = arith.index_cast %multiple_of3A_1181 : i32 to index
      %get3A_1183 = tpu.vector_load %arg7[%get3A_1182] {strides = array<i32>} : memref<16384xi32, #tpu.memory_space<vmem>>, vector<16xi32>,
      %lt3A_1184 = arith.constant 0 : i32
      %lt3A_1185 = vector.broadcast %lt3A_1184 : i32 to vector<16xi32>
      %lt3A_1186 = arith.cmpi slt, %get3A_1183, %lt3A_1185 : vector<16xi32>
      %shift_right_logical3A_1187 = arith.constant 16 : i32
      %shift_right_logical3A_1188 = vector.broadcast %shift_right_logical3A_1187 : i32 to vector<16xi32>
      %shift_right_logical3A_1189 = arith.shrui %get3A_1183, %shift_right_logical3A_1188 : vector<16xi32>
      %and3A_1190 = arith.constant 15 : i32
      %and3A_1191 = vector.broadcast %and3A_1190 : i32 to vector<16xi32>
      %and3A_1192 = arith.andi %shift_right_logical3A_1189, %and3A_1191 : vector<16xi32>
      %eq3A_1193 = vector.broadcast %arg1 : i32 to vector<16xi32>
      %eq3A_1194 = arith.cmpi eq, %and3A_1192, %eq3A_1193 : vector<16xi32>
      %and3A_1195 = arith.constant 65535 : i32
      %and3A_1196 = vector.broadcast %and3A_1195 : i32 to vector<16xi32>
      %and3A_1197 = arith.andi %get3A_1183, %and3A_1196 : vector<16xi32>
      %mul3A_1198 = arith.constant 16 : i32
      %mul3A_1199 = arith.muli %scan3A_1178, %mul3A_1198 : i32
      %add3A_1200 = vector.broadcast %mul3A_1199 : i32 to vector<16xi32>
      %add3A_1201 = arith.addi %add3A_1200, %iota3A : vector<16xi32>
      %and3A_1202 = arith.andi %lt3A_1186, %eq3A_1194 : vector<16xi1>
      tpu.vector_store_idx %arg8[%and3A_1197], %add3A_1201 masked %and3A_1202 : memref<65536xi32, #tpu.memory_space<vmem>>[vector<16xi32>], vector<16xi32>, vector<16xi1>
      %scan3A_1203 = arith.constant 5 : i32
      %scan3A_1204 = arith.addi %scan3A_1080, %scan3A_1203 : i32
      %mul3A_1205 = arith.constant 16 : i32
      %mul3A_1206 = arith.muli %scan3A_1204, %mul3A_1205 : i32
      %multiple_of3A_1207 = tpu.assume_multiple %mul3A_1206, 16 : i32
      %get3A_1208 = arith.index_cast %multiple_of3A_1207 : i32 to index
      %get3A_1209 = tpu.vector_load %arg7[%get3A_1208] {strides = array<i32>} : memref<16384xi32, #tpu.memory_space<vmem>>, vector<16xi32>,
      %lt3A_1210 = arith.constant 0 : i32
      %lt3A_1211 = vector.broadcast %lt3A_1210 : i32 to vector<16xi32>
      %lt3A_1212 = arith.cmpi slt, %get3A_1209, %lt3A_1211 : vector<16xi32>
      %shift_right_logical3A_1213 = arith.constant 16 : i32
      %shift_right_logical3A_1214 = vector.broadcast %shift_right_logical3A_1213 : i32 to vector<16xi32>
      %shift_right_logical3A_1215 = arith.shrui %get3A_1209, %shift_right_logical3A_1214 : vector<16xi32>
      %and3A_1216 = arith.constant 15 : i32
      %and3A_1217 = vector.broadcast %and3A_1216 : i32 to vector<16xi32>
      %and3A_1218 = arith.andi %shift_right_logical3A_1215, %and3A_1217 : vector<16xi32>
      %eq3A_1219 = vector.broadcast %arg1 : i32 to vector<16xi32>
      %eq3A_1220 = arith.cmpi eq, %and3A_1218, %eq3A_1219 : vector<16xi32>
      %and3A_1221 = arith.constant 65535 : i32
      %and3A_1222 = vector.broadcast %and3A_1221 : i32 to vector<16xi32>
      %and3A_1223 = arith.andi %get3A_1209, %and3A_1222 : vector<16xi32>
      %mul3A_1224 = arith.constant 16 : i32
      %mul3A_1225 = arith.muli %scan3A_1204, %mul3A_1224 : i32
      %add3A_1226 = vector.broadcast %mul3A_1225 : i32 to vector<16xi32>
      %add3A_1227 = arith.addi %add3A_1226, %iota3A : vector<16xi32>
      %and3A_1228 = arith.andi %lt3A_1212, %eq3A_1220 : vector<16xi1>
      tpu.vector_store_idx %arg8[%and3A_1223], %add3A_1227 masked %and3A_1228 : memref<65536xi32, #tpu.memory_space<vmem>>[vector<16xi32>], vector<16xi32>, vector<16xi1>
      %scan3A_1229 = arith.constant 6 : i32
      %scan3A_1230 = arith.addi %scan3A_1080, %scan3A_1229 : i32
      %mul3A_1231 = arith.constant 16 : i32
      %mul3A_1232 = arith.muli %scan3A_1230, %mul3A_1231 : i32
      %multiple_of3A_1233 = tpu.assume_multiple %mul3A_1232, 16 : i32
      %get3A_1234 = arith.index_cast %multiple_of3A_1233 : i32 to index
      %get3A_1235 = tpu.vector_load %arg7[%get3A_1234] {strides = array<i32>} : memref<16384xi32, #tpu.memory_space<vmem>>, vector<16xi32>,
      %lt3A_1236 = arith.constant 0 : i32
      %lt3A_1237 = vector.broadcast %lt3A_1236 : i32 to vector<16xi32>
      %lt3A_1238 = arith.cmpi slt, %get3A_1235, %lt3A_1237 : vector<16xi32>
      %shift_right_logical3A_1239 = arith.constant 16 : i32
      %shift_right_logical3A_1240 = vector.broadcast %shift_right_logical3A_1239 : i32 to vector<16xi32>
      %shift_right_logical3A_1241 = arith.shrui %get3A_1235, %shift_right_logical3A_1240 : vector<16xi32>
      %and3A_1242 = arith.constant 15 : i32
      %and3A_1243 = vector.broadcast %and3A_1242 : i32 to vector<16xi32>
      %and3A_1244 = arith.andi %shift_right_logical3A_1241, %and3A_1243 : vector<16xi32>
      %eq3A_1245 = vector.broadcast %arg1 : i32 to vector<16xi32>
      %eq3A_1246 = arith.cmpi eq, %and3A_1244, %eq3A_1245 : vector<16xi32>
      %and3A_1247 = arith.constant 65535 : i32
      %and3A_1248 = vector.broadcast %and3A_1247 : i32 to vector<16xi32>
      %and3A_1249 = arith.andi %get3A_1235, %and3A_1248 : vector<16xi32>
      %mul3A_1250 = arith.constant 16 : i32
      %mul3A_1251 = arith.muli %scan3A_1230, %mul3A_1250 : i32
      %add3A_1252 = vector.broadcast %mul3A_1251 : i32 to vector<16xi32>
      %add3A_1253 = arith.addi %add3A_1252, %iota3A : vector<16xi32>
      %and3A_1254 = arith.andi %lt3A_1238, %eq3A_1246 : vector<16xi1>
      tpu.vector_store_idx %arg8[%and3A_1249], %add3A_1253 masked %and3A_1254 : memref<65536xi32, #tpu.memory_space<vmem>>[vector<16xi32>], vector<16xi32>, vector<16xi1>
      %scan3A_1255 = arith.constant 7 : i32
      %scan3A_1256 = arith.addi %scan3A_1080, %scan3A_1255 : i32
      %mul3A_1257 = arith.constant 16 : i32
      %mul3A_1258 = arith.muli %scan3A_1256, %mul3A_1257 : i32
      %multiple_of3A_1259 = tpu.assume_multiple %mul3A_1258, 16 : i32
      %get3A_1260 = arith.index_cast %multiple_of3A_1259 : i32 to index
      %get3A_1261 = tpu.vector_load %arg7[%get3A_1260] {strides = array<i32>} : memref<16384xi32, #tpu.memory_space<vmem>>, vector<16xi32>,
      %lt3A_1262 = arith.constant 0 : i32
      %lt3A_1263 = vector.broadcast %lt3A_1262 : i32 to vector<16xi32>
      %lt3A_1264 = arith.cmpi slt, %get3A_1261, %lt3A_1263 : vector<16xi32>
      %shift_right_logical3A_1265 = arith.constant 16 : i32
      %shift_right_logical3A_1266 = vector.broadcast %shift_right_logical3A_1265 : i32 to vector<16xi32>
      %shift_right_logical3A_1267 = arith.shrui %get3A_1261, %shift_right_logical3A_1266 : vector<16xi32>
      %and3A_1268 = arith.constant 15 : i32
      %and3A_1269 = vector.broadcast %and3A_1268 : i32 to vector<16xi32>
      %and3A_1270 = arith.andi %shift_right_logical3A_1267, %and3A_1269 : vector<16xi32>
      %eq3A_1271 = vector.broadcast %arg1 : i32 to vector<16xi32>
      %eq3A_1272 = arith.cmpi eq, %and3A_1270, %eq3A_1271 : vector<16xi32>
      %and3A_1273 = arith.constant 65535 : i32
      %and3A_1274 = vector.broadcast %and3A_1273 : i32 to vector<16xi32>
      %and3A_1275 = arith.andi %get3A_1261, %and3A_1274 : vector<16xi32>
      %mul3A_1276 = arith.constant 16 : i32
      %mul3A_1277 = arith.muli %scan3A_1256, %mul3A_1276 : i32
      %add3A_1278 = vector.broadcast %mul3A_1277 : i32 to vector<16xi32>
      %add3A_1279 = arith.addi %add3A_1278, %iota3A : vector<16xi32>
      %and3A_1280 = arith.andi %lt3A_1264, %eq3A_1272 : vector<16xi1>
      tpu.vector_store_idx %arg8[%and3A_1275], %add3A_1279 masked %and3A_1280 : memref<65536xi32, #tpu.memory_space<vmem>>[vector<16xi32>], vector<16xi32>, vector<16xi1>
    }
    %scan3A_14 = arith.constant 1024 : i32
    "tpu.trace_stop"() : () -> ()
    "tpu.trace_start"() <{level = 10 : i32, message = "publish_phase"}> : () -> ()
    %mul3A_15 = arith.constant 65536 : i32
    %mul3A_16 = arith.muli %arg1, %mul3A_15 : i32
    "tpu.region"() ({
      %run_scoped3A = tpu.sem_alloc : memref<!tpu.dma_semaphore, #tpu.memory_space<semaphore_mem>>
      %dma_start3A_1080 = tpu.memref_slice %arg5[%mul3A_16] : memref<1048576xi32, #tpu.memory_space<hbm>> -> memref<65536xi32, #tpu.memory_space<hbm>>
      %dma_start3A_1081 = tpu.memref_slice %arg5[%mul3A_16] : memref<1048576xi32, #tpu.memory_space<hbm>> -> memref<65536xi32, #tpu.memory_space<hbm>>
      tpu.enqueue_dma source(%arg8 : memref<65536xi32, #tpu.memory_space<vmem>>) target(%dma_start3A_1081 : memref<65536xi32, #tpu.memory_space<hbm>>) target_semaphore(%run_scoped3A : memref<!tpu.dma_semaphore, #tpu.memory_space<semaphore_mem>>)
      %dma_wait3A_1082 = tpu.memref_slice %arg5[%mul3A_16] : memref<1048576xi32, #tpu.memory_space<hbm>> -> memref<65536xi32, #tpu.memory_space<hbm>>
      %dma_wait3A_1083 = tpu.memref_slice %arg5[%mul3A_16] : memref<1048576xi32, #tpu.memory_space<hbm>> -> memref<65536xi32, #tpu.memory_space<hbm>>
      tpu.wait_dma2 semaphore(%run_scoped3A : memref<!tpu.dma_semaphore, #tpu.memory_space<semaphore_mem>>) src(%arg8 : memref<65536xi32, #tpu.memory_space<vmem>>) dst(%dma_wait3A_1083 : memref<65536xi32, #tpu.memory_space<hbm>>)
      tpu.yield
    }) : () -> ()
    %barrier3A_17 = arith.constant 0 : index
    tpu.barrier barrier_id(%barrier3A_17)
    "tpu.trace_stop"() : () -> ()
    %mul3A_18 = arith.constant 1024 : i32
    %mul3A_19 = arith.muli %arg1, %mul3A_18 : i32
    "tpu.trace_start"() <{level = 10 : i32, message = "winner_gather"}> : () -> ()
    %scan3A_20 = arith.constant 0 : i32
    %scan3A_21 = arith.constant -2147483648 : i32
    %scan3A_22 = arith.constant 0 : i32
    %scan3A_23 = arith.constant 64 : i32
    %scan3A_24 = arith.addi %scan3A_22, %scan3A_23 : i32
    %scan3A_25 = arith.constant 8 : i32
    scf.for %scan3A_1080 = %scan3A_22 to %scan3A_24 step %scan3A_25  : i32 {
      %mul3A_1081 = arith.constant 16 : i32
      %mul3A_1082 = arith.muli %scan3A_1080, %mul3A_1081 : i32
      %multiple_of3A = tpu.assume_multiple %mul3A_1082, 16 : i32
      %mul3A_1083 = arith.constant 16 : i32
      %mul3A_1084 = arith.muli %scan3A_1080, %mul3A_1083 : i32
      %add3A_1085 = arith.addi %mul3A_19, %mul3A_1084 : i32
      %multiple_of3A_1086 = tpu.assume_multiple %add3A_1085, 16 : i32
      %get3A = arith.index_cast %multiple_of3A_1086 : i32 to index
      %get3A_1087 = tpu.vector_load %arg7[%get3A] {strides = array<i32>} : memref<16384xi32, #tpu.memory_space<vmem>>, vector<16xi32>,
      %not3A = arith.constant -1 : i32
      %not3A_1088 = arith.xori %scan3A_21, %not3A : i32
      %and3A = vector.broadcast %not3A_1088 : i32 to vector<16xi32>
      %and3A_1089 = arith.andi %get3A_1087, %and3A : vector<16xi32>
      %swap3A = arith.index_cast %multiple_of3A : i32 to index
      %swap3A_1090 = tpu.vector_load %arg9[%swap3A] {strides = array<i32>} : memref<1024xi32, #tpu.memory_space<vmem>>, vector<16xi32>,
      tpu.vector_store %arg9[%swap3A], %and3A_1089 {strides = array<i32>} : memref<1024xi32, #tpu.memory_space<vmem>>, vector<16xi32>,
      %scan3A_1091 = arith.constant 1 : i32
      %scan3A_1092 = arith.addi %scan3A_1080, %scan3A_1091 : i32
      %mul3A_1093 = arith.constant 16 : i32
      %mul3A_1094 = arith.muli %scan3A_1092, %mul3A_1093 : i32
      %multiple_of3A_1095 = tpu.assume_multiple %mul3A_1094, 16 : i32
      %mul3A_1096 = arith.constant 16 : i32
      %mul3A_1097 = arith.muli %scan3A_1092, %mul3A_1096 : i32
      %add3A_1098 = arith.addi %mul3A_19, %mul3A_1097 : i32
      %multiple_of3A_1099 = tpu.assume_multiple %add3A_1098, 16 : i32
      %get3A_1100 = arith.index_cast %multiple_of3A_1099 : i32 to index
      %get3A_1101 = tpu.vector_load %arg7[%get3A_1100] {strides = array<i32>} : memref<16384xi32, #tpu.memory_space<vmem>>, vector<16xi32>,
      %not3A_1102 = arith.constant -1 : i32
      %not3A_1103 = arith.xori %scan3A_21, %not3A_1102 : i32
      %and3A_1104 = vector.broadcast %not3A_1103 : i32 to vector<16xi32>
      %and3A_1105 = arith.andi %get3A_1101, %and3A_1104 : vector<16xi32>
      %swap3A_1106 = arith.index_cast %multiple_of3A_1095 : i32 to index
      %swap3A_1107 = tpu.vector_load %arg9[%swap3A_1106] {strides = array<i32>} : memref<1024xi32, #tpu.memory_space<vmem>>, vector<16xi32>,
      tpu.vector_store %arg9[%swap3A_1106], %and3A_1105 {strides = array<i32>} : memref<1024xi32, #tpu.memory_space<vmem>>, vector<16xi32>,
      %scan3A_1108 = arith.constant 2 : i32
      %scan3A_1109 = arith.addi %scan3A_1080, %scan3A_1108 : i32
      %mul3A_1110 = arith.constant 16 : i32
      %mul3A_1111 = arith.muli %scan3A_1109, %mul3A_1110 : i32
      %multiple_of3A_1112 = tpu.assume_multiple %mul3A_1111, 16 : i32
      %mul3A_1113 = arith.constant 16 : i32
      %mul3A_1114 = arith.muli %scan3A_1109, %mul3A_1113 : i32
      %add3A_1115 = arith.addi %mul3A_19, %mul3A_1114 : i32
      %multiple_of3A_1116 = tpu.assume_multiple %add3A_1115, 16 : i32
      %get3A_1117 = arith.index_cast %multiple_of3A_1116 : i32 to index
      %get3A_1118 = tpu.vector_load %arg7[%get3A_1117] {strides = array<i32>} : memref<16384xi32, #tpu.memory_space<vmem>>, vector<16xi32>,
      %not3A_1119 = arith.constant -1 : i32
      %not3A_1120 = arith.xori %scan3A_21, %not3A_1119 : i32
      %and3A_1121 = vector.broadcast %not3A_1120 : i32 to vector<16xi32>
      %and3A_1122 = arith.andi %get3A_1118, %and3A_1121 : vector<16xi32>
      %swap3A_1123 = arith.index_cast %multiple_of3A_1112 : i32 to index
      %swap3A_1124 = tpu.vector_load %arg9[%swap3A_1123] {strides = array<i32>} : memref<1024xi32, #tpu.memory_space<vmem>>, vector<16xi32>,
      tpu.vector_store %arg9[%swap3A_1123], %and3A_1122 {strides = array<i32>} : memref<1024xi32, #tpu.memory_space<vmem>>, vector<16xi32>,
      %scan3A_1125 = arith.constant 3 : i32
      %scan3A_1126 = arith.addi %scan3A_1080, %scan3A_1125 : i32
      %mul3A_1127 = arith.constant 16 : i32
      %mul3A_1128 = arith.muli %scan3A_1126, %mul3A_1127 : i32
      %multiple_of3A_1129 = tpu.assume_multiple %mul3A_1128, 16 : i32
      %mul3A_1130 = arith.constant 16 : i32
      %mul3A_1131 = arith.muli %scan3A_1126, %mul3A_1130 : i32
      %add3A_1132 = arith.addi %mul3A_19, %mul3A_1131 : i32
      %multiple_of3A_1133 = tpu.assume_multiple %add3A_1132, 16 : i32
      %get3A_1134 = arith.index_cast %multiple_of3A_1133 : i32 to index
      %get3A_1135 = tpu.vector_load %arg7[%get3A_1134] {strides = array<i32>} : memref<16384xi32, #tpu.memory_space<vmem>>, vector<16xi32>,
      %not3A_1136 = arith.constant -1 : i32
      %not3A_1137 = arith.xori %scan3A_21, %not3A_1136 : i32
      %and3A_1138 = vector.broadcast %not3A_1137 : i32 to vector<16xi32>
      %and3A_1139 = arith.andi %get3A_1135, %and3A_1138 : vector<16xi32>
      %swap3A_1140 = arith.index_cast %multiple_of3A_1129 : i32 to index
      %swap3A_1141 = tpu.vector_load %arg9[%swap3A_1140] {strides = array<i32>} : memref<1024xi32, #tpu.memory_space<vmem>>, vector<16xi32>,
      tpu.vector_store %arg9[%swap3A_1140], %and3A_1139 {strides = array<i32>} : memref<1024xi32, #tpu.memory_space<vmem>>, vector<16xi32>,
      %scan3A_1142 = arith.constant 4 : i32
      %scan3A_1143 = arith.addi %scan3A_1080, %scan3A_1142 : i32
      %mul3A_1144 = arith.constant 16 : i32
      %mul3A_1145 = arith.muli %scan3A_1143, %mul3A_1144 : i32
      %multiple_of3A_1146 = tpu.assume_multiple %mul3A_1145, 16 : i32
      %mul3A_1147 = arith.constant 16 : i32
      %mul3A_1148 = arith.muli %scan3A_1143, %mul3A_1147 : i32
      %add3A_1149 = arith.addi %mul3A_19, %mul3A_1148 : i32
      %multiple_of3A_1150 = tpu.assume_multiple %add3A_1149, 16 : i32
      %get3A_1151 = arith.index_cast %multiple_of3A_1150 : i32 to index
      %get3A_1152 = tpu.vector_load %arg7[%get3A_1151] {strides = array<i32>} : memref<16384xi32, #tpu.memory_space<vmem>>, vector<16xi32>,
      %not3A_1153 = arith.constant -1 : i32
      %not3A_1154 = arith.xori %scan3A_21, %not3A_1153 : i32
      %and3A_1155 = vector.broadcast %not3A_1154 : i32 to vector<16xi32>
      %and3A_1156 = arith.andi %get3A_1152, %and3A_1155 : vector<16xi32>
      %swap3A_1157 = arith.index_cast %multiple_of3A_1146 : i32 to index
      %swap3A_1158 = tpu.vector_load %arg9[%swap3A_1157] {strides = array<i32>} : memref<1024xi32, #tpu.memory_space<vmem>>, vector<16xi32>,
      tpu.vector_store %arg9[%swap3A_1157], %and3A_1156 {strides = array<i32>} : memref<1024xi32, #tpu.memory_space<vmem>>, vector<16xi32>,
      %scan3A_1159 = arith.constant 5 : i32
      %scan3A_1160 = arith.addi %scan3A_1080, %scan3A_1159 : i32
      %mul3A_1161 = arith.constant 16 : i32
      %mul3A_1162 = arith.muli %scan3A_1160, %mul3A_1161 : i32
      %multiple_of3A_1163 = tpu.assume_multiple %mul3A_1162, 16 : i32
      %mul3A_1164 = arith.constant 16 : i32
      %mul3A_1165 = arith.muli %scan3A_1160, %mul3A_1164 : i32
      %add3A_1166 = arith.addi %mul3A_19, %mul3A_1165 : i32
      %multiple_of3A_1167 = tpu.assume_multiple %add3A_1166, 16 : i32
      %get3A_1168 = arith.index_cast %multiple_of3A_1167 : i32 to index
      %get3A_1169 = tpu.vector_load %arg7[%get3A_1168] {strides = array<i32>} : memref<16384xi32, #tpu.memory_space<vmem>>, vector<16xi32>,
      %not3A_1170 = arith.constant -1 : i32
      %not3A_1171 = arith.xori %scan3A_21, %not3A_1170 : i32
      %and3A_1172 = vector.broadcast %not3A_1171 : i32 to vector<16xi32>
      %and3A_1173 = arith.andi %get3A_1169, %and3A_1172 : vector<16xi32>
      %swap3A_1174 = arith.index_cast %multiple_of3A_1163 : i32 to index
      %swap3A_1175 = tpu.vector_load %arg9[%swap3A_1174] {strides = array<i32>} : memref<1024xi32, #tpu.memory_space<vmem>>, vector<16xi32>,
      tpu.vector_store %arg9[%swap3A_1174], %and3A_1173 {strides = array<i32>} : memref<1024xi32, #tpu.memory_space<vmem>>, vector<16xi32>,
      %scan3A_1176 = arith.constant 6 : i32
      %scan3A_1177 = arith.addi %scan3A_1080, %scan3A_1176 : i32
      %mul3A_1178 = arith.constant 16 : i32
      %mul3A_1179 = arith.muli %scan3A_1177, %mul3A_1178 : i32
      %multiple_of3A_1180 = tpu.assume_multiple %mul3A_1179, 16 : i32
      %mul3A_1181 = arith.constant 16 : i32
      %mul3A_1182 = arith.muli %scan3A_1177, %mul3A_1181 : i32
      %add3A_1183 = arith.addi %mul3A_19, %mul3A_1182 : i32
      %multiple_of3A_1184 = tpu.assume_multiple %add3A_1183, 16 : i32
      %get3A_1185 = arith.index_cast %multiple_of3A_1184 : i32 to index
      %get3A_1186 = tpu.vector_load %arg7[%get3A_1185] {strides = array<i32>} : memref<16384xi32, #tpu.memory_space<vmem>>, vector<16xi32>,
      %not3A_1187 = arith.constant -1 : i32
      %not3A_1188 = arith.xori %scan3A_21, %not3A_1187 : i32
      %and3A_1189 = vector.broadcast %not3A_1188 : i32 to vector<16xi32>
      %and3A_1190 = arith.andi %get3A_1186, %and3A_1189 : vector<16xi32>
      %swap3A_1191 = arith.index_cast %multiple_of3A_1180 : i32 to index
      %swap3A_1192 = tpu.vector_load %arg9[%swap3A_1191] {strides = array<i32>} : memref<1024xi32, #tpu.memory_space<vmem>>, vector<16xi32>,
      tpu.vector_store %arg9[%swap3A_1191], %and3A_1190 {strides = array<i32>} : memref<1024xi32, #tpu.memory_space<vmem>>, vector<16xi32>,
      %scan3A_1193 = arith.constant 7 : i32
      %scan3A_1194 = arith.addi %scan3A_1080, %scan3A_1193 : i32
      %mul3A_1195 = arith.constant 16 : i32
      %mul3A_1196 = arith.muli %scan3A_1194, %mul3A_1195 : i32
      %multiple_of3A_1197 = tpu.assume_multiple %mul3A_1196, 16 : i32
      %mul3A_1198 = arith.constant 16 : i32
      %mul3A_1199 = arith.muli %scan3A_1194, %mul3A_1198 : i32
      %add3A_1200 = arith.addi %mul3A_19, %mul3A_1199 : i32
      %multiple_of3A_1201 = tpu.assume_multiple %add3A_1200, 16 : i32
      %get3A_1202 = arith.index_cast %multiple_of3A_1201 : i32 to index
      %get3A_1203 = tpu.vector_load %arg7[%get3A_1202] {strides = array<i32>} : memref<16384xi32, #tpu.memory_space<vmem>>, vector<16xi32>,
      %not3A_1204 = arith.constant -1 : i32
      %not3A_1205 = arith.xori %scan3A_21, %not3A_1204 : i32
      %and3A_1206 = vector.broadcast %not3A_1205 : i32 to vector<16xi32>
      %and3A_1207 = arith.andi %get3A_1203, %and3A_1206 : vector<16xi32>
      %swap3A_1208 = arith.index_cast %multiple_of3A_1197 : i32 to index
      %swap3A_1209 = tpu.vector_load %arg9[%swap3A_1208] {strides = array<i32>} : memref<1024xi32, #tpu.memory_space<vmem>>, vector<16xi32>,
      tpu.vector_store %arg9[%swap3A_1208], %and3A_1207 {strides = array<i32>} : memref<1024xi32, #tpu.memory_space<vmem>>, vector<16xi32>,
    }
    %scan3A_26 = arith.constant 64 : i32
    %dma_start3A = arith.constant 0 : i32
    %dma_start3A_27 = tpu.memref_slice %arg10[%dma_start3A] : memref<1024xi32, #tpu.memory_space<vmem>> -> memref<128xi32, #tpu.memory_space<vmem>>
    %dma_start3A_28 = arith.constant 0 : i32
    %dma_start3A_29 = tpu.memref_slice %arg9[%dma_start3A_28] : memref<1024xi32, #tpu.memory_space<vmem>> -> memref<128xi32, #tpu.memory_space<vmem>>
    %dma_start3A_30 = arith.constant 0 : i32
    %dma_start3A_31 = tpu.memref_slice %arg5[%dma_start3A_30] : memref<1048576xi32, #tpu.memory_space<hbm>> -> memref<1048576xi32, #tpu.memory_space<hbm>>
    tpu.enqueue_indirect_dma source(%dma_start3A_31 : memref<1048576xi32, #tpu.memory_space<hbm>>) target(%dma_start3A_27 : memref<128xi32, #tpu.memory_space<vmem>>) offsets(%dma_start3A_29 : memref<128xi32, #tpu.memory_space<vmem>>) semaphore(%arg12 : memref<!tpu.dma_semaphore, #tpu.memory_space<semaphore_mem>>)
    %dma_start3A_32 = arith.constant 128 : i32
    %dma_start3A_33 = tpu.memref_slice %arg10[%dma_start3A_32] : memref<1024xi32, #tpu.memory_space<vmem>> -> memref<128xi32, #tpu.memory_space<vmem>>
    %dma_start3A_34 = arith.constant 128 : i32
    %dma_start3A_35 = tpu.memref_slice %arg9[%dma_start3A_34] : memref<1024xi32, #tpu.memory_space<vmem>> -> memref<128xi32, #tpu.memory_space<vmem>>
    %dma_start3A_36 = arith.constant 0 : i32
    %dma_start3A_37 = tpu.memref_slice %arg5[%dma_start3A_36] : memref<1048576xi32, #tpu.memory_space<hbm>> -> memref<1048576xi32, #tpu.memory_space<hbm>>
    tpu.enqueue_indirect_dma source(%dma_start3A_37 : memref<1048576xi32, #tpu.memory_space<hbm>>) target(%dma_start3A_33 : memref<128xi32, #tpu.memory_space<vmem>>) offsets(%dma_start3A_35 : memref<128xi32, #tpu.memory_space<vmem>>) semaphore(%arg12 : memref<!tpu.dma_semaphore, #tpu.memory_space<semaphore_mem>>)
    %dma_start3A_38 = arith.constant 256 : i32
    %dma_start3A_39 = tpu.memref_slice %arg10[%dma_start3A_38] : memref<1024xi32, #tpu.memory_space<vmem>> -> memref<128xi32, #tpu.memory_space<vmem>>
    %dma_start3A_40 = arith.constant 256 : i32
    %dma_start3A_41 = tpu.memref_slice %arg9[%dma_start3A_40] : memref<1024xi32, #tpu.memory_space<vmem>> -> memref<128xi32, #tpu.memory_space<vmem>>
    %dma_start3A_42 = arith.constant 0 : i32
    %dma_start3A_43 = tpu.memref_slice %arg5[%dma_start3A_42] : memref<1048576xi32, #tpu.memory_space<hbm>> -> memref<1048576xi32, #tpu.memory_space<hbm>>
    tpu.enqueue_indirect_dma source(%dma_start3A_43 : memref<1048576xi32, #tpu.memory_space<hbm>>) target(%dma_start3A_39 : memref<128xi32, #tpu.memory_space<vmem>>) offsets(%dma_start3A_41 : memref<128xi32, #tpu.memory_space<vmem>>) semaphore(%arg12 : memref<!tpu.dma_semaphore, #tpu.memory_space<semaphore_mem>>)
    %dma_start3A_44 = arith.constant 384 : i32
    %dma_start3A_45 = tpu.memref_slice %arg10[%dma_start3A_44] : memref<1024xi32, #tpu.memory_space<vmem>> -> memref<128xi32, #tpu.memory_space<vmem>>
    %dma_start3A_46 = arith.constant 384 : i32
    %dma_start3A_47 = tpu.memref_slice %arg9[%dma_start3A_46] : memref<1024xi32, #tpu.memory_space<vmem>> -> memref<128xi32, #tpu.memory_space<vmem>>
    %dma_start3A_48 = arith.constant 0 : i32
    %dma_start3A_49 = tpu.memref_slice %arg5[%dma_start3A_48] : memref<1048576xi32, #tpu.memory_space<hbm>> -> memref<1048576xi32, #tpu.memory_space<hbm>>
    tpu.enqueue_indirect_dma source(%dma_start3A_49 : memref<1048576xi32, #tpu.memory_space<hbm>>) target(%dma_start3A_45 : memref<128xi32, #tpu.memory_space<vmem>>) offsets(%dma_start3A_47 : memref<128xi32, #tpu.memory_space<vmem>>) semaphore(%arg12 : memref<!tpu.dma_semaphore, #tpu.memory_space<semaphore_mem>>)
    %dma_start3A_50 = arith.constant 512 : i32
    %dma_start3A_51 = tpu.memref_slice %arg10[%dma_start3A_50] : memref<1024xi32, #tpu.memory_space<vmem>> -> memref<128xi32, #tpu.memory_space<vmem>>
    %dma_start3A_52 = arith.constant 512 : i32
    %dma_start3A_53 = tpu.memref_slice %arg9[%dma_start3A_52] : memref<1024xi32, #tpu.memory_space<vmem>> -> memref<128xi32, #tpu.memory_space<vmem>>
    %dma_start3A_54 = arith.constant 0 : i32
    %dma_start3A_55 = tpu.memref_slice %arg5[%dma_start3A_54] : memref<1048576xi32, #tpu.memory_space<hbm>> -> memref<1048576xi32, #tpu.memory_space<hbm>>
    tpu.enqueue_indirect_dma source(%dma_start3A_55 : memref<1048576xi32, #tpu.memory_space<hbm>>) target(%dma_start3A_51 : memref<128xi32, #tpu.memory_space<vmem>>) offsets(%dma_start3A_53 : memref<128xi32, #tpu.memory_space<vmem>>) semaphore(%arg12 : memref<!tpu.dma_semaphore, #tpu.memory_space<semaphore_mem>>)
    %dma_start3A_56 = arith.constant 640 : i32
    %dma_start3A_57 = tpu.memref_slice %arg10[%dma_start3A_56] : memref<1024xi32, #tpu.memory_space<vmem>> -> memref<128xi32, #tpu.memory_space<vmem>>
    %dma_start3A_58 = arith.constant 640 : i32
    %dma_start3A_59 = tpu.memref_slice %arg9[%dma_start3A_58] : memref<1024xi32, #tpu.memory_space<vmem>> -> memref<128xi32, #tpu.memory_space<vmem>>
    %dma_start3A_60 = arith.constant 0 : i32
    %dma_start3A_61 = tpu.memref_slice %arg5[%dma_start3A_60] : memref<1048576xi32, #tpu.memory_space<hbm>> -> memref<1048576xi32, #tpu.memory_space<hbm>>
    tpu.enqueue_indirect_dma source(%dma_start3A_61 : memref<1048576xi32, #tpu.memory_space<hbm>>) target(%dma_start3A_57 : memref<128xi32, #tpu.memory_space<vmem>>) offsets(%dma_start3A_59 : memref<128xi32, #tpu.memory_space<vmem>>) semaphore(%arg12 : memref<!tpu.dma_semaphore, #tpu.memory_space<semaphore_mem>>)
    %dma_start3A_62 = arith.constant 768 : i32
    %dma_start3A_63 = tpu.memref_slice %arg10[%dma_start3A_62] : memref<1024xi32, #tpu.memory_space<vmem>> -> memref<128xi32, #tpu.memory_space<vmem>>
    %dma_start3A_64 = arith.constant 768 : i32
    %dma_start3A_65 = tpu.memref_slice %arg9[%dma_start3A_64] : memref<1024xi32, #tpu.memory_space<vmem>> -> memref<128xi32, #tpu.memory_space<vmem>>
    %dma_start3A_66 = arith.constant 0 : i32
    %dma_start3A_67 = tpu.memref_slice %arg5[%dma_start3A_66] : memref<1048576xi32, #tpu.memory_space<hbm>> -> memref<1048576xi32, #tpu.memory_space<hbm>>
    tpu.enqueue_indirect_dma source(%dma_start3A_67 : memref<1048576xi32, #tpu.memory_space<hbm>>) target(%dma_start3A_63 : memref<128xi32, #tpu.memory_space<vmem>>) offsets(%dma_start3A_65 : memref<128xi32, #tpu.memory_space<vmem>>) semaphore(%arg12 : memref<!tpu.dma_semaphore, #tpu.memory_space<semaphore_mem>>)
    %dma_start3A_68 = arith.constant 896 : i32
    %dma_start3A_69 = tpu.memref_slice %arg10[%dma_start3A_68] : memref<1024xi32, #tpu.memory_space<vmem>> -> memref<128xi32, #tpu.memory_space<vmem>>
    %dma_start3A_70 = arith.constant 896 : i32
    %dma_start3A_71 = tpu.memref_slice %arg9[%dma_start3A_70] : memref<1024xi32, #tpu.memory_space<vmem>> -> memref<128xi32, #tpu.memory_space<vmem>>
    %dma_start3A_72 = arith.constant 0 : i32
    %dma_start3A_73 = tpu.memref_slice %arg5[%dma_start3A_72] : memref<1048576xi32, #tpu.memory_space<hbm>> -> memref<1048576xi32, #tpu.memory_space<hbm>>
    tpu.enqueue_indirect_dma source(%dma_start3A_73 : memref<1048576xi32, #tpu.memory_space<hbm>>) target(%dma_start3A_69 : memref<128xi32, #tpu.memory_space<vmem>>) offsets(%dma_start3A_71 : memref<128xi32, #tpu.memory_space<vmem>>) semaphore(%arg12 : memref<!tpu.dma_semaphore, #tpu.memory_space<semaphore_mem>>)
    %dma_wait3A = arith.constant 0 : i32
    %dma_wait3A_74 = tpu.memref_slice %arg10[%dma_wait3A] : memref<1024xi32, #tpu.memory_space<vmem>> -> memref<128xi32, #tpu.memory_space<vmem>>
    %dma_wait3A_75 = arith.constant 0 : i32
    %dma_wait3A_76 = tpu.memref_slice %arg9[%dma_wait3A_75] : memref<1024xi32, #tpu.memory_space<vmem>> -> memref<128xi32, #tpu.memory_space<vmem>>
    %dma_wait3A_77 = arith.constant 0 : i32
    %dma_wait3A_78 = tpu.memref_slice %arg5[%dma_wait3A_77] : memref<1048576xi32, #tpu.memory_space<hbm>> -> memref<1048576xi32, #tpu.memory_space<hbm>>
    tpu.wait_indirect_dma semaphore(%arg12 : memref<!tpu.dma_semaphore, #tpu.memory_space<semaphore_mem>>) src(%dma_wait3A_78 : memref<1048576xi32, #tpu.memory_space<hbm>>) dst(%dma_wait3A_74 : memref<128xi32, #tpu.memory_space<vmem>>)
    %dma_wait3A_79 = arith.constant 128 : i32
    %dma_wait3A_80 = tpu.memref_slice %arg10[%dma_wait3A_79] : memref<1024xi32, #tpu.memory_space<vmem>> -> memref<128xi32, #tpu.memory_space<vmem>>
    %dma_wait3A_81 = arith.constant 128 : i32
    %dma_wait3A_82 = tpu.memref_slice %arg9[%dma_wait3A_81] : memref<1024xi32, #tpu.memory_space<vmem>> -> memref<128xi32, #tpu.memory_space<vmem>>
    %dma_wait3A_83 = arith.constant 0 : i32
    %dma_wait3A_84 = tpu.memref_slice %arg5[%dma_wait3A_83] : memref<1048576xi32, #tpu.memory_space<hbm>> -> memref<1048576xi32, #tpu.memory_space<hbm>>
    tpu.wait_indirect_dma semaphore(%arg12 : memref<!tpu.dma_semaphore, #tpu.memory_space<semaphore_mem>>) src(%dma_wait3A_84 : memref<1048576xi32, #tpu.memory_space<hbm>>) dst(%dma_wait3A_80 : memref<128xi32, #tpu.memory_space<vmem>>)
    %dma_wait3A_85 = arith.constant 256 : i32
    %dma_wait3A_86 = tpu.memref_slice %arg10[%dma_wait3A_85] : memref<1024xi32, #tpu.memory_space<vmem>> -> memref<128xi32, #tpu.memory_space<vmem>>
    %dma_wait3A_87 = arith.constant 256 : i32
    %dma_wait3A_88 = tpu.memref_slice %arg9[%dma_wait3A_87] : memref<1024xi32, #tpu.memory_space<vmem>> -> memref<128xi32, #tpu.memory_space<vmem>>
    %dma_wait3A_89 = arith.constant 0 : i32
    %dma_wait3A_90 = tpu.memref_slice %arg5[%dma_wait3A_89] : memref<1048576xi32, #tpu.memory_space<hbm>> -> memref<1048576xi32, #tpu.memory_space<hbm>>
    tpu.wait_indirect_dma semaphore(%arg12 : memref<!tpu.dma_semaphore, #tpu.memory_space<semaphore_mem>>) src(%dma_wait3A_90 : memref<1048576xi32, #tpu.memory_space<hbm>>) dst(%dma_wait3A_86 : memref<128xi32, #tpu.memory_space<vmem>>)
    %dma_wait3A_91 = arith.constant 384 : i32
    %dma_wait3A_92 = tpu.memref_slice %arg10[%dma_wait3A_91] : memref<1024xi32, #tpu.memory_space<vmem>> -> memref<128xi32, #tpu.memory_space<vmem>>
    %dma_wait3A_93 = arith.constant 384 : i32
    %dma_wait3A_94 = tpu.memref_slice %arg9[%dma_wait3A_93] : memref<1024xi32, #tpu.memory_space<vmem>> -> memref<128xi32, #tpu.memory_space<vmem>>
    %dma_wait3A_95 = arith.constant 0 : i32
    %dma_wait3A_96 = tpu.memref_slice %arg5[%dma_wait3A_95] : memref<1048576xi32, #tpu.memory_space<hbm>> -> memref<1048576xi32, #tpu.memory_space<hbm>>
    tpu.wait_indirect_dma semaphore(%arg12 : memref<!tpu.dma_semaphore, #tpu.memory_space<semaphore_mem>>) src(%dma_wait3A_96 : memref<1048576xi32, #tpu.memory_space<hbm>>) dst(%dma_wait3A_92 : memref<128xi32, #tpu.memory_space<vmem>>)
    %dma_wait3A_97 = arith.constant 512 : i32
    %dma_wait3A_98 = tpu.memref_slice %arg10[%dma_wait3A_97] : memref<1024xi32, #tpu.memory_space<vmem>> -> memref<128xi32, #tpu.memory_space<vmem>>
    %dma_wait3A_99 = arith.constant 512 : i32
    %dma_wait3A_100 = tpu.memref_slice %arg9[%dma_wait3A_99] : memref<1024xi32, #tpu.memory_space<vmem>> -> memref<128xi32, #tpu.memory_space<vmem>>
    %dma_wait3A_101 = arith.constant 0 : i32
    %dma_wait3A_102 = tpu.memref_slice %arg5[%dma_wait3A_101] : memref<1048576xi32, #tpu.memory_space<hbm>> -> memref<1048576xi32, #tpu.memory_space<hbm>>
    tpu.wait_indirect_dma semaphore(%arg12 : memref<!tpu.dma_semaphore, #tpu.memory_space<semaphore_mem>>) src(%dma_wait3A_102 : memref<1048576xi32, #tpu.memory_space<hbm>>) dst(%dma_wait3A_98 : memref<128xi32, #tpu.memory_space<vmem>>)
    %dma_wait3A_103 = arith.constant 640 : i32
    %dma_wait3A_104 = tpu.memref_slice %arg10[%dma_wait3A_103] : memref<1024xi32, #tpu.memory_space<vmem>> -> memref<128xi32, #tpu.memory_space<vmem>>
    %dma_wait3A_105 = arith.constant 640 : i32
    %dma_wait3A_106 = tpu.memref_slice %arg9[%dma_wait3A_105] : memref<1024xi32, #tpu.memory_space<vmem>> -> memref<128xi32, #tpu.memory_space<vmem>>
    %dma_wait3A_107 = arith.constant 0 : i32
    %dma_wait3A_108 = tpu.memref_slice %arg5[%dma_wait3A_107] : memref<1048576xi32, #tpu.memory_space<hbm>> -> memref<1048576xi32, #tpu.memory_space<hbm>>
    tpu.wait_indirect_dma semaphore(%arg12 : memref<!tpu.dma_semaphore, #tpu.memory_space<semaphore_mem>>) src(%dma_wait3A_108 : memref<1048576xi32, #tpu.memory_space<hbm>>) dst(%dma_wait3A_104 : memref<128xi32, #tpu.memory_space<vmem>>)
    %dma_wait3A_109 = arith.constant 768 : i32
    %dma_wait3A_110 = tpu.memref_slice %arg10[%dma_wait3A_109] : memref<1024xi32, #tpu.memory_space<vmem>> -> memref<128xi32, #tpu.memory_space<vmem>>
    %dma_wait3A_111 = arith.constant 768 : i32
    %dma_wait3A_112 = tpu.memref_slice %arg9[%dma_wait3A_111] : memref<1024xi32, #tpu.memory_space<vmem>> -> memref<128xi32, #tpu.memory_space<vmem>>
    %dma_wait3A_113 = arith.constant 0 : i32
    %dma_wait3A_114 = tpu.memref_slice %arg5[%dma_wait3A_113] : memref<1048576xi32, #tpu.memory_space<hbm>> -> memref<1048576xi32, #tpu.memory_space<hbm>>
    tpu.wait_indirect_dma semaphore(%arg12 : memref<!tpu.dma_semaphore, #tpu.memory_space<semaphore_mem>>) src(%dma_wait3A_114 : memref<1048576xi32, #tpu.memory_space<hbm>>) dst(%dma_wait3A_110 : memref<128xi32, #tpu.memory_space<vmem>>)
    %dma_wait3A_115 = arith.constant 896 : i32
    %dma_wait3A_116 = tpu.memref_slice %arg10[%dma_wait3A_115] : memref<1024xi32, #tpu.memory_space<vmem>> -> memref<128xi32, #tpu.memory_space<vmem>>
    %dma_wait3A_117 = arith.constant 896 : i32
    %dma_wait3A_118 = tpu.memref_slice %arg9[%dma_wait3A_117] : memref<1024xi32, #tpu.memory_space<vmem>> -> memref<128xi32, #tpu.memory_space<vmem>>
    %dma_wait3A_119 = arith.constant 0 : i32
    %dma_wait3A_120 = tpu.memref_slice %arg5[%dma_wait3A_119] : memref<1048576xi32, #tpu.memory_space<hbm>> -> memref<1048576xi32, #tpu.memory_space<hbm>>
    tpu.wait_indirect_dma semaphore(%arg12 : memref<!tpu.dma_semaphore, #tpu.memory_space<semaphore_mem>>) src(%dma_wait3A_120 : memref<1048576xi32, #tpu.memory_space<hbm>>) dst(%dma_wait3A_116 : memref<128xi32, #tpu.memory_space<vmem>>)
    %dma_start3A_121 = arith.constant 0 : i32
    %dma_start3A_122 = arith.constant 0 : i32
    "tpu.trace_stop"() : () -> ()
    "tpu.trace_start"() <{level = 10 : i32, message = "row_emit"}> : () -> ()
    %dma_start3A_123 = arith.constant 0 : i32
    %dma_start3A_124 = arith.constant 0 : i32
    %dma_start3A_125 = tpu.memref_slice %arg11[%dma_start3A_121, %dma_start3A_123, %dma_start3A_124] : memref<5x64x128xf32, #tpu.memory_space<vmem>> -> memref<1x64x128xf32, #tpu.memory_space<vmem>>
    %dma_start3A_126 = tpu.memref_squeeze %dma_start3A_125 : memref<1x64x128xf32, #tpu.memory_space<vmem>> -> memref<64x128xf32, #tpu.memory_space<vmem>>
    %dma_start3A_127 = arith.constant 0 : i32
    %dma_start3A_128 = tpu.memref_slice %arg10[%dma_start3A_127] : memref<1024xi32, #tpu.memory_space<vmem>> -> memref<64xi32, #tpu.memory_space<vmem>>
    %dma_start3A_129 = arith.constant 0 : i32
    %dma_start3A_130 = arith.constant 0 : i32
    %dma_start3A_131 = tpu.memref_slice %arg3[%dma_start3A_129, %dma_start3A_130] : memref<16384x128xf32, #tpu.memory_space<hbm>> -> memref<16384x128xf32, #tpu.memory_space<hbm>>
    %dma_start3A_132 = tpu.memref_slice %arg13[%dma_start3A_122] : memref<5x!tpu.dma_semaphore, #tpu.memory_space<semaphore_mem>> -> memref<1x!tpu.dma_semaphore, #tpu.memory_space<semaphore_mem>>
    %dma_start3A_133 = tpu.memref_squeeze %dma_start3A_132 : memref<1x!tpu.dma_semaphore, #tpu.memory_space<semaphore_mem>> -> memref<!tpu.dma_semaphore, #tpu.memory_space<semaphore_mem>>
    tpu.enqueue_indirect_dma source(%dma_start3A_131 : memref<16384x128xf32, #tpu.memory_space<hbm>>) target(%dma_start3A_126 : memref<64x128xf32, #tpu.memory_space<vmem>>) offsets(%dma_start3A_128 : memref<64xi32, #tpu.memory_space<vmem>>) semaphore(%dma_start3A_133 : memref<!tpu.dma_semaphore, #tpu.memory_space<semaphore_mem>>)
    %dma_start3A_134 = arith.constant 1 : i32
    %dma_start3A_135 = arith.constant 1 : i32
    %dma_start3A_136 = arith.constant 0 : i32
    %dma_start3A_137 = arith.constant 0 : i32
    %dma_start3A_138 = tpu.memref_slice %arg11[%dma_start3A_134, %dma_start3A_136, %dma_start3A_137] : memref<5x64x128xf32, #tpu.memory_space<vmem>> -> memref<1x64x128xf32, #tpu.memory_space<vmem>>
    %dma_start3A_139 = tpu.memref_squeeze %dma_start3A_138 : memref<1x64x128xf32, #tpu.memory_space<vmem>> -> memref<64x128xf32, #tpu.memory_space<vmem>>
    %dma_start3A_140 = arith.constant 64 : i32
    %dma_start3A_141 = tpu.memref_slice %arg10[%dma_start3A_140] : memref<1024xi32, #tpu.memory_space<vmem>> -> memref<64xi32, #tpu.memory_space<vmem>>
    %dma_start3A_142 = arith.constant 0 : i32
    %dma_start3A_143 = arith.constant 0 : i32
    %dma_start3A_144 = tpu.memref_slice %arg3[%dma_start3A_142, %dma_start3A_143] : memref<16384x128xf32, #tpu.memory_space<hbm>> -> memref<16384x128xf32, #tpu.memory_space<hbm>>
    %dma_start3A_145 = tpu.memref_slice %arg13[%dma_start3A_135] : memref<5x!tpu.dma_semaphore, #tpu.memory_space<semaphore_mem>> -> memref<1x!tpu.dma_semaphore, #tpu.memory_space<semaphore_mem>>
    %dma_start3A_146 = tpu.memref_squeeze %dma_start3A_145 : memref<1x!tpu.dma_semaphore, #tpu.memory_space<semaphore_mem>> -> memref<!tpu.dma_semaphore, #tpu.memory_space<semaphore_mem>>
    tpu.enqueue_indirect_dma source(%dma_start3A_144 : memref<16384x128xf32, #tpu.memory_space<hbm>>) target(%dma_start3A_139 : memref<64x128xf32, #tpu.memory_space<vmem>>) offsets(%dma_start3A_141 : memref<64xi32, #tpu.memory_space<vmem>>) semaphore(%dma_start3A_146 : memref<!tpu.dma_semaphore, #tpu.memory_space<semaphore_mem>>)
    %dma_start3A_147 = arith.constant 2 : i32
    %dma_start3A_148 = arith.constant 2 : i32
    %dma_start3A_149 = arith.constant 0 : i32
    %dma_start3A_150 = arith.constant 0 : i32
    %dma_start3A_151 = tpu.memref_slice %arg11[%dma_start3A_147, %dma_start3A_149, %dma_start3A_150] : memref<5x64x128xf32, #tpu.memory_space<vmem>> -> memref<1x64x128xf32, #tpu.memory_space<vmem>>
    %dma_start3A_152 = tpu.memref_squeeze %dma_start3A_151 : memref<1x64x128xf32, #tpu.memory_space<vmem>> -> memref<64x128xf32, #tpu.memory_space<vmem>>
    %dma_start3A_153 = arith.constant 128 : i32
    %dma_start3A_154 = tpu.memref_slice %arg10[%dma_start3A_153] : memref<1024xi32, #tpu.memory_space<vmem>> -> memref<64xi32, #tpu.memory_space<vmem>>
    %dma_start3A_155 = arith.constant 0 : i32
    %dma_start3A_156 = arith.constant 0 : i32
    %dma_start3A_157 = tpu.memref_slice %arg3[%dma_start3A_155, %dma_start3A_156] : memref<16384x128xf32, #tpu.memory_space<hbm>> -> memref<16384x128xf32, #tpu.memory_space<hbm>>
    %dma_start3A_158 = tpu.memref_slice %arg13[%dma_start3A_148] : memref<5x!tpu.dma_semaphore, #tpu.memory_space<semaphore_mem>> -> memref<1x!tpu.dma_semaphore, #tpu.memory_space<semaphore_mem>>
    %dma_start3A_159 = tpu.memref_squeeze %dma_start3A_158 : memref<1x!tpu.dma_semaphore, #tpu.memory_space<semaphore_mem>> -> memref<!tpu.dma_semaphore, #tpu.memory_space<semaphore_mem>>
    tpu.enqueue_indirect_dma source(%dma_start3A_157 : memref<16384x128xf32, #tpu.memory_space<hbm>>) target(%dma_start3A_152 : memref<64x128xf32, #tpu.memory_space<vmem>>) offsets(%dma_start3A_154 : memref<64xi32, #tpu.memory_space<vmem>>) semaphore(%dma_start3A_159 : memref<!tpu.dma_semaphore, #tpu.memory_space<semaphore_mem>>)
    %dma_start3A_160 = arith.constant 3 : i32
    %dma_start3A_161 = arith.constant 3 : i32
    %dma_start3A_162 = arith.constant 0 : i32
    %dma_start3A_163 = arith.constant 0 : i32
    %dma_start3A_164 = tpu.memref_slice %arg11[%dma_start3A_160, %dma_start3A_162, %dma_start3A_163] : memref<5x64x128xf32, #tpu.memory_space<vmem>> -> memref<1x64x128xf32, #tpu.memory_space<vmem>>
    %dma_start3A_165 = tpu.memref_squeeze %dma_start3A_164 : memref<1x64x128xf32, #tpu.memory_space<vmem>> -> memref<64x128xf32, #tpu.memory_space<vmem>>
    %dma_start3A_166 = arith.constant 192 : i32
    %dma_start3A_167 = tpu.memref_slice %arg10[%dma_start3A_166] : memref<1024xi32, #tpu.memory_space<vmem>> -> memref<64xi32, #tpu.memory_space<vmem>>
    %dma_start3A_168 = arith.constant 0 : i32
    %dma_start3A_169 = arith.constant 0 : i32
    %dma_start3A_170 = tpu.memref_slice %arg3[%dma_start3A_168, %dma_start3A_169] : memref<16384x128xf32, #tpu.memory_space<hbm>> -> memref<16384x128xf32, #tpu.memory_space<hbm>>
    %dma_start3A_171 = tpu.memref_slice %arg13[%dma_start3A_161] : memref<5x!tpu.dma_semaphore, #tpu.memory_space<semaphore_mem>> -> memref<1x!tpu.dma_semaphore, #tpu.memory_space<semaphore_mem>>
    %dma_start3A_172 = tpu.memref_squeeze %dma_start3A_171 : memref<1x!tpu.dma_semaphore, #tpu.memory_space<semaphore_mem>> -> memref<!tpu.dma_semaphore, #tpu.memory_space<semaphore_mem>>
    tpu.enqueue_indirect_dma source(%dma_start3A_170 : memref<16384x128xf32, #tpu.memory_space<hbm>>) target(%dma_start3A_165 : memref<64x128xf32, #tpu.memory_space<vmem>>) offsets(%dma_start3A_167 : memref<64xi32, #tpu.memory_space<vmem>>) semaphore(%dma_start3A_172 : memref<!tpu.dma_semaphore, #tpu.memory_space<semaphore_mem>>)
    %dma_start3A_173 = arith.constant 4 : i32
    %dma_start3A_174 = arith.constant 4 : i32
    %dma_start3A_175 = arith.constant 0 : i32
    %dma_start3A_176 = arith.constant 0 : i32
    %dma_start3A_177 = tpu.memref_slice %arg11[%dma_start3A_173, %dma_start3A_175, %dma_start3A_176] : memref<5x64x128xf32, #tpu.memory_space<vmem>> -> memref<1x64x128xf32, #tpu.memory_space<vmem>>
    %dma_start3A_178 = tpu.memref_squeeze %dma_start3A_177 : memref<1x64x128xf32, #tpu.memory_space<vmem>> -> memref<64x128xf32, #tpu.memory_space<vmem>>
    %dma_start3A_179 = arith.constant 256 : i32
    %dma_start3A_180 = tpu.memref_slice %arg10[%dma_start3A_179] : memref<1024xi32, #tpu.memory_space<vmem>> -> memref<64xi32, #tpu.memory_space<vmem>>
    %dma_start3A_181 = arith.constant 0 : i32
    %dma_start3A_182 = arith.constant 0 : i32
    %dma_start3A_183 = tpu.memref_slice %arg3[%dma_start3A_181, %dma_start3A_182] : memref<16384x128xf32, #tpu.memory_space<hbm>> -> memref<16384x128xf32, #tpu.memory_space<hbm>>
    %dma_start3A_184 = tpu.memref_slice %arg13[%dma_start3A_174] : memref<5x!tpu.dma_semaphore, #tpu.memory_space<semaphore_mem>> -> memref<1x!tpu.dma_semaphore, #tpu.memory_space<semaphore_mem>>
    %dma_start3A_185 = tpu.memref_squeeze %dma_start3A_184 : memref<1x!tpu.dma_semaphore, #tpu.memory_space<semaphore_mem>> -> memref<!tpu.dma_semaphore, #tpu.memory_space<semaphore_mem>>
    tpu.enqueue_indirect_dma source(%dma_start3A_183 : memref<16384x128xf32, #tpu.memory_space<hbm>>) target(%dma_start3A_178 : memref<64x128xf32, #tpu.memory_space<vmem>>) offsets(%dma_start3A_180 : memref<64xi32, #tpu.memory_space<vmem>>) semaphore(%dma_start3A_185 : memref<!tpu.dma_semaphore, #tpu.memory_space<semaphore_mem>>)
    %dma_wait3A_186 = arith.constant 0 : i32
    %dma_wait3A_187 = arith.constant 0 : i32
    %dma_wait3A_188 = arith.constant 0 : i32
    %dma_wait3A_189 = arith.constant 0 : i32
    %dma_wait3A_190 = tpu.memref_slice %arg11[%dma_wait3A_186, %dma_wait3A_188, %dma_wait3A_189] : memref<5x64x128xf32, #tpu.memory_space<vmem>> -> memref<1x64x128xf32, #tpu.memory_space<vmem>>
    %dma_wait3A_191 = tpu.memref_squeeze %dma_wait3A_190 : memref<1x64x128xf32, #tpu.memory_space<vmem>> -> memref<64x128xf32, #tpu.memory_space<vmem>>
    %dma_wait3A_192 = arith.constant 0 : i32
    %dma_wait3A_193 = tpu.memref_slice %arg10[%dma_wait3A_192] : memref<1024xi32, #tpu.memory_space<vmem>> -> memref<64xi32, #tpu.memory_space<vmem>>
    %dma_wait3A_194 = arith.constant 0 : i32
    %dma_wait3A_195 = arith.constant 0 : i32
    %dma_wait3A_196 = tpu.memref_slice %arg3[%dma_wait3A_194, %dma_wait3A_195] : memref<16384x128xf32, #tpu.memory_space<hbm>> -> memref<16384x128xf32, #tpu.memory_space<hbm>>
    %dma_wait3A_197 = tpu.memref_slice %arg13[%dma_wait3A_187] : memref<5x!tpu.dma_semaphore, #tpu.memory_space<semaphore_mem>> -> memref<1x!tpu.dma_semaphore, #tpu.memory_space<semaphore_mem>>
    %dma_wait3A_198 = tpu.memref_squeeze %dma_wait3A_197 : memref<1x!tpu.dma_semaphore, #tpu.memory_space<semaphore_mem>> -> memref<!tpu.dma_semaphore, #tpu.memory_space<semaphore_mem>>
    tpu.wait_indirect_dma semaphore(%dma_wait3A_198 : memref<!tpu.dma_semaphore, #tpu.memory_space<semaphore_mem>>) src(%dma_wait3A_196 : memref<16384x128xf32, #tpu.memory_space<hbm>>) dst(%dma_wait3A_191 : memref<64x128xf32, #tpu.memory_space<vmem>>)
    %add3A = arith.constant 0 : i32
    %add3A_199 = arith.addi %mul3A_19, %add3A : i32
    %dma_start3A_200 = arith.constant 0 : i32
    %dma_start3A_201 = arith.constant 0 : i32
    %dma_start3A_202 = arith.constant 0 : i32
    %dma_start3A_203 = arith.constant 0 : i32
    %dma_start3A_204 = tpu.memref_slice %arg11[%dma_start3A_200, %dma_start3A_202, %dma_start3A_203] : memref<5x64x128xf32, #tpu.memory_space<vmem>> -> memref<1x64x128xf32, #tpu.memory_space<vmem>>
    %dma_start3A_205 = tpu.memref_squeeze %dma_start3A_204 : memref<1x64x128xf32, #tpu.memory_space<vmem>> -> memref<64x128xf32, #tpu.memory_space<vmem>>
    %dma_start3A_206 = arith.constant 0 : i32
    %dma_start3A_207 = tpu.memref_slice %arg4[%add3A_199, %dma_start3A_206] : memref<16384x128xf32, #tpu.memory_space<hbm>> -> memref<64x128xf32, #tpu.memory_space<hbm>>
    %dma_start3A_208 = tpu.memref_slice %arg14[%dma_start3A_201] : memref<5x!tpu.dma_semaphore, #tpu.memory_space<semaphore_mem>> -> memref<1x!tpu.dma_semaphore, #tpu.memory_space<semaphore_mem>>
    %dma_start3A_209 = tpu.memref_squeeze %dma_start3A_208 : memref<1x!tpu.dma_semaphore, #tpu.memory_space<semaphore_mem>> -> memref<!tpu.dma_semaphore, #tpu.memory_space<semaphore_mem>>
    %dma_start3A_210 = arith.constant 0 : i32
    %dma_start3A_211 = tpu.memref_slice %arg4[%add3A_199, %dma_start3A_210] : memref<16384x128xf32, #tpu.memory_space<hbm>> -> memref<64x128xf32, #tpu.memory_space<hbm>>
    %dma_start3A_212 = arith.constant 0 : i32
    %dma_start3A_213 = arith.constant 0 : i32
    %dma_start3A_214 = tpu.memref_slice %arg11[%dma_start3A_200, %dma_start3A_212, %dma_start3A_213] : memref<5x64x128xf32, #tpu.memory_space<vmem>> -> memref<1x64x128xf32, #tpu.memory_space<vmem>>
    %dma_start3A_215 = tpu.memref_squeeze %dma_start3A_214 : memref<1x64x128xf32, #tpu.memory_space<vmem>> -> memref<64x128xf32, #tpu.memory_space<vmem>>
    tpu.enqueue_dma source(%dma_start3A_215 : memref<64x128xf32, #tpu.memory_space<vmem>>) target(%dma_start3A_211 : memref<64x128xf32, #tpu.memory_space<hbm>>) target_semaphore(%dma_start3A_209 : memref<!tpu.dma_semaphore, #tpu.memory_space<semaphore_mem>>)
    %dma_wait3A_216 = arith.constant 0 : i32
    %dma_wait3A_217 = arith.constant 0 : i32
    %dma_wait3A_218 = arith.constant 0 : i32
    %dma_wait3A_219 = arith.constant 0 : i32
    %dma_wait3A_220 = tpu.memref_slice %arg11[%dma_wait3A_216, %dma_wait3A_218, %dma_wait3A_219] : memref<5x64x128xf32, #tpu.memory_space<vmem>> -> memref<1x64x128xf32, #tpu.memory_space<vmem>>
    %dma_wait3A_221 = tpu.memref_squeeze %dma_wait3A_220 : memref<1x64x128xf32, #tpu.memory_space<vmem>> -> memref<64x128xf32, #tpu.memory_space<vmem>>
    %dma_wait3A_222 = arith.constant 0 : i32
    %dma_wait3A_223 = tpu.memref_slice %arg4[%add3A_199, %dma_wait3A_222] : memref<16384x128xf32, #tpu.memory_space<hbm>> -> memref<64x128xf32, #tpu.memory_space<hbm>>
    %dma_wait3A_224 = tpu.memref_slice %arg14[%dma_wait3A_217] : memref<5x!tpu.dma_semaphore, #tpu.memory_space<semaphore_mem>> -> memref<1x!tpu.dma_semaphore, #tpu.memory_space<semaphore_mem>>
    %dma_wait3A_225 = tpu.memref_squeeze %dma_wait3A_224 : memref<1x!tpu.dma_semaphore, #tpu.memory_space<semaphore_mem>> -> memref<!tpu.dma_semaphore, #tpu.memory_space<semaphore_mem>>
    %dma_wait3A_226 = arith.constant 0 : i32
    %dma_wait3A_227 = tpu.memref_slice %arg4[%add3A_199, %dma_wait3A_226] : memref<16384x128xf32, #tpu.memory_space<hbm>> -> memref<64x128xf32, #tpu.memory_space<hbm>>
    %dma_wait3A_228 = arith.constant 0 : i32
    %dma_wait3A_229 = arith.constant 0 : i32
    %dma_wait3A_230 = tpu.memref_slice %arg11[%dma_wait3A_216, %dma_wait3A_228, %dma_wait3A_229] : memref<5x64x128xf32, #tpu.memory_space<vmem>> -> memref<1x64x128xf32, #tpu.memory_space<vmem>>
    %dma_wait3A_231 = tpu.memref_squeeze %dma_wait3A_230 : memref<1x64x128xf32, #tpu.memory_space<vmem>> -> memref<64x128xf32, #tpu.memory_space<vmem>>
    tpu.wait_dma2 semaphore(%dma_wait3A_225 : memref<!tpu.dma_semaphore, #tpu.memory_space<semaphore_mem>>) src(%dma_wait3A_231 : memref<64x128xf32, #tpu.memory_space<vmem>>) dst(%dma_wait3A_227 : memref<64x128xf32, #tpu.memory_space<hbm>>)
    %dma_start3A_232 = arith.constant 0 : i32
    %dma_start3A_233 = arith.constant 0 : i32
    %dma_start3A_234 = arith.constant 0 : i32
    %dma_start3A_235 = arith.constant 0 : i32
    %dma_start3A_236 = tpu.memref_slice %arg11[%dma_start3A_232, %dma_start3A_234, %dma_start3A_235] : memref<5x64x128xf32, #tpu.memory_space<vmem>> -> memref<1x64x128xf32, #tpu.memory_space<vmem>>
    %dma_start3A_237 = tpu.memref_squeeze %dma_start3A_236 : memref<1x64x128xf32, #tpu.memory_space<vmem>> -> memref<64x128xf32, #tpu.memory_space<vmem>>
    %dma_start3A_238 = arith.constant 320 : i32
    %dma_start3A_239 = tpu.memref_slice %arg10[%dma_start3A_238] : memref<1024xi32, #tpu.memory_space<vmem>> -> memref<64xi32, #tpu.memory_space<vmem>>
    %dma_start3A_240 = arith.constant 0 : i32
    %dma_start3A_241 = arith.constant 0 : i32
    %dma_start3A_242 = tpu.memref_slice %arg3[%dma_start3A_240, %dma_start3A_241] : memref<16384x128xf32, #tpu.memory_space<hbm>> -> memref<16384x128xf32, #tpu.memory_space<hbm>>
    %dma_start3A_243 = tpu.memref_slice %arg13[%dma_start3A_233] : memref<5x!tpu.dma_semaphore, #tpu.memory_space<semaphore_mem>> -> memref<1x!tpu.dma_semaphore, #tpu.memory_space<semaphore_mem>>
    %dma_start3A_244 = tpu.memref_squeeze %dma_start3A_243 : memref<1x!tpu.dma_semaphore, #tpu.memory_space<semaphore_mem>> -> memref<!tpu.dma_semaphore, #tpu.memory_space<semaphore_mem>>
    tpu.enqueue_indirect_dma source(%dma_start3A_242 : memref<16384x128xf32, #tpu.memory_space<hbm>>) target(%dma_start3A_237 : memref<64x128xf32, #tpu.memory_space<vmem>>) offsets(%dma_start3A_239 : memref<64xi32, #tpu.memory_space<vmem>>) semaphore(%dma_start3A_244 : memref<!tpu.dma_semaphore, #tpu.memory_space<semaphore_mem>>)
    %dma_wait3A_245 = arith.constant 1 : i32
    %dma_wait3A_246 = arith.constant 1 : i32
    %dma_wait3A_247 = arith.constant 0 : i32
    %dma_wait3A_248 = arith.constant 0 : i32
    %dma_wait3A_249 = tpu.memref_slice %arg11[%dma_wait3A_245, %dma_wait3A_247, %dma_wait3A_248] : memref<5x64x128xf32, #tpu.memory_space<vmem>> -> memref<1x64x128xf32, #tpu.memory_space<vmem>>
    %dma_wait3A_250 = tpu.memref_squeeze %dma_wait3A_249 : memref<1x64x128xf32, #tpu.memory_space<vmem>> -> memref<64x128xf32, #tpu.memory_space<vmem>>
    %dma_wait3A_251 = arith.constant 64 : i32
    %dma_wait3A_252 = tpu.memref_slice %arg10[%dma_wait3A_251] : memref<1024xi32, #tpu.memory_space<vmem>> -> memref<64xi32, #tpu.memory_space<vmem>>
    %dma_wait3A_253 = arith.constant 0 : i32
    %dma_wait3A_254 = arith.constant 0 : i32
    %dma_wait3A_255 = tpu.memref_slice %arg3[%dma_wait3A_253, %dma_wait3A_254] : memref<16384x128xf32, #tpu.memory_space<hbm>> -> memref<16384x128xf32, #tpu.memory_space<hbm>>
    %dma_wait3A_256 = tpu.memref_slice %arg13[%dma_wait3A_246] : memref<5x!tpu.dma_semaphore, #tpu.memory_space<semaphore_mem>> -> memref<1x!tpu.dma_semaphore, #tpu.memory_space<semaphore_mem>>
    %dma_wait3A_257 = tpu.memref_squeeze %dma_wait3A_256 : memref<1x!tpu.dma_semaphore, #tpu.memory_space<semaphore_mem>> -> memref<!tpu.dma_semaphore, #tpu.memory_space<semaphore_mem>>
    tpu.wait_indirect_dma semaphore(%dma_wait3A_257 : memref<!tpu.dma_semaphore, #tpu.memory_space<semaphore_mem>>) src(%dma_wait3A_255 : memref<16384x128xf32, #tpu.memory_space<hbm>>) dst(%dma_wait3A_250 : memref<64x128xf32, #tpu.memory_space<vmem>>)
    %add3A_258 = arith.constant 64 : i32
    %add3A_259 = arith.addi %mul3A_19, %add3A_258 : i32
    %dma_start3A_260 = arith.constant 1 : i32
    %dma_start3A_261 = arith.constant 1 : i32
    %dma_start3A_262 = arith.constant 0 : i32
    %dma_start3A_263 = arith.constant 0 : i32
    %dma_start3A_264 = tpu.memref_slice %arg11[%dma_start3A_260, %dma_start3A_262, %dma_start3A_263] : memref<5x64x128xf32, #tpu.memory_space<vmem>> -> memref<1x64x128xf32, #tpu.memory_space<vmem>>
    %dma_start3A_265 = tpu.memref_squeeze %dma_start3A_264 : memref<1x64x128xf32, #tpu.memory_space<vmem>> -> memref<64x128xf32, #tpu.memory_space<vmem>>
    %dma_start3A_266 = arith.constant 0 : i32
    %dma_start3A_267 = tpu.memref_slice %arg4[%add3A_259, %dma_start3A_266] : memref<16384x128xf32, #tpu.memory_space<hbm>> -> memref<64x128xf32, #tpu.memory_space<hbm>>
    %dma_start3A_268 = tpu.memref_slice %arg14[%dma_start3A_261] : memref<5x!tpu.dma_semaphore, #tpu.memory_space<semaphore_mem>> -> memref<1x!tpu.dma_semaphore, #tpu.memory_space<semaphore_mem>>
    %dma_start3A_269 = tpu.memref_squeeze %dma_start3A_268 : memref<1x!tpu.dma_semaphore, #tpu.memory_space<semaphore_mem>> -> memref<!tpu.dma_semaphore, #tpu.memory_space<semaphore_mem>>
    %dma_start3A_270 = arith.constant 0 : i32
    %dma_start3A_271 = tpu.memref_slice %arg4[%add3A_259, %dma_start3A_270] : memref<16384x128xf32, #tpu.memory_space<hbm>> -> memref<64x128xf32, #tpu.memory_space<hbm>>
    %dma_start3A_272 = arith.constant 0 : i32
    %dma_start3A_273 = arith.constant 0 : i32
    %dma_start3A_274 = tpu.memref_slice %arg11[%dma_start3A_260, %dma_start3A_272, %dma_start3A_273] : memref<5x64x128xf32, #tpu.memory_space<vmem>> -> memref<1x64x128xf32, #tpu.memory_space<vmem>>
    %dma_start3A_275 = tpu.memref_squeeze %dma_start3A_274 : memref<1x64x128xf32, #tpu.memory_space<vmem>> -> memref<64x128xf32, #tpu.memory_space<vmem>>
    tpu.enqueue_dma source(%dma_start3A_275 : memref<64x128xf32, #tpu.memory_space<vmem>>) target(%dma_start3A_271 : memref<64x128xf32, #tpu.memory_space<hbm>>) target_semaphore(%dma_start3A_269 : memref<!tpu.dma_semaphore, #tpu.memory_space<semaphore_mem>>)
    %dma_wait3A_276 = arith.constant 1 : i32
    %dma_wait3A_277 = arith.constant 1 : i32
    %dma_wait3A_278 = arith.constant 0 : i32
    %dma_wait3A_279 = arith.constant 0 : i32
    %dma_wait3A_280 = tpu.memref_slice %arg11[%dma_wait3A_276, %dma_wait3A_278, %dma_wait3A_279] : memref<5x64x128xf32, #tpu.memory_space<vmem>> -> memref<1x64x128xf32, #tpu.memory_space<vmem>>
    %dma_wait3A_281 = tpu.memref_squeeze %dma_wait3A_280 : memref<1x64x128xf32, #tpu.memory_space<vmem>> -> memref<64x128xf32, #tpu.memory_space<vmem>>
    %dma_wait3A_282 = arith.constant 0 : i32
    %dma_wait3A_283 = tpu.memref_slice %arg4[%add3A_259, %dma_wait3A_282] : memref<16384x128xf32, #tpu.memory_space<hbm>> -> memref<64x128xf32, #tpu.memory_space<hbm>>
    %dma_wait3A_284 = tpu.memref_slice %arg14[%dma_wait3A_277] : memref<5x!tpu.dma_semaphore, #tpu.memory_space<semaphore_mem>> -> memref<1x!tpu.dma_semaphore, #tpu.memory_space<semaphore_mem>>
    %dma_wait3A_285 = tpu.memref_squeeze %dma_wait3A_284 : memref<1x!tpu.dma_semaphore, #tpu.memory_space<semaphore_mem>> -> memref<!tpu.dma_semaphore, #tpu.memory_space<semaphore_mem>>
    %dma_wait3A_286 = arith.constant 0 : i32
    %dma_wait3A_287 = tpu.memref_slice %arg4[%add3A_259, %dma_wait3A_286] : memref<16384x128xf32, #tpu.memory_space<hbm>> -> memref<64x128xf32, #tpu.memory_space<hbm>>
    %dma_wait3A_288 = arith.constant 0 : i32
    %dma_wait3A_289 = arith.constant 0 : i32
    %dma_wait3A_290 = tpu.memref_slice %arg11[%dma_wait3A_276, %dma_wait3A_288, %dma_wait3A_289] : memref<5x64x128xf32, #tpu.memory_space<vmem>> -> memref<1x64x128xf32, #tpu.memory_space<vmem>>
    %dma_wait3A_291 = tpu.memref_squeeze %dma_wait3A_290 : memref<1x64x128xf32, #tpu.memory_space<vmem>> -> memref<64x128xf32, #tpu.memory_space<vmem>>
    tpu.wait_dma2 semaphore(%dma_wait3A_285 : memref<!tpu.dma_semaphore, #tpu.memory_space<semaphore_mem>>) src(%dma_wait3A_291 : memref<64x128xf32, #tpu.memory_space<vmem>>) dst(%dma_wait3A_287 : memref<64x128xf32, #tpu.memory_space<hbm>>)
    %dma_start3A_292 = arith.constant 1 : i32
    %dma_start3A_293 = arith.constant 1 : i32
    %dma_start3A_294 = arith.constant 0 : i32
    %dma_start3A_295 = arith.constant 0 : i32
    %dma_start3A_296 = tpu.memref_slice %arg11[%dma_start3A_292, %dma_start3A_294, %dma_start3A_295] : memref<5x64x128xf32, #tpu.memory_space<vmem>> -> memref<1x64x128xf32, #tpu.memory_space<vmem>>
    %dma_start3A_297 = tpu.memref_squeeze %dma_start3A_296 : memref<1x64x128xf32, #tpu.memory_space<vmem>> -> memref<64x128xf32, #tpu.memory_space<vmem>>
    %dma_start3A_298 = arith.constant 384 : i32
    %dma_start3A_299 = tpu.memref_slice %arg10[%dma_start3A_298] : memref<1024xi32, #tpu.memory_space<vmem>> -> memref<64xi32, #tpu.memory_space<vmem>>
    %dma_start3A_300 = arith.constant 0 : i32
    %dma_start3A_301 = arith.constant 0 : i32
    %dma_start3A_302 = tpu.memref_slice %arg3[%dma_start3A_300, %dma_start3A_301] : memref<16384x128xf32, #tpu.memory_space<hbm>> -> memref<16384x128xf32, #tpu.memory_space<hbm>>
    %dma_start3A_303 = tpu.memref_slice %arg13[%dma_start3A_293] : memref<5x!tpu.dma_semaphore, #tpu.memory_space<semaphore_mem>> -> memref<1x!tpu.dma_semaphore, #tpu.memory_space<semaphore_mem>>
    %dma_start3A_304 = tpu.memref_squeeze %dma_start3A_303 : memref<1x!tpu.dma_semaphore, #tpu.memory_space<semaphore_mem>> -> memref<!tpu.dma_semaphore, #tpu.memory_space<semaphore_mem>>
    tpu.enqueue_indirect_dma source(%dma_start3A_302 : memref<16384x128xf32, #tpu.memory_space<hbm>>) target(%dma_start3A_297 : memref<64x128xf32, #tpu.memory_space<vmem>>) offsets(%dma_start3A_299 : memref<64xi32, #tpu.memory_space<vmem>>) semaphore(%dma_start3A_304 : memref<!tpu.dma_semaphore, #tpu.memory_space<semaphore_mem>>)
    %dma_wait3A_305 = arith.constant 2 : i32
    %dma_wait3A_306 = arith.constant 2 : i32
    %dma_wait3A_307 = arith.constant 0 : i32
    %dma_wait3A_308 = arith.constant 0 : i32
    %dma_wait3A_309 = tpu.memref_slice %arg11[%dma_wait3A_305, %dma_wait3A_307, %dma_wait3A_308] : memref<5x64x128xf32, #tpu.memory_space<vmem>> -> memref<1x64x128xf32, #tpu.memory_space<vmem>>
    %dma_wait3A_310 = tpu.memref_squeeze %dma_wait3A_309 : memref<1x64x128xf32, #tpu.memory_space<vmem>> -> memref<64x128xf32, #tpu.memory_space<vmem>>
    %dma_wait3A_311 = arith.constant 128 : i32
    %dma_wait3A_312 = tpu.memref_slice %arg10[%dma_wait3A_311] : memref<1024xi32, #tpu.memory_space<vmem>> -> memref<64xi32, #tpu.memory_space<vmem>>
    %dma_wait3A_313 = arith.constant 0 : i32
    %dma_wait3A_314 = arith.constant 0 : i32
    %dma_wait3A_315 = tpu.memref_slice %arg3[%dma_wait3A_313, %dma_wait3A_314] : memref<16384x128xf32, #tpu.memory_space<hbm>> -> memref<16384x128xf32, #tpu.memory_space<hbm>>
    %dma_wait3A_316 = tpu.memref_slice %arg13[%dma_wait3A_306] : memref<5x!tpu.dma_semaphore, #tpu.memory_space<semaphore_mem>> -> memref<1x!tpu.dma_semaphore, #tpu.memory_space<semaphore_mem>>
    %dma_wait3A_317 = tpu.memref_squeeze %dma_wait3A_316 : memref<1x!tpu.dma_semaphore, #tpu.memory_space<semaphore_mem>> -> memref<!tpu.dma_semaphore, #tpu.memory_space<semaphore_mem>>
    tpu.wait_indirect_dma semaphore(%dma_wait3A_317 : memref<!tpu.dma_semaphore, #tpu.memory_space<semaphore_mem>>) src(%dma_wait3A_315 : memref<16384x128xf32, #tpu.memory_space<hbm>>) dst(%dma_wait3A_310 : memref<64x128xf32, #tpu.memory_space<vmem>>)
    %add3A_318 = arith.constant 128 : i32
    %add3A_319 = arith.addi %mul3A_19, %add3A_318 : i32
    %dma_start3A_320 = arith.constant 2 : i32
    %dma_start3A_321 = arith.constant 2 : i32
    %dma_start3A_322 = arith.constant 0 : i32
    %dma_start3A_323 = arith.constant 0 : i32
    %dma_start3A_324 = tpu.memref_slice %arg11[%dma_start3A_320, %dma_start3A_322, %dma_start3A_323] : memref<5x64x128xf32, #tpu.memory_space<vmem>> -> memref<1x64x128xf32, #tpu.memory_space<vmem>>
    %dma_start3A_325 = tpu.memref_squeeze %dma_start3A_324 : memref<1x64x128xf32, #tpu.memory_space<vmem>> -> memref<64x128xf32, #tpu.memory_space<vmem>>
    %dma_start3A_326 = arith.constant 0 : i32
    %dma_start3A_327 = tpu.memref_slice %arg4[%add3A_319, %dma_start3A_326] : memref<16384x128xf32, #tpu.memory_space<hbm>> -> memref<64x128xf32, #tpu.memory_space<hbm>>
    %dma_start3A_328 = tpu.memref_slice %arg14[%dma_start3A_321] : memref<5x!tpu.dma_semaphore, #tpu.memory_space<semaphore_mem>> -> memref<1x!tpu.dma_semaphore, #tpu.memory_space<semaphore_mem>>
    %dma_start3A_329 = tpu.memref_squeeze %dma_start3A_328 : memref<1x!tpu.dma_semaphore, #tpu.memory_space<semaphore_mem>> -> memref<!tpu.dma_semaphore, #tpu.memory_space<semaphore_mem>>
    %dma_start3A_330 = arith.constant 0 : i32
    %dma_start3A_331 = tpu.memref_slice %arg4[%add3A_319, %dma_start3A_330] : memref<16384x128xf32, #tpu.memory_space<hbm>> -> memref<64x128xf32, #tpu.memory_space<hbm>>
    %dma_start3A_332 = arith.constant 0 : i32
    %dma_start3A_333 = arith.constant 0 : i32
    %dma_start3A_334 = tpu.memref_slice %arg11[%dma_start3A_320, %dma_start3A_332, %dma_start3A_333] : memref<5x64x128xf32, #tpu.memory_space<vmem>> -> memref<1x64x128xf32, #tpu.memory_space<vmem>>
    %dma_start3A_335 = tpu.memref_squeeze %dma_start3A_334 : memref<1x64x128xf32, #tpu.memory_space<vmem>> -> memref<64x128xf32, #tpu.memory_space<vmem>>
    tpu.enqueue_dma source(%dma_start3A_335 : memref<64x128xf32, #tpu.memory_space<vmem>>) target(%dma_start3A_331 : memref<64x128xf32, #tpu.memory_space<hbm>>) target_semaphore(%dma_start3A_329 : memref<!tpu.dma_semaphore, #tpu.memory_space<semaphore_mem>>)
    %dma_wait3A_336 = arith.constant 2 : i32
    %dma_wait3A_337 = arith.constant 2 : i32
    %dma_wait3A_338 = arith.constant 0 : i32
    %dma_wait3A_339 = arith.constant 0 : i32
    %dma_wait3A_340 = tpu.memref_slice %arg11[%dma_wait3A_336, %dma_wait3A_338, %dma_wait3A_339] : memref<5x64x128xf32, #tpu.memory_space<vmem>> -> memref<1x64x128xf32, #tpu.memory_space<vmem>>
    %dma_wait3A_341 = tpu.memref_squeeze %dma_wait3A_340 : memref<1x64x128xf32, #tpu.memory_space<vmem>> -> memref<64x128xf32, #tpu.memory_space<vmem>>
    %dma_wait3A_342 = arith.constant 0 : i32
    %dma_wait3A_343 = tpu.memref_slice %arg4[%add3A_319, %dma_wait3A_342] : memref<16384x128xf32, #tpu.memory_space<hbm>> -> memref<64x128xf32, #tpu.memory_space<hbm>>
    %dma_wait3A_344 = tpu.memref_slice %arg14[%dma_wait3A_337] : memref<5x!tpu.dma_semaphore, #tpu.memory_space<semaphore_mem>> -> memref<1x!tpu.dma_semaphore, #tpu.memory_space<semaphore_mem>>
    %dma_wait3A_345 = tpu.memref_squeeze %dma_wait3A_344 : memref<1x!tpu.dma_semaphore, #tpu.memory_space<semaphore_mem>> -> memref<!tpu.dma_semaphore, #tpu.memory_space<semaphore_mem>>
    %dma_wait3A_346 = arith.constant 0 : i32
    %dma_wait3A_347 = tpu.memref_slice %arg4[%add3A_319, %dma_wait3A_346] : memref<16384x128xf32, #tpu.memory_space<hbm>> -> memref<64x128xf32, #tpu.memory_space<hbm>>
    %dma_wait3A_348 = arith.constant 0 : i32
    %dma_wait3A_349 = arith.constant 0 : i32
    %dma_wait3A_350 = tpu.memref_slice %arg11[%dma_wait3A_336, %dma_wait3A_348, %dma_wait3A_349] : memref<5x64x128xf32, #tpu.memory_space<vmem>> -> memref<1x64x128xf32, #tpu.memory_space<vmem>>
    %dma_wait3A_351 = tpu.memref_squeeze %dma_wait3A_350 : memref<1x64x128xf32, #tpu.memory_space<vmem>> -> memref<64x128xf32, #tpu.memory_space<vmem>>
    tpu.wait_dma2 semaphore(%dma_wait3A_345 : memref<!tpu.dma_semaphore, #tpu.memory_space<semaphore_mem>>) src(%dma_wait3A_351 : memref<64x128xf32, #tpu.memory_space<vmem>>) dst(%dma_wait3A_347 : memref<64x128xf32, #tpu.memory_space<hbm>>)
    %dma_start3A_352 = arith.constant 2 : i32
    %dma_start3A_353 = arith.constant 2 : i32
    %dma_start3A_354 = arith.constant 0 : i32
    %dma_start3A_355 = arith.constant 0 : i32
    %dma_start3A_356 = tpu.memref_slice %arg11[%dma_start3A_352, %dma_start3A_354, %dma_start3A_355] : memref<5x64x128xf32, #tpu.memory_space<vmem>> -> memref<1x64x128xf32, #tpu.memory_space<vmem>>
    %dma_start3A_357 = tpu.memref_squeeze %dma_start3A_356 : memref<1x64x128xf32, #tpu.memory_space<vmem>> -> memref<64x128xf32, #tpu.memory_space<vmem>>
    %dma_start3A_358 = arith.constant 448 : i32
    %dma_start3A_359 = tpu.memref_slice %arg10[%dma_start3A_358] : memref<1024xi32, #tpu.memory_space<vmem>> -> memref<64xi32, #tpu.memory_space<vmem>>
    %dma_start3A_360 = arith.constant 0 : i32
    %dma_start3A_361 = arith.constant 0 : i32
    %dma_start3A_362 = tpu.memref_slice %arg3[%dma_start3A_360, %dma_start3A_361] : memref<16384x128xf32, #tpu.memory_space<hbm>> -> memref<16384x128xf32, #tpu.memory_space<hbm>>
    %dma_start3A_363 = tpu.memref_slice %arg13[%dma_start3A_353] : memref<5x!tpu.dma_semaphore, #tpu.memory_space<semaphore_mem>> -> memref<1x!tpu.dma_semaphore, #tpu.memory_space<semaphore_mem>>
    %dma_start3A_364 = tpu.memref_squeeze %dma_start3A_363 : memref<1x!tpu.dma_semaphore, #tpu.memory_space<semaphore_mem>> -> memref<!tpu.dma_semaphore, #tpu.memory_space<semaphore_mem>>
    tpu.enqueue_indirect_dma source(%dma_start3A_362 : memref<16384x128xf32, #tpu.memory_space<hbm>>) target(%dma_start3A_357 : memref<64x128xf32, #tpu.memory_space<vmem>>) offsets(%dma_start3A_359 : memref<64xi32, #tpu.memory_space<vmem>>) semaphore(%dma_start3A_364 : memref<!tpu.dma_semaphore, #tpu.memory_space<semaphore_mem>>)
    %dma_wait3A_365 = arith.constant 3 : i32
    %dma_wait3A_366 = arith.constant 3 : i32
    %dma_wait3A_367 = arith.constant 0 : i32
    %dma_wait3A_368 = arith.constant 0 : i32
    %dma_wait3A_369 = tpu.memref_slice %arg11[%dma_wait3A_365, %dma_wait3A_367, %dma_wait3A_368] : memref<5x64x128xf32, #tpu.memory_space<vmem>> -> memref<1x64x128xf32, #tpu.memory_space<vmem>>
    %dma_wait3A_370 = tpu.memref_squeeze %dma_wait3A_369 : memref<1x64x128xf32, #tpu.memory_space<vmem>> -> memref<64x128xf32, #tpu.memory_space<vmem>>
    %dma_wait3A_371 = arith.constant 192 : i32
    %dma_wait3A_372 = tpu.memref_slice %arg10[%dma_wait3A_371] : memref<1024xi32, #tpu.memory_space<vmem>> -> memref<64xi32, #tpu.memory_space<vmem>>
    %dma_wait3A_373 = arith.constant 0 : i32
    %dma_wait3A_374 = arith.constant 0 : i32
    %dma_wait3A_375 = tpu.memref_slice %arg3[%dma_wait3A_373, %dma_wait3A_374] : memref<16384x128xf32, #tpu.memory_space<hbm>> -> memref<16384x128xf32, #tpu.memory_space<hbm>>
    %dma_wait3A_376 = tpu.memref_slice %arg13[%dma_wait3A_366] : memref<5x!tpu.dma_semaphore, #tpu.memory_space<semaphore_mem>> -> memref<1x!tpu.dma_semaphore, #tpu.memory_space<semaphore_mem>>
    %dma_wait3A_377 = tpu.memref_squeeze %dma_wait3A_376 : memref<1x!tpu.dma_semaphore, #tpu.memory_space<semaphore_mem>> -> memref<!tpu.dma_semaphore, #tpu.memory_space<semaphore_mem>>
    tpu.wait_indirect_dma semaphore(%dma_wait3A_377 : memref<!tpu.dma_semaphore, #tpu.memory_space<semaphore_mem>>) src(%dma_wait3A_375 : memref<16384x128xf32, #tpu.memory_space<hbm>>) dst(%dma_wait3A_370 : memref<64x128xf32, #tpu.memory_space<vmem>>)
    %add3A_378 = arith.constant 192 : i32
    %add3A_379 = arith.addi %mul3A_19, %add3A_378 : i32
    %dma_start3A_380 = arith.constant 3 : i32
    %dma_start3A_381 = arith.constant 3 : i32
    %dma_start3A_382 = arith.constant 0 : i32
    %dma_start3A_383 = arith.constant 0 : i32
    %dma_start3A_384 = tpu.memref_slice %arg11[%dma_start3A_380, %dma_start3A_382, %dma_start3A_383] : memref<5x64x128xf32, #tpu.memory_space<vmem>> -> memref<1x64x128xf32, #tpu.memory_space<vmem>>
    %dma_start3A_385 = tpu.memref_squeeze %dma_start3A_384 : memref<1x64x128xf32, #tpu.memory_space<vmem>> -> memref<64x128xf32, #tpu.memory_space<vmem>>
    %dma_start3A_386 = arith.constant 0 : i32
    %dma_start3A_387 = tpu.memref_slice %arg4[%add3A_379, %dma_start3A_386] : memref<16384x128xf32, #tpu.memory_space<hbm>> -> memref<64x128xf32, #tpu.memory_space<hbm>>
    %dma_start3A_388 = tpu.memref_slice %arg14[%dma_start3A_381] : memref<5x!tpu.dma_semaphore, #tpu.memory_space<semaphore_mem>> -> memref<1x!tpu.dma_semaphore, #tpu.memory_space<semaphore_mem>>
    %dma_start3A_389 = tpu.memref_squeeze %dma_start3A_388 : memref<1x!tpu.dma_semaphore, #tpu.memory_space<semaphore_mem>> -> memref<!tpu.dma_semaphore, #tpu.memory_space<semaphore_mem>>
    %dma_start3A_390 = arith.constant 0 : i32
    %dma_start3A_391 = tpu.memref_slice %arg4[%add3A_379, %dma_start3A_390] : memref<16384x128xf32, #tpu.memory_space<hbm>> -> memref<64x128xf32, #tpu.memory_space<hbm>>
    %dma_start3A_392 = arith.constant 0 : i32
    %dma_start3A_393 = arith.constant 0 : i32
    %dma_start3A_394 = tpu.memref_slice %arg11[%dma_start3A_380, %dma_start3A_392, %dma_start3A_393] : memref<5x64x128xf32, #tpu.memory_space<vmem>> -> memref<1x64x128xf32, #tpu.memory_space<vmem>>
    %dma_start3A_395 = tpu.memref_squeeze %dma_start3A_394 : memref<1x64x128xf32, #tpu.memory_space<vmem>> -> memref<64x128xf32, #tpu.memory_space<vmem>>
    tpu.enqueue_dma source(%dma_start3A_395 : memref<64x128xf32, #tpu.memory_space<vmem>>) target(%dma_start3A_391 : memref<64x128xf32, #tpu.memory_space<hbm>>) target_semaphore(%dma_start3A_389 : memref<!tpu.dma_semaphore, #tpu.memory_space<semaphore_mem>>)
    %dma_wait3A_396 = arith.constant 3 : i32
    %dma_wait3A_397 = arith.constant 3 : i32
    %dma_wait3A_398 = arith.constant 0 : i32
    %dma_wait3A_399 = arith.constant 0 : i32
    %dma_wait3A_400 = tpu.memref_slice %arg11[%dma_wait3A_396, %dma_wait3A_398, %dma_wait3A_399] : memref<5x64x128xf32, #tpu.memory_space<vmem>> -> memref<1x64x128xf32, #tpu.memory_space<vmem>>
    %dma_wait3A_401 = tpu.memref_squeeze %dma_wait3A_400 : memref<1x64x128xf32, #tpu.memory_space<vmem>> -> memref<64x128xf32, #tpu.memory_space<vmem>>
    %dma_wait3A_402 = arith.constant 0 : i32
    %dma_wait3A_403 = tpu.memref_slice %arg4[%add3A_379, %dma_wait3A_402] : memref<16384x128xf32, #tpu.memory_space<hbm>> -> memref<64x128xf32, #tpu.memory_space<hbm>>
    %dma_wait3A_404 = tpu.memref_slice %arg14[%dma_wait3A_397] : memref<5x!tpu.dma_semaphore, #tpu.memory_space<semaphore_mem>> -> memref<1x!tpu.dma_semaphore, #tpu.memory_space<semaphore_mem>>
    %dma_wait3A_405 = tpu.memref_squeeze %dma_wait3A_404 : memref<1x!tpu.dma_semaphore, #tpu.memory_space<semaphore_mem>> -> memref<!tpu.dma_semaphore, #tpu.memory_space<semaphore_mem>>
    %dma_wait3A_406 = arith.constant 0 : i32
    %dma_wait3A_407 = tpu.memref_slice %arg4[%add3A_379, %dma_wait3A_406] : memref<16384x128xf32, #tpu.memory_space<hbm>> -> memref<64x128xf32, #tpu.memory_space<hbm>>
    %dma_wait3A_408 = arith.constant 0 : i32
    %dma_wait3A_409 = arith.constant 0 : i32
    %dma_wait3A_410 = tpu.memref_slice %arg11[%dma_wait3A_396, %dma_wait3A_408, %dma_wait3A_409] : memref<5x64x128xf32, #tpu.memory_space<vmem>> -> memref<1x64x128xf32, #tpu.memory_space<vmem>>
    %dma_wait3A_411 = tpu.memref_squeeze %dma_wait3A_410 : memref<1x64x128xf32, #tpu.memory_space<vmem>> -> memref<64x128xf32, #tpu.memory_space<vmem>>
    tpu.wait_dma2 semaphore(%dma_wait3A_405 : memref<!tpu.dma_semaphore, #tpu.memory_space<semaphore_mem>>) src(%dma_wait3A_411 : memref<64x128xf32, #tpu.memory_space<vmem>>) dst(%dma_wait3A_407 : memref<64x128xf32, #tpu.memory_space<hbm>>)
    %dma_start3A_412 = arith.constant 3 : i32
    %dma_start3A_413 = arith.constant 3 : i32
    %dma_start3A_414 = arith.constant 0 : i32
    %dma_start3A_415 = arith.constant 0 : i32
    %dma_start3A_416 = tpu.memref_slice %arg11[%dma_start3A_412, %dma_start3A_414, %dma_start3A_415] : memref<5x64x128xf32, #tpu.memory_space<vmem>> -> memref<1x64x128xf32, #tpu.memory_space<vmem>>
    %dma_start3A_417 = tpu.memref_squeeze %dma_start3A_416 : memref<1x64x128xf32, #tpu.memory_space<vmem>> -> memref<64x128xf32, #tpu.memory_space<vmem>>
    %dma_start3A_418 = arith.constant 512 : i32
    %dma_start3A_419 = tpu.memref_slice %arg10[%dma_start3A_418] : memref<1024xi32, #tpu.memory_space<vmem>> -> memref<64xi32, #tpu.memory_space<vmem>>
    %dma_start3A_420 = arith.constant 0 : i32
    %dma_start3A_421 = arith.constant 0 : i32
    %dma_start3A_422 = tpu.memref_slice %arg3[%dma_start3A_420, %dma_start3A_421] : memref<16384x128xf32, #tpu.memory_space<hbm>> -> memref<16384x128xf32, #tpu.memory_space<hbm>>
    %dma_start3A_423 = tpu.memref_slice %arg13[%dma_start3A_413] : memref<5x!tpu.dma_semaphore, #tpu.memory_space<semaphore_mem>> -> memref<1x!tpu.dma_semaphore, #tpu.memory_space<semaphore_mem>>
    %dma_start3A_424 = tpu.memref_squeeze %dma_start3A_423 : memref<1x!tpu.dma_semaphore, #tpu.memory_space<semaphore_mem>> -> memref<!tpu.dma_semaphore, #tpu.memory_space<semaphore_mem>>
    tpu.enqueue_indirect_dma source(%dma_start3A_422 : memref<16384x128xf32, #tpu.memory_space<hbm>>) target(%dma_start3A_417 : memref<64x128xf32, #tpu.memory_space<vmem>>) offsets(%dma_start3A_419 : memref<64xi32, #tpu.memory_space<vmem>>) semaphore(%dma_start3A_424 : memref<!tpu.dma_semaphore, #tpu.memory_space<semaphore_mem>>)
    %dma_wait3A_425 = arith.constant 4 : i32
    %dma_wait3A_426 = arith.constant 4 : i32
    %dma_wait3A_427 = arith.constant 0 : i32
    %dma_wait3A_428 = arith.constant 0 : i32
    %dma_wait3A_429 = tpu.memref_slice %arg11[%dma_wait3A_425, %dma_wait3A_427, %dma_wait3A_428] : memref<5x64x128xf32, #tpu.memory_space<vmem>> -> memref<1x64x128xf32, #tpu.memory_space<vmem>>
    %dma_wait3A_430 = tpu.memref_squeeze %dma_wait3A_429 : memref<1x64x128xf32, #tpu.memory_space<vmem>> -> memref<64x128xf32, #tpu.memory_space<vmem>>
    %dma_wait3A_431 = arith.constant 256 : i32
    %dma_wait3A_432 = tpu.memref_slice %arg10[%dma_wait3A_431] : memref<1024xi32, #tpu.memory_space<vmem>> -> memref<64xi32, #tpu.memory_space<vmem>>
    %dma_wait3A_433 = arith.constant 0 : i32
    %dma_wait3A_434 = arith.constant 0 : i32
    %dma_wait3A_435 = tpu.memref_slice %arg3[%dma_wait3A_433, %dma_wait3A_434] : memref<16384x128xf32, #tpu.memory_space<hbm>> -> memref<16384x128xf32, #tpu.memory_space<hbm>>
    %dma_wait3A_436 = tpu.memref_slice %arg13[%dma_wait3A_426] : memref<5x!tpu.dma_semaphore, #tpu.memory_space<semaphore_mem>> -> memref<1x!tpu.dma_semaphore, #tpu.memory_space<semaphore_mem>>
    %dma_wait3A_437 = tpu.memref_squeeze %dma_wait3A_436 : memref<1x!tpu.dma_semaphore, #tpu.memory_space<semaphore_mem>> -> memref<!tpu.dma_semaphore, #tpu.memory_space<semaphore_mem>>
    tpu.wait_indirect_dma semaphore(%dma_wait3A_437 : memref<!tpu.dma_semaphore, #tpu.memory_space<semaphore_mem>>) src(%dma_wait3A_435 : memref<16384x128xf32, #tpu.memory_space<hbm>>) dst(%dma_wait3A_430 : memref<64x128xf32, #tpu.memory_space<vmem>>)
    %add3A_438 = arith.constant 256 : i32
    %add3A_439 = arith.addi %mul3A_19, %add3A_438 : i32
    %dma_start3A_440 = arith.constant 4 : i32
    %dma_start3A_441 = arith.constant 4 : i32
    %dma_start3A_442 = arith.constant 0 : i32
    %dma_start3A_443 = arith.constant 0 : i32
    %dma_start3A_444 = tpu.memref_slice %arg11[%dma_start3A_440, %dma_start3A_442, %dma_start3A_443] : memref<5x64x128xf32, #tpu.memory_space<vmem>> -> memref<1x64x128xf32, #tpu.memory_space<vmem>>
    %dma_start3A_445 = tpu.memref_squeeze %dma_start3A_444 : memref<1x64x128xf32, #tpu.memory_space<vmem>> -> memref<64x128xf32, #tpu.memory_space<vmem>>
    %dma_start3A_446 = arith.constant 0 : i32
    %dma_start3A_447 = tpu.memref_slice %arg4[%add3A_439, %dma_start3A_446] : memref<16384x128xf32, #tpu.memory_space<hbm>> -> memref<64x128xf32, #tpu.memory_space<hbm>>
    %dma_start3A_448 = tpu.memref_slice %arg14[%dma_start3A_441] : memref<5x!tpu.dma_semaphore, #tpu.memory_space<semaphore_mem>> -> memref<1x!tpu.dma_semaphore, #tpu.memory_space<semaphore_mem>>
    %dma_start3A_449 = tpu.memref_squeeze %dma_start3A_448 : memref<1x!tpu.dma_semaphore, #tpu.memory_space<semaphore_mem>> -> memref<!tpu.dma_semaphore, #tpu.memory_space<semaphore_mem>>
    %dma_start3A_450 = arith.constant 0 : i32
    %dma_start3A_451 = tpu.memref_slice %arg4[%add3A_439, %dma_start3A_450] : memref<16384x128xf32, #tpu.memory_space<hbm>> -> memref<64x128xf32, #tpu.memory_space<hbm>>
    %dma_start3A_452 = arith.constant 0 : i32
    %dma_start3A_453 = arith.constant 0 : i32
    %dma_start3A_454 = tpu.memref_slice %arg11[%dma_start3A_440, %dma_start3A_452, %dma_start3A_453] : memref<5x64x128xf32, #tpu.memory_space<vmem>> -> memref<1x64x128xf32, #tpu.memory_space<vmem>>
    %dma_start3A_455 = tpu.memref_squeeze %dma_start3A_454 : memref<1x64x128xf32, #tpu.memory_space<vmem>> -> memref<64x128xf32, #tpu.memory_space<vmem>>
    tpu.enqueue_dma source(%dma_start3A_455 : memref<64x128xf32, #tpu.memory_space<vmem>>) target(%dma_start3A_451 : memref<64x128xf32, #tpu.memory_space<hbm>>) target_semaphore(%dma_start3A_449 : memref<!tpu.dma_semaphore, #tpu.memory_space<semaphore_mem>>)
    %dma_wait3A_456 = arith.constant 4 : i32
    %dma_wait3A_457 = arith.constant 4 : i32
    %dma_wait3A_458 = arith.constant 0 : i32
    %dma_wait3A_459 = arith.constant 0 : i32
    %dma_wait3A_460 = tpu.memref_slice %arg11[%dma_wait3A_456, %dma_wait3A_458, %dma_wait3A_459] : memref<5x64x128xf32, #tpu.memory_space<vmem>> -> memref<1x64x128xf32, #tpu.memory_space<vmem>>
    %dma_wait3A_461 = tpu.memref_squeeze %dma_wait3A_460 : memref<1x64x128xf32, #tpu.memory_space<vmem>> -> memref<64x128xf32, #tpu.memory_space<vmem>>
    %dma_wait3A_462 = arith.constant 0 : i32
    %dma_wait3A_463 = tpu.memref_slice %arg4[%add3A_439, %dma_wait3A_462] : memref<16384x128xf32, #tpu.memory_space<hbm>> -> memref<64x128xf32, #tpu.memory_space<hbm>>
    %dma_wait3A_464 = tpu.memref_slice %arg14[%dma_wait3A_457] : memref<5x!tpu.dma_semaphore, #tpu.memory_space<semaphore_mem>> -> memref<1x!tpu.dma_semaphore, #tpu.memory_space<semaphore_mem>>
    %dma_wait3A_465 = tpu.memref_squeeze %dma_wait3A_464 : memref<1x!tpu.dma_semaphore, #tpu.memory_space<semaphore_mem>> -> memref<!tpu.dma_semaphore, #tpu.memory_space<semaphore_mem>>
    %dma_wait3A_466 = arith.constant 0 : i32
    %dma_wait3A_467 = tpu.memref_slice %arg4[%add3A_439, %dma_wait3A_466] : memref<16384x128xf32, #tpu.memory_space<hbm>> -> memref<64x128xf32, #tpu.memory_space<hbm>>
    %dma_wait3A_468 = arith.constant 0 : i32
    %dma_wait3A_469 = arith.constant 0 : i32
    %dma_wait3A_470 = tpu.memref_slice %arg11[%dma_wait3A_456, %dma_wait3A_468, %dma_wait3A_469] : memref<5x64x128xf32, #tpu.memory_space<vmem>> -> memref<1x64x128xf32, #tpu.memory_space<vmem>>
    %dma_wait3A_471 = tpu.memref_squeeze %dma_wait3A_470 : memref<1x64x128xf32, #tpu.memory_space<vmem>> -> memref<64x128xf32, #tpu.memory_space<vmem>>
    tpu.wait_dma2 semaphore(%dma_wait3A_465 : memref<!tpu.dma_semaphore, #tpu.memory_space<semaphore_mem>>) src(%dma_wait3A_471 : memref<64x128xf32, #tpu.memory_space<vmem>>) dst(%dma_wait3A_467 : memref<64x128xf32, #tpu.memory_space<hbm>>)
    %dma_start3A_472 = arith.constant 4 : i32
    %dma_start3A_473 = arith.constant 4 : i32
    %dma_start3A_474 = arith.constant 0 : i32
    %dma_start3A_475 = arith.constant 0 : i32
    %dma_start3A_476 = tpu.memref_slice %arg11[%dma_start3A_472, %dma_start3A_474, %dma_start3A_475] : memref<5x64x128xf32, #tpu.memory_space<vmem>> -> memref<1x64x128xf32, #tpu.memory_space<vmem>>
    %dma_start3A_477 = tpu.memref_squeeze %dma_start3A_476 : memref<1x64x128xf32, #tpu.memory_space<vmem>> -> memref<64x128xf32, #tpu.memory_space<vmem>>
    %dma_start3A_478 = arith.constant 576 : i32
    %dma_start3A_479 = tpu.memref_slice %arg10[%dma_start3A_478] : memref<1024xi32, #tpu.memory_space<vmem>> -> memref<64xi32, #tpu.memory_space<vmem>>
    %dma_start3A_480 = arith.constant 0 : i32
    %dma_start3A_481 = arith.constant 0 : i32
    %dma_start3A_482 = tpu.memref_slice %arg3[%dma_start3A_480, %dma_start3A_481] : memref<16384x128xf32, #tpu.memory_space<hbm>> -> memref<16384x128xf32, #tpu.memory_space<hbm>>
    %dma_start3A_483 = tpu.memref_slice %arg13[%dma_start3A_473] : memref<5x!tpu.dma_semaphore, #tpu.memory_space<semaphore_mem>> -> memref<1x!tpu.dma_semaphore, #tpu.memory_space<semaphore_mem>>
    %dma_start3A_484 = tpu.memref_squeeze %dma_start3A_483 : memref<1x!tpu.dma_semaphore, #tpu.memory_space<semaphore_mem>> -> memref<!tpu.dma_semaphore, #tpu.memory_space<semaphore_mem>>
    tpu.enqueue_indirect_dma source(%dma_start3A_482 : memref<16384x128xf32, #tpu.memory_space<hbm>>) target(%dma_start3A_477 : memref<64x128xf32, #tpu.memory_space<vmem>>) offsets(%dma_start3A_479 : memref<64xi32, #tpu.memory_space<vmem>>) semaphore(%dma_start3A_484 : memref<!tpu.dma_semaphore, #tpu.memory_space<semaphore_mem>>)
    %dma_wait3A_485 = arith.constant 0 : i32
    %dma_wait3A_486 = arith.constant 0 : i32
    %dma_wait3A_487 = arith.constant 0 : i32
    %dma_wait3A_488 = arith.constant 0 : i32
    %dma_wait3A_489 = tpu.memref_slice %arg11[%dma_wait3A_485, %dma_wait3A_487, %dma_wait3A_488] : memref<5x64x128xf32, #tpu.memory_space<vmem>> -> memref<1x64x128xf32, #tpu.memory_space<vmem>>
    %dma_wait3A_490 = tpu.memref_squeeze %dma_wait3A_489 : memref<1x64x128xf32, #tpu.memory_space<vmem>> -> memref<64x128xf32, #tpu.memory_space<vmem>>
    %dma_wait3A_491 = arith.constant 320 : i32
    %dma_wait3A_492 = tpu.memref_slice %arg10[%dma_wait3A_491] : memref<1024xi32, #tpu.memory_space<vmem>> -> memref<64xi32, #tpu.memory_space<vmem>>
    %dma_wait3A_493 = arith.constant 0 : i32
    %dma_wait3A_494 = arith.constant 0 : i32
    %dma_wait3A_495 = tpu.memref_slice %arg3[%dma_wait3A_493, %dma_wait3A_494] : memref<16384x128xf32, #tpu.memory_space<hbm>> -> memref<16384x128xf32, #tpu.memory_space<hbm>>
    %dma_wait3A_496 = tpu.memref_slice %arg13[%dma_wait3A_486] : memref<5x!tpu.dma_semaphore, #tpu.memory_space<semaphore_mem>> -> memref<1x!tpu.dma_semaphore, #tpu.memory_space<semaphore_mem>>
    %dma_wait3A_497 = tpu.memref_squeeze %dma_wait3A_496 : memref<1x!tpu.dma_semaphore, #tpu.memory_space<semaphore_mem>> -> memref<!tpu.dma_semaphore, #tpu.memory_space<semaphore_mem>>
    tpu.wait_indirect_dma semaphore(%dma_wait3A_497 : memref<!tpu.dma_semaphore, #tpu.memory_space<semaphore_mem>>) src(%dma_wait3A_495 : memref<16384x128xf32, #tpu.memory_space<hbm>>) dst(%dma_wait3A_490 : memref<64x128xf32, #tpu.memory_space<vmem>>)
    %add3A_498 = arith.constant 320 : i32
    %add3A_499 = arith.addi %mul3A_19, %add3A_498 : i32
    %dma_start3A_500 = arith.constant 0 : i32
    %dma_start3A_501 = arith.constant 0 : i32
    %dma_start3A_502 = arith.constant 0 : i32
    %dma_start3A_503 = arith.constant 0 : i32
    %dma_start3A_504 = tpu.memref_slice %arg11[%dma_start3A_500, %dma_start3A_502, %dma_start3A_503] : memref<5x64x128xf32, #tpu.memory_space<vmem>> -> memref<1x64x128xf32, #tpu.memory_space<vmem>>
    %dma_start3A_505 = tpu.memref_squeeze %dma_start3A_504 : memref<1x64x128xf32, #tpu.memory_space<vmem>> -> memref<64x128xf32, #tpu.memory_space<vmem>>
    %dma_start3A_506 = arith.constant 0 : i32
    %dma_start3A_507 = tpu.memref_slice %arg4[%add3A_499, %dma_start3A_506] : memref<16384x128xf32, #tpu.memory_space<hbm>> -> memref<64x128xf32, #tpu.memory_space<hbm>>
    %dma_start3A_508 = tpu.memref_slice %arg14[%dma_start3A_501] : memref<5x!tpu.dma_semaphore, #tpu.memory_space<semaphore_mem>> -> memref<1x!tpu.dma_semaphore, #tpu.memory_space<semaphore_mem>>
    %dma_start3A_509 = tpu.memref_squeeze %dma_start3A_508 : memref<1x!tpu.dma_semaphore, #tpu.memory_space<semaphore_mem>> -> memref<!tpu.dma_semaphore, #tpu.memory_space<semaphore_mem>>
    %dma_start3A_510 = arith.constant 0 : i32
    %dma_start3A_511 = tpu.memref_slice %arg4[%add3A_499, %dma_start3A_510] : memref<16384x128xf32, #tpu.memory_space<hbm>> -> memref<64x128xf32, #tpu.memory_space<hbm>>
    %dma_start3A_512 = arith.constant 0 : i32
    %dma_start3A_513 = arith.constant 0 : i32
    %dma_start3A_514 = tpu.memref_slice %arg11[%dma_start3A_500, %dma_start3A_512, %dma_start3A_513] : memref<5x64x128xf32, #tpu.memory_space<vmem>> -> memref<1x64x128xf32, #tpu.memory_space<vmem>>
    %dma_start3A_515 = tpu.memref_squeeze %dma_start3A_514 : memref<1x64x128xf32, #tpu.memory_space<vmem>> -> memref<64x128xf32, #tpu.memory_space<vmem>>
    tpu.enqueue_dma source(%dma_start3A_515 : memref<64x128xf32, #tpu.memory_space<vmem>>) target(%dma_start3A_511 : memref<64x128xf32, #tpu.memory_space<hbm>>) target_semaphore(%dma_start3A_509 : memref<!tpu.dma_semaphore, #tpu.memory_space<semaphore_mem>>)
    %dma_wait3A_516 = arith.constant 0 : i32
    %dma_wait3A_517 = arith.constant 0 : i32
    %dma_wait3A_518 = arith.constant 0 : i32
    %dma_wait3A_519 = arith.constant 0 : i32
    %dma_wait3A_520 = tpu.memref_slice %arg11[%dma_wait3A_516, %dma_wait3A_518, %dma_wait3A_519] : memref<5x64x128xf32, #tpu.memory_space<vmem>> -> memref<1x64x128xf32, #tpu.memory_space<vmem>>
    %dma_wait3A_521 = tpu.memref_squeeze %dma_wait3A_520 : memref<1x64x128xf32, #tpu.memory_space<vmem>> -> memref<64x128xf32, #tpu.memory_space<vmem>>
    %dma_wait3A_522 = arith.constant 0 : i32
    %dma_wait3A_523 = tpu.memref_slice %arg4[%add3A_499, %dma_wait3A_522] : memref<16384x128xf32, #tpu.memory_space<hbm>> -> memref<64x128xf32, #tpu.memory_space<hbm>>
    %dma_wait3A_524 = tpu.memref_slice %arg14[%dma_wait3A_517] : memref<5x!tpu.dma_semaphore, #tpu.memory_space<semaphore_mem>> -> memref<1x!tpu.dma_semaphore, #tpu.memory_space<semaphore_mem>>
    %dma_wait3A_525 = tpu.memref_squeeze %dma_wait3A_524 : memref<1x!tpu.dma_semaphore, #tpu.memory_space<semaphore_mem>> -> memref<!tpu.dma_semaphore, #tpu.memory_space<semaphore_mem>>
    %dma_wait3A_526 = arith.constant 0 : i32
    %dma_wait3A_527 = tpu.memref_slice %arg4[%add3A_499, %dma_wait3A_526] : memref<16384x128xf32, #tpu.memory_space<hbm>> -> memref<64x128xf32, #tpu.memory_space<hbm>>
    %dma_wait3A_528 = arith.constant 0 : i32
    %dma_wait3A_529 = arith.constant 0 : i32
    %dma_wait3A_530 = tpu.memref_slice %arg11[%dma_wait3A_516, %dma_wait3A_528, %dma_wait3A_529] : memref<5x64x128xf32, #tpu.memory_space<vmem>> -> memref<1x64x128xf32, #tpu.memory_space<vmem>>
    %dma_wait3A_531 = tpu.memref_squeeze %dma_wait3A_530 : memref<1x64x128xf32, #tpu.memory_space<vmem>> -> memref<64x128xf32, #tpu.memory_space<vmem>>
    tpu.wait_dma2 semaphore(%dma_wait3A_525 : memref<!tpu.dma_semaphore, #tpu.memory_space<semaphore_mem>>) src(%dma_wait3A_531 : memref<64x128xf32, #tpu.memory_space<vmem>>) dst(%dma_wait3A_527 : memref<64x128xf32, #tpu.memory_space<hbm>>)
    %dma_start3A_532 = arith.constant 0 : i32
    %dma_start3A_533 = arith.constant 0 : i32
    %dma_start3A_534 = arith.constant 0 : i32
    %dma_start3A_535 = arith.constant 0 : i32
    %dma_start3A_536 = tpu.memref_slice %arg11[%dma_start3A_532, %dma_start3A_534, %dma_start3A_535] : memref<5x64x128xf32, #tpu.memory_space<vmem>> -> memref<1x64x128xf32, #tpu.memory_space<vmem>>
    %dma_start3A_537 = tpu.memref_squeeze %dma_start3A_536 : memref<1x64x128xf32, #tpu.memory_space<vmem>> -> memref<64x128xf32, #tpu.memory_space<vmem>>
    %dma_start3A_538 = arith.constant 640 : i32
    %dma_start3A_539 = tpu.memref_slice %arg10[%dma_start3A_538] : memref<1024xi32, #tpu.memory_space<vmem>> -> memref<64xi32, #tpu.memory_space<vmem>>
    %dma_start3A_540 = arith.constant 0 : i32
    %dma_start3A_541 = arith.constant 0 : i32
    %dma_start3A_542 = tpu.memref_slice %arg3[%dma_start3A_540, %dma_start3A_541] : memref<16384x128xf32, #tpu.memory_space<hbm>> -> memref<16384x128xf32, #tpu.memory_space<hbm>>
    %dma_start3A_543 = tpu.memref_slice %arg13[%dma_start3A_533] : memref<5x!tpu.dma_semaphore, #tpu.memory_space<semaphore_mem>> -> memref<1x!tpu.dma_semaphore, #tpu.memory_space<semaphore_mem>>
    %dma_start3A_544 = tpu.memref_squeeze %dma_start3A_543 : memref<1x!tpu.dma_semaphore, #tpu.memory_space<semaphore_mem>> -> memref<!tpu.dma_semaphore, #tpu.memory_space<semaphore_mem>>
    tpu.enqueue_indirect_dma source(%dma_start3A_542 : memref<16384x128xf32, #tpu.memory_space<hbm>>) target(%dma_start3A_537 : memref<64x128xf32, #tpu.memory_space<vmem>>) offsets(%dma_start3A_539 : memref<64xi32, #tpu.memory_space<vmem>>) semaphore(%dma_start3A_544 : memref<!tpu.dma_semaphore, #tpu.memory_space<semaphore_mem>>)
    %dma_wait3A_545 = arith.constant 1 : i32
    %dma_wait3A_546 = arith.constant 1 : i32
    %dma_wait3A_547 = arith.constant 0 : i32
    %dma_wait3A_548 = arith.constant 0 : i32
    %dma_wait3A_549 = tpu.memref_slice %arg11[%dma_wait3A_545, %dma_wait3A_547, %dma_wait3A_548] : memref<5x64x128xf32, #tpu.memory_space<vmem>> -> memref<1x64x128xf32, #tpu.memory_space<vmem>>
    %dma_wait3A_550 = tpu.memref_squeeze %dma_wait3A_549 : memref<1x64x128xf32, #tpu.memory_space<vmem>> -> memref<64x128xf32, #tpu.memory_space<vmem>>
    %dma_wait3A_551 = arith.constant 384 : i32
    %dma_wait3A_552 = tpu.memref_slice %arg10[%dma_wait3A_551] : memref<1024xi32, #tpu.memory_space<vmem>> -> memref<64xi32, #tpu.memory_space<vmem>>
    %dma_wait3A_553 = arith.constant 0 : i32
    %dma_wait3A_554 = arith.constant 0 : i32
    %dma_wait3A_555 = tpu.memref_slice %arg3[%dma_wait3A_553, %dma_wait3A_554] : memref<16384x128xf32, #tpu.memory_space<hbm>> -> memref<16384x128xf32, #tpu.memory_space<hbm>>
    %dma_wait3A_556 = tpu.memref_slice %arg13[%dma_wait3A_546] : memref<5x!tpu.dma_semaphore, #tpu.memory_space<semaphore_mem>> -> memref<1x!tpu.dma_semaphore, #tpu.memory_space<semaphore_mem>>
    %dma_wait3A_557 = tpu.memref_squeeze %dma_wait3A_556 : memref<1x!tpu.dma_semaphore, #tpu.memory_space<semaphore_mem>> -> memref<!tpu.dma_semaphore, #tpu.memory_space<semaphore_mem>>
    tpu.wait_indirect_dma semaphore(%dma_wait3A_557 : memref<!tpu.dma_semaphore, #tpu.memory_space<semaphore_mem>>) src(%dma_wait3A_555 : memref<16384x128xf32, #tpu.memory_space<hbm>>) dst(%dma_wait3A_550 : memref<64x128xf32, #tpu.memory_space<vmem>>)
    %add3A_558 = arith.constant 384 : i32
    %add3A_559 = arith.addi %mul3A_19, %add3A_558 : i32
    %dma_start3A_560 = arith.constant 1 : i32
    %dma_start3A_561 = arith.constant 1 : i32
    %dma_start3A_562 = arith.constant 0 : i32
    %dma_start3A_563 = arith.constant 0 : i32
    %dma_start3A_564 = tpu.memref_slice %arg11[%dma_start3A_560, %dma_start3A_562, %dma_start3A_563] : memref<5x64x128xf32, #tpu.memory_space<vmem>> -> memref<1x64x128xf32, #tpu.memory_space<vmem>>
    %dma_start3A_565 = tpu.memref_squeeze %dma_start3A_564 : memref<1x64x128xf32, #tpu.memory_space<vmem>> -> memref<64x128xf32, #tpu.memory_space<vmem>>
    %dma_start3A_566 = arith.constant 0 : i32
    %dma_start3A_567 = tpu.memref_slice %arg4[%add3A_559, %dma_start3A_566] : memref<16384x128xf32, #tpu.memory_space<hbm>> -> memref<64x128xf32, #tpu.memory_space<hbm>>
    %dma_start3A_568 = tpu.memref_slice %arg14[%dma_start3A_561] : memref<5x!tpu.dma_semaphore, #tpu.memory_space<semaphore_mem>> -> memref<1x!tpu.dma_semaphore, #tpu.memory_space<semaphore_mem>>
    %dma_start3A_569 = tpu.memref_squeeze %dma_start3A_568 : memref<1x!tpu.dma_semaphore, #tpu.memory_space<semaphore_mem>> -> memref<!tpu.dma_semaphore, #tpu.memory_space<semaphore_mem>>
    %dma_start3A_570 = arith.constant 0 : i32
    %dma_start3A_571 = tpu.memref_slice %arg4[%add3A_559, %dma_start3A_570] : memref<16384x128xf32, #tpu.memory_space<hbm>> -> memref<64x128xf32, #tpu.memory_space<hbm>>
    %dma_start3A_572 = arith.constant 0 : i32
    %dma_start3A_573 = arith.constant 0 : i32
    %dma_start3A_574 = tpu.memref_slice %arg11[%dma_start3A_560, %dma_start3A_572, %dma_start3A_573] : memref<5x64x128xf32, #tpu.memory_space<vmem>> -> memref<1x64x128xf32, #tpu.memory_space<vmem>>
    %dma_start3A_575 = tpu.memref_squeeze %dma_start3A_574 : memref<1x64x128xf32, #tpu.memory_space<vmem>> -> memref<64x128xf32, #tpu.memory_space<vmem>>
    tpu.enqueue_dma source(%dma_start3A_575 : memref<64x128xf32, #tpu.memory_space<vmem>>) target(%dma_start3A_571 : memref<64x128xf32, #tpu.memory_space<hbm>>) target_semaphore(%dma_start3A_569 : memref<!tpu.dma_semaphore, #tpu.memory_space<semaphore_mem>>)
    %dma_wait3A_576 = arith.constant 1 : i32
    %dma_wait3A_577 = arith.constant 1 : i32
    %dma_wait3A_578 = arith.constant 0 : i32
    %dma_wait3A_579 = arith.constant 0 : i32
    %dma_wait3A_580 = tpu.memref_slice %arg11[%dma_wait3A_576, %dma_wait3A_578, %dma_wait3A_579] : memref<5x64x128xf32, #tpu.memory_space<vmem>> -> memref<1x64x128xf32, #tpu.memory_space<vmem>>
    %dma_wait3A_581 = tpu.memref_squeeze %dma_wait3A_580 : memref<1x64x128xf32, #tpu.memory_space<vmem>> -> memref<64x128xf32, #tpu.memory_space<vmem>>
    %dma_wait3A_582 = arith.constant 0 : i32
    %dma_wait3A_583 = tpu.memref_slice %arg4[%add3A_559, %dma_wait3A_582] : memref<16384x128xf32, #tpu.memory_space<hbm>> -> memref<64x128xf32, #tpu.memory_space<hbm>>
    %dma_wait3A_584 = tpu.memref_slice %arg14[%dma_wait3A_577] : memref<5x!tpu.dma_semaphore, #tpu.memory_space<semaphore_mem>> -> memref<1x!tpu.dma_semaphore, #tpu.memory_space<semaphore_mem>>
    %dma_wait3A_585 = tpu.memref_squeeze %dma_wait3A_584 : memref<1x!tpu.dma_semaphore, #tpu.memory_space<semaphore_mem>> -> memref<!tpu.dma_semaphore, #tpu.memory_space<semaphore_mem>>
    %dma_wait3A_586 = arith.constant 0 : i32
    %dma_wait3A_587 = tpu.memref_slice %arg4[%add3A_559, %dma_wait3A_586] : memref<16384x128xf32, #tpu.memory_space<hbm>> -> memref<64x128xf32, #tpu.memory_space<hbm>>
    %dma_wait3A_588 = arith.constant 0 : i32
    %dma_wait3A_589 = arith.constant 0 : i32
    %dma_wait3A_590 = tpu.memref_slice %arg11[%dma_wait3A_576, %dma_wait3A_588, %dma_wait3A_589] : memref<5x64x128xf32, #tpu.memory_space<vmem>> -> memref<1x64x128xf32, #tpu.memory_space<vmem>>
    %dma_wait3A_591 = tpu.memref_squeeze %dma_wait3A_590 : memref<1x64x128xf32, #tpu.memory_space<vmem>> -> memref<64x128xf32, #tpu.memory_space<vmem>>
    tpu.wait_dma2 semaphore(%dma_wait3A_585 : memref<!tpu.dma_semaphore, #tpu.memory_space<semaphore_mem>>) src(%dma_wait3A_591 : memref<64x128xf32, #tpu.memory_space<vmem>>) dst(%dma_wait3A_587 : memref<64x128xf32, #tpu.memory_space<hbm>>)
    %dma_start3A_592 = arith.constant 1 : i32
    %dma_start3A_593 = arith.constant 1 : i32
    %dma_start3A_594 = arith.constant 0 : i32
    %dma_start3A_595 = arith.constant 0 : i32
    %dma_start3A_596 = tpu.memref_slice %arg11[%dma_start3A_592, %dma_start3A_594, %dma_start3A_595] : memref<5x64x128xf32, #tpu.memory_space<vmem>> -> memref<1x64x128xf32, #tpu.memory_space<vmem>>
    %dma_start3A_597 = tpu.memref_squeeze %dma_start3A_596 : memref<1x64x128xf32, #tpu.memory_space<vmem>> -> memref<64x128xf32, #tpu.memory_space<vmem>>
    %dma_start3A_598 = arith.constant 704 : i32
    %dma_start3A_599 = tpu.memref_slice %arg10[%dma_start3A_598] : memref<1024xi32, #tpu.memory_space<vmem>> -> memref<64xi32, #tpu.memory_space<vmem>>
    %dma_start3A_600 = arith.constant 0 : i32
    %dma_start3A_601 = arith.constant 0 : i32
    %dma_start3A_602 = tpu.memref_slice %arg3[%dma_start3A_600, %dma_start3A_601] : memref<16384x128xf32, #tpu.memory_space<hbm>> -> memref<16384x128xf32, #tpu.memory_space<hbm>>
    %dma_start3A_603 = tpu.memref_slice %arg13[%dma_start3A_593] : memref<5x!tpu.dma_semaphore, #tpu.memory_space<semaphore_mem>> -> memref<1x!tpu.dma_semaphore, #tpu.memory_space<semaphore_mem>>
    %dma_start3A_604 = tpu.memref_squeeze %dma_start3A_603 : memref<1x!tpu.dma_semaphore, #tpu.memory_space<semaphore_mem>> -> memref<!tpu.dma_semaphore, #tpu.memory_space<semaphore_mem>>
    tpu.enqueue_indirect_dma source(%dma_start3A_602 : memref<16384x128xf32, #tpu.memory_space<hbm>>) target(%dma_start3A_597 : memref<64x128xf32, #tpu.memory_space<vmem>>) offsets(%dma_start3A_599 : memref<64xi32, #tpu.memory_space<vmem>>) semaphore(%dma_start3A_604 : memref<!tpu.dma_semaphore, #tpu.memory_space<semaphore_mem>>)
    %dma_wait3A_605 = arith.constant 2 : i32
    %dma_wait3A_606 = arith.constant 2 : i32
    %dma_wait3A_607 = arith.constant 0 : i32
    %dma_wait3A_608 = arith.constant 0 : i32
    %dma_wait3A_609 = tpu.memref_slice %arg11[%dma_wait3A_605, %dma_wait3A_607, %dma_wait3A_608] : memref<5x64x128xf32, #tpu.memory_space<vmem>> -> memref<1x64x128xf32, #tpu.memory_space<vmem>>
    %dma_wait3A_610 = tpu.memref_squeeze %dma_wait3A_609 : memref<1x64x128xf32, #tpu.memory_space<vmem>> -> memref<64x128xf32, #tpu.memory_space<vmem>>
    %dma_wait3A_611 = arith.constant 448 : i32
    %dma_wait3A_612 = tpu.memref_slice %arg10[%dma_wait3A_611] : memref<1024xi32, #tpu.memory_space<vmem>> -> memref<64xi32, #tpu.memory_space<vmem>>
    %dma_wait3A_613 = arith.constant 0 : i32
    %dma_wait3A_614 = arith.constant 0 : i32
    %dma_wait3A_615 = tpu.memref_slice %arg3[%dma_wait3A_613, %dma_wait3A_614] : memref<16384x128xf32, #tpu.memory_space<hbm>> -> memref<16384x128xf32, #tpu.memory_space<hbm>>
    %dma_wait3A_616 = tpu.memref_slice %arg13[%dma_wait3A_606] : memref<5x!tpu.dma_semaphore, #tpu.memory_space<semaphore_mem>> -> memref<1x!tpu.dma_semaphore, #tpu.memory_space<semaphore_mem>>
    %dma_wait3A_617 = tpu.memref_squeeze %dma_wait3A_616 : memref<1x!tpu.dma_semaphore, #tpu.memory_space<semaphore_mem>> -> memref<!tpu.dma_semaphore, #tpu.memory_space<semaphore_mem>>
    tpu.wait_indirect_dma semaphore(%dma_wait3A_617 : memref<!tpu.dma_semaphore, #tpu.memory_space<semaphore_mem>>) src(%dma_wait3A_615 : memref<16384x128xf32, #tpu.memory_space<hbm>>) dst(%dma_wait3A_610 : memref<64x128xf32, #tpu.memory_space<vmem>>)
    %add3A_618 = arith.constant 448 : i32
    %add3A_619 = arith.addi %mul3A_19, %add3A_618 : i32
    %dma_start3A_620 = arith.constant 2 : i32
    %dma_start3A_621 = arith.constant 2 : i32
    %dma_start3A_622 = arith.constant 0 : i32
    %dma_start3A_623 = arith.constant 0 : i32
    %dma_start3A_624 = tpu.memref_slice %arg11[%dma_start3A_620, %dma_start3A_622, %dma_start3A_623] : memref<5x64x128xf32, #tpu.memory_space<vmem>> -> memref<1x64x128xf32, #tpu.memory_space<vmem>>
    %dma_start3A_625 = tpu.memref_squeeze %dma_start3A_624 : memref<1x64x128xf32, #tpu.memory_space<vmem>> -> memref<64x128xf32, #tpu.memory_space<vmem>>
    %dma_start3A_626 = arith.constant 0 : i32
    %dma_start3A_627 = tpu.memref_slice %arg4[%add3A_619, %dma_start3A_626] : memref<16384x128xf32, #tpu.memory_space<hbm>> -> memref<64x128xf32, #tpu.memory_space<hbm>>
    %dma_start3A_628 = tpu.memref_slice %arg14[%dma_start3A_621] : memref<5x!tpu.dma_semaphore, #tpu.memory_space<semaphore_mem>> -> memref<1x!tpu.dma_semaphore, #tpu.memory_space<semaphore_mem>>
    %dma_start3A_629 = tpu.memref_squeeze %dma_start3A_628 : memref<1x!tpu.dma_semaphore, #tpu.memory_space<semaphore_mem>> -> memref<!tpu.dma_semaphore, #tpu.memory_space<semaphore_mem>>
    %dma_start3A_630 = arith.constant 0 : i32
    %dma_start3A_631 = tpu.memref_slice %arg4[%add3A_619, %dma_start3A_630] : memref<16384x128xf32, #tpu.memory_space<hbm>> -> memref<64x128xf32, #tpu.memory_space<hbm>>
    %dma_start3A_632 = arith.constant 0 : i32
    %dma_start3A_633 = arith.constant 0 : i32
    %dma_start3A_634 = tpu.memref_slice %arg11[%dma_start3A_620, %dma_start3A_632, %dma_start3A_633] : memref<5x64x128xf32, #tpu.memory_space<vmem>> -> memref<1x64x128xf32, #tpu.memory_space<vmem>>
    %dma_start3A_635 = tpu.memref_squeeze %dma_start3A_634 : memref<1x64x128xf32, #tpu.memory_space<vmem>> -> memref<64x128xf32, #tpu.memory_space<vmem>>
    tpu.enqueue_dma source(%dma_start3A_635 : memref<64x128xf32, #tpu.memory_space<vmem>>) target(%dma_start3A_631 : memref<64x128xf32, #tpu.memory_space<hbm>>) target_semaphore(%dma_start3A_629 : memref<!tpu.dma_semaphore, #tpu.memory_space<semaphore_mem>>)
    %dma_wait3A_636 = arith.constant 2 : i32
    %dma_wait3A_637 = arith.constant 2 : i32
    %dma_wait3A_638 = arith.constant 0 : i32
    %dma_wait3A_639 = arith.constant 0 : i32
    %dma_wait3A_640 = tpu.memref_slice %arg11[%dma_wait3A_636, %dma_wait3A_638, %dma_wait3A_639] : memref<5x64x128xf32, #tpu.memory_space<vmem>> -> memref<1x64x128xf32, #tpu.memory_space<vmem>>
    %dma_wait3A_641 = tpu.memref_squeeze %dma_wait3A_640 : memref<1x64x128xf32, #tpu.memory_space<vmem>> -> memref<64x128xf32, #tpu.memory_space<vmem>>
    %dma_wait3A_642 = arith.constant 0 : i32
    %dma_wait3A_643 = tpu.memref_slice %arg4[%add3A_619, %dma_wait3A_642] : memref<16384x128xf32, #tpu.memory_space<hbm>> -> memref<64x128xf32, #tpu.memory_space<hbm>>
    %dma_wait3A_644 = tpu.memref_slice %arg14[%dma_wait3A_637] : memref<5x!tpu.dma_semaphore, #tpu.memory_space<semaphore_mem>> -> memref<1x!tpu.dma_semaphore, #tpu.memory_space<semaphore_mem>>
    %dma_wait3A_645 = tpu.memref_squeeze %dma_wait3A_644 : memref<1x!tpu.dma_semaphore, #tpu.memory_space<semaphore_mem>> -> memref<!tpu.dma_semaphore, #tpu.memory_space<semaphore_mem>>
    %dma_wait3A_646 = arith.constant 0 : i32
    %dma_wait3A_647 = tpu.memref_slice %arg4[%add3A_619, %dma_wait3A_646] : memref<16384x128xf32, #tpu.memory_space<hbm>> -> memref<64x128xf32, #tpu.memory_space<hbm>>
    %dma_wait3A_648 = arith.constant 0 : i32
    %dma_wait3A_649 = arith.constant 0 : i32
    %dma_wait3A_650 = tpu.memref_slice %arg11[%dma_wait3A_636, %dma_wait3A_648, %dma_wait3A_649] : memref<5x64x128xf32, #tpu.memory_space<vmem>> -> memref<1x64x128xf32, #tpu.memory_space<vmem>>
    %dma_wait3A_651 = tpu.memref_squeeze %dma_wait3A_650 : memref<1x64x128xf32, #tpu.memory_space<vmem>> -> memref<64x128xf32, #tpu.memory_space<vmem>>
    tpu.wait_dma2 semaphore(%dma_wait3A_645 : memref<!tpu.dma_semaphore, #tpu.memory_space<semaphore_mem>>) src(%dma_wait3A_651 : memref<64x128xf32, #tpu.memory_space<vmem>>) dst(%dma_wait3A_647 : memref<64x128xf32, #tpu.memory_space<hbm>>)
    %dma_start3A_652 = arith.constant 2 : i32
    %dma_start3A_653 = arith.constant 2 : i32
    %dma_start3A_654 = arith.constant 0 : i32
    %dma_start3A_655 = arith.constant 0 : i32
    %dma_start3A_656 = tpu.memref_slice %arg11[%dma_start3A_652, %dma_start3A_654, %dma_start3A_655] : memref<5x64x128xf32, #tpu.memory_space<vmem>> -> memref<1x64x128xf32, #tpu.memory_space<vmem>>
    %dma_start3A_657 = tpu.memref_squeeze %dma_start3A_656 : memref<1x64x128xf32, #tpu.memory_space<vmem>> -> memref<64x128xf32, #tpu.memory_space<vmem>>
    %dma_start3A_658 = arith.constant 768 : i32
    %dma_start3A_659 = tpu.memref_slice %arg10[%dma_start3A_658] : memref<1024xi32, #tpu.memory_space<vmem>> -> memref<64xi32, #tpu.memory_space<vmem>>
    %dma_start3A_660 = arith.constant 0 : i32
    %dma_start3A_661 = arith.constant 0 : i32
    %dma_start3A_662 = tpu.memref_slice %arg3[%dma_start3A_660, %dma_start3A_661] : memref<16384x128xf32, #tpu.memory_space<hbm>> -> memref<16384x128xf32, #tpu.memory_space<hbm>>
    %dma_start3A_663 = tpu.memref_slice %arg13[%dma_start3A_653] : memref<5x!tpu.dma_semaphore, #tpu.memory_space<semaphore_mem>> -> memref<1x!tpu.dma_semaphore, #tpu.memory_space<semaphore_mem>>
    %dma_start3A_664 = tpu.memref_squeeze %dma_start3A_663 : memref<1x!tpu.dma_semaphore, #tpu.memory_space<semaphore_mem>> -> memref<!tpu.dma_semaphore, #tpu.memory_space<semaphore_mem>>
    tpu.enqueue_indirect_dma source(%dma_start3A_662 : memref<16384x128xf32, #tpu.memory_space<hbm>>) target(%dma_start3A_657 : memref<64x128xf32, #tpu.memory_space<vmem>>) offsets(%dma_start3A_659 : memref<64xi32, #tpu.memory_space<vmem>>) semaphore(%dma_start3A_664 : memref<!tpu.dma_semaphore, #tpu.memory_space<semaphore_mem>>)
    %dma_wait3A_665 = arith.constant 3 : i32
    %dma_wait3A_666 = arith.constant 3 : i32
    %dma_wait3A_667 = arith.constant 0 : i32
    %dma_wait3A_668 = arith.constant 0 : i32
    %dma_wait3A_669 = tpu.memref_slice %arg11[%dma_wait3A_665, %dma_wait3A_667, %dma_wait3A_668] : memref<5x64x128xf32, #tpu.memory_space<vmem>> -> memref<1x64x128xf32, #tpu.memory_space<vmem>>
    %dma_wait3A_670 = tpu.memref_squeeze %dma_wait3A_669 : memref<1x64x128xf32, #tpu.memory_space<vmem>> -> memref<64x128xf32, #tpu.memory_space<vmem>>
    %dma_wait3A_671 = arith.constant 512 : i32
    %dma_wait3A_672 = tpu.memref_slice %arg10[%dma_wait3A_671] : memref<1024xi32, #tpu.memory_space<vmem>> -> memref<64xi32, #tpu.memory_space<vmem>>
    %dma_wait3A_673 = arith.constant 0 : i32
    %dma_wait3A_674 = arith.constant 0 : i32
    %dma_wait3A_675 = tpu.memref_slice %arg3[%dma_wait3A_673, %dma_wait3A_674] : memref<16384x128xf32, #tpu.memory_space<hbm>> -> memref<16384x128xf32, #tpu.memory_space<hbm>>
    %dma_wait3A_676 = tpu.memref_slice %arg13[%dma_wait3A_666] : memref<5x!tpu.dma_semaphore, #tpu.memory_space<semaphore_mem>> -> memref<1x!tpu.dma_semaphore, #tpu.memory_space<semaphore_mem>>
    %dma_wait3A_677 = tpu.memref_squeeze %dma_wait3A_676 : memref<1x!tpu.dma_semaphore, #tpu.memory_space<semaphore_mem>> -> memref<!tpu.dma_semaphore, #tpu.memory_space<semaphore_mem>>
    tpu.wait_indirect_dma semaphore(%dma_wait3A_677 : memref<!tpu.dma_semaphore, #tpu.memory_space<semaphore_mem>>) src(%dma_wait3A_675 : memref<16384x128xf32, #tpu.memory_space<hbm>>) dst(%dma_wait3A_670 : memref<64x128xf32, #tpu.memory_space<vmem>>)
    %add3A_678 = arith.constant 512 : i32
    %add3A_679 = arith.addi %mul3A_19, %add3A_678 : i32
    %dma_start3A_680 = arith.constant 3 : i32
    %dma_start3A_681 = arith.constant 3 : i32
    %dma_start3A_682 = arith.constant 0 : i32
    %dma_start3A_683 = arith.constant 0 : i32
    %dma_start3A_684 = tpu.memref_slice %arg11[%dma_start3A_680, %dma_start3A_682, %dma_start3A_683] : memref<5x64x128xf32, #tpu.memory_space<vmem>> -> memref<1x64x128xf32, #tpu.memory_space<vmem>>
    %dma_start3A_685 = tpu.memref_squeeze %dma_start3A_684 : memref<1x64x128xf32, #tpu.memory_space<vmem>> -> memref<64x128xf32, #tpu.memory_space<vmem>>
    %dma_start3A_686 = arith.constant 0 : i32
    %dma_start3A_687 = tpu.memref_slice %arg4[%add3A_679, %dma_start3A_686] : memref<16384x128xf32, #tpu.memory_space<hbm>> -> memref<64x128xf32, #tpu.memory_space<hbm>>
    %dma_start3A_688 = tpu.memref_slice %arg14[%dma_start3A_681] : memref<5x!tpu.dma_semaphore, #tpu.memory_space<semaphore_mem>> -> memref<1x!tpu.dma_semaphore, #tpu.memory_space<semaphore_mem>>
    %dma_start3A_689 = tpu.memref_squeeze %dma_start3A_688 : memref<1x!tpu.dma_semaphore, #tpu.memory_space<semaphore_mem>> -> memref<!tpu.dma_semaphore, #tpu.memory_space<semaphore_mem>>
    %dma_start3A_690 = arith.constant 0 : i32
    %dma_start3A_691 = tpu.memref_slice %arg4[%add3A_679, %dma_start3A_690] : memref<16384x128xf32, #tpu.memory_space<hbm>> -> memref<64x128xf32, #tpu.memory_space<hbm>>
    %dma_start3A_692 = arith.constant 0 : i32
    %dma_start3A_693 = arith.constant 0 : i32
    %dma_start3A_694 = tpu.memref_slice %arg11[%dma_start3A_680, %dma_start3A_692, %dma_start3A_693] : memref<5x64x128xf32, #tpu.memory_space<vmem>> -> memref<1x64x128xf32, #tpu.memory_space<vmem>>
    %dma_start3A_695 = tpu.memref_squeeze %dma_start3A_694 : memref<1x64x128xf32, #tpu.memory_space<vmem>> -> memref<64x128xf32, #tpu.memory_space<vmem>>
    tpu.enqueue_dma source(%dma_start3A_695 : memref<64x128xf32, #tpu.memory_space<vmem>>) target(%dma_start3A_691 : memref<64x128xf32, #tpu.memory_space<hbm>>) target_semaphore(%dma_start3A_689 : memref<!tpu.dma_semaphore, #tpu.memory_space<semaphore_mem>>)
    %dma_wait3A_696 = arith.constant 3 : i32
    %dma_wait3A_697 = arith.constant 3 : i32
    %dma_wait3A_698 = arith.constant 0 : i32
    %dma_wait3A_699 = arith.constant 0 : i32
    %dma_wait3A_700 = tpu.memref_slice %arg11[%dma_wait3A_696, %dma_wait3A_698, %dma_wait3A_699] : memref<5x64x128xf32, #tpu.memory_space<vmem>> -> memref<1x64x128xf32, #tpu.memory_space<vmem>>
    %dma_wait3A_701 = tpu.memref_squeeze %dma_wait3A_700 : memref<1x64x128xf32, #tpu.memory_space<vmem>> -> memref<64x128xf32, #tpu.memory_space<vmem>>
    %dma_wait3A_702 = arith.constant 0 : i32
    %dma_wait3A_703 = tpu.memref_slice %arg4[%add3A_679, %dma_wait3A_702] : memref<16384x128xf32, #tpu.memory_space<hbm>> -> memref<64x128xf32, #tpu.memory_space<hbm>>
    %dma_wait3A_704 = tpu.memref_slice %arg14[%dma_wait3A_697] : memref<5x!tpu.dma_semaphore, #tpu.memory_space<semaphore_mem>> -> memref<1x!tpu.dma_semaphore, #tpu.memory_space<semaphore_mem>>
    %dma_wait3A_705 = tpu.memref_squeeze %dma_wait3A_704 : memref<1x!tpu.dma_semaphore, #tpu.memory_space<semaphore_mem>> -> memref<!tpu.dma_semaphore, #tpu.memory_space<semaphore_mem>>
    %dma_wait3A_706 = arith.constant 0 : i32
    %dma_wait3A_707 = tpu.memref_slice %arg4[%add3A_679, %dma_wait3A_706] : memref<16384x128xf32, #tpu.memory_space<hbm>> -> memref<64x128xf32, #tpu.memory_space<hbm>>
    %dma_wait3A_708 = arith.constant 0 : i32
    %dma_wait3A_709 = arith.constant 0 : i32
    %dma_wait3A_710 = tpu.memref_slice %arg11[%dma_wait3A_696, %dma_wait3A_708, %dma_wait3A_709] : memref<5x64x128xf32, #tpu.memory_space<vmem>> -> memref<1x64x128xf32, #tpu.memory_space<vmem>>
    %dma_wait3A_711 = tpu.memref_squeeze %dma_wait3A_710 : memref<1x64x128xf32, #tpu.memory_space<vmem>> -> memref<64x128xf32, #tpu.memory_space<vmem>>
    tpu.wait_dma2 semaphore(%dma_wait3A_705 : memref<!tpu.dma_semaphore, #tpu.memory_space<semaphore_mem>>) src(%dma_wait3A_711 : memref<64x128xf32, #tpu.memory_space<vmem>>) dst(%dma_wait3A_707 : memref<64x128xf32, #tpu.memory_space<hbm>>)
    %dma_start3A_712 = arith.constant 3 : i32
    %dma_start3A_713 = arith.constant 3 : i32
    %dma_start3A_714 = arith.constant 0 : i32
    %dma_start3A_715 = arith.constant 0 : i32
    %dma_start3A_716 = tpu.memref_slice %arg11[%dma_start3A_712, %dma_start3A_714, %dma_start3A_715] : memref<5x64x128xf32, #tpu.memory_space<vmem>> -> memref<1x64x128xf32, #tpu.memory_space<vmem>>
    %dma_start3A_717 = tpu.memref_squeeze %dma_start3A_716 : memref<1x64x128xf32, #tpu.memory_space<vmem>> -> memref<64x128xf32, #tpu.memory_space<vmem>>
    %dma_start3A_718 = arith.constant 832 : i32
    %dma_start3A_719 = tpu.memref_slice %arg10[%dma_start3A_718] : memref<1024xi32, #tpu.memory_space<vmem>> -> memref<64xi32, #tpu.memory_space<vmem>>
    %dma_start3A_720 = arith.constant 0 : i32
    %dma_start3A_721 = arith.constant 0 : i32
    %dma_start3A_722 = tpu.memref_slice %arg3[%dma_start3A_720, %dma_start3A_721] : memref<16384x128xf32, #tpu.memory_space<hbm>> -> memref<16384x128xf32, #tpu.memory_space<hbm>>
    %dma_start3A_723 = tpu.memref_slice %arg13[%dma_start3A_713] : memref<5x!tpu.dma_semaphore, #tpu.memory_space<semaphore_mem>> -> memref<1x!tpu.dma_semaphore, #tpu.memory_space<semaphore_mem>>
    %dma_start3A_724 = tpu.memref_squeeze %dma_start3A_723 : memref<1x!tpu.dma_semaphore, #tpu.memory_space<semaphore_mem>> -> memref<!tpu.dma_semaphore, #tpu.memory_space<semaphore_mem>>
    tpu.enqueue_indirect_dma source(%dma_start3A_722 : memref<16384x128xf32, #tpu.memory_space<hbm>>) target(%dma_start3A_717 : memref<64x128xf32, #tpu.memory_space<vmem>>) offsets(%dma_start3A_719 : memref<64xi32, #tpu.memory_space<vmem>>) semaphore(%dma_start3A_724 : memref<!tpu.dma_semaphore, #tpu.memory_space<semaphore_mem>>)
    %dma_wait3A_725 = arith.constant 4 : i32
    %dma_wait3A_726 = arith.constant 4 : i32
    %dma_wait3A_727 = arith.constant 0 : i32
    %dma_wait3A_728 = arith.constant 0 : i32
    %dma_wait3A_729 = tpu.memref_slice %arg11[%dma_wait3A_725, %dma_wait3A_727, %dma_wait3A_728] : memref<5x64x128xf32, #tpu.memory_space<vmem>> -> memref<1x64x128xf32, #tpu.memory_space<vmem>>
    %dma_wait3A_730 = tpu.memref_squeeze %dma_wait3A_729 : memref<1x64x128xf32, #tpu.memory_space<vmem>> -> memref<64x128xf32, #tpu.memory_space<vmem>>
    %dma_wait3A_731 = arith.constant 576 : i32
    %dma_wait3A_732 = tpu.memref_slice %arg10[%dma_wait3A_731] : memref<1024xi32, #tpu.memory_space<vmem>> -> memref<64xi32, #tpu.memory_space<vmem>>
    %dma_wait3A_733 = arith.constant 0 : i32
    %dma_wait3A_734 = arith.constant 0 : i32
    %dma_wait3A_735 = tpu.memref_slice %arg3[%dma_wait3A_733, %dma_wait3A_734] : memref<16384x128xf32, #tpu.memory_space<hbm>> -> memref<16384x128xf32, #tpu.memory_space<hbm>>
    %dma_wait3A_736 = tpu.memref_slice %arg13[%dma_wait3A_726] : memref<5x!tpu.dma_semaphore, #tpu.memory_space<semaphore_mem>> -> memref<1x!tpu.dma_semaphore, #tpu.memory_space<semaphore_mem>>
    %dma_wait3A_737 = tpu.memref_squeeze %dma_wait3A_736 : memref<1x!tpu.dma_semaphore, #tpu.memory_space<semaphore_mem>> -> memref<!tpu.dma_semaphore, #tpu.memory_space<semaphore_mem>>
    tpu.wait_indirect_dma semaphore(%dma_wait3A_737 : memref<!tpu.dma_semaphore, #tpu.memory_space<semaphore_mem>>) src(%dma_wait3A_735 : memref<16384x128xf32, #tpu.memory_space<hbm>>) dst(%dma_wait3A_730 : memref<64x128xf32, #tpu.memory_space<vmem>>)
    %add3A_738 = arith.constant 576 : i32
    %add3A_739 = arith.addi %mul3A_19, %add3A_738 : i32
    %dma_start3A_740 = arith.constant 4 : i32
    %dma_start3A_741 = arith.constant 4 : i32
    %dma_start3A_742 = arith.constant 0 : i32
    %dma_start3A_743 = arith.constant 0 : i32
    %dma_start3A_744 = tpu.memref_slice %arg11[%dma_start3A_740, %dma_start3A_742, %dma_start3A_743] : memref<5x64x128xf32, #tpu.memory_space<vmem>> -> memref<1x64x128xf32, #tpu.memory_space<vmem>>
    %dma_start3A_745 = tpu.memref_squeeze %dma_start3A_744 : memref<1x64x128xf32, #tpu.memory_space<vmem>> -> memref<64x128xf32, #tpu.memory_space<vmem>>
    %dma_start3A_746 = arith.constant 0 : i32
    %dma_start3A_747 = tpu.memref_slice %arg4[%add3A_739, %dma_start3A_746] : memref<16384x128xf32, #tpu.memory_space<hbm>> -> memref<64x128xf32, #tpu.memory_space<hbm>>
    %dma_start3A_748 = tpu.memref_slice %arg14[%dma_start3A_741] : memref<5x!tpu.dma_semaphore, #tpu.memory_space<semaphore_mem>> -> memref<1x!tpu.dma_semaphore, #tpu.memory_space<semaphore_mem>>
    %dma_start3A_749 = tpu.memref_squeeze %dma_start3A_748 : memref<1x!tpu.dma_semaphore, #tpu.memory_space<semaphore_mem>> -> memref<!tpu.dma_semaphore, #tpu.memory_space<semaphore_mem>>
    %dma_start3A_750 = arith.constant 0 : i32
    %dma_start3A_751 = tpu.memref_slice %arg4[%add3A_739, %dma_start3A_750] : memref<16384x128xf32, #tpu.memory_space<hbm>> -> memref<64x128xf32, #tpu.memory_space<hbm>>
    %dma_start3A_752 = arith.constant 0 : i32
    %dma_start3A_753 = arith.constant 0 : i32
    %dma_start3A_754 = tpu.memref_slice %arg11[%dma_start3A_740, %dma_start3A_752, %dma_start3A_753] : memref<5x64x128xf32, #tpu.memory_space<vmem>> -> memref<1x64x128xf32, #tpu.memory_space<vmem>>
    %dma_start3A_755 = tpu.memref_squeeze %dma_start3A_754 : memref<1x64x128xf32, #tpu.memory_space<vmem>> -> memref<64x128xf32, #tpu.memory_space<vmem>>
    tpu.enqueue_dma source(%dma_start3A_755 : memref<64x128xf32, #tpu.memory_space<vmem>>) target(%dma_start3A_751 : memref<64x128xf32, #tpu.memory_space<hbm>>) target_semaphore(%dma_start3A_749 : memref<!tpu.dma_semaphore, #tpu.memory_space<semaphore_mem>>)
    %dma_wait3A_756 = arith.constant 4 : i32
    %dma_wait3A_757 = arith.constant 4 : i32
    %dma_wait3A_758 = arith.constant 0 : i32
    %dma_wait3A_759 = arith.constant 0 : i32
    %dma_wait3A_760 = tpu.memref_slice %arg11[%dma_wait3A_756, %dma_wait3A_758, %dma_wait3A_759] : memref<5x64x128xf32, #tpu.memory_space<vmem>> -> memref<1x64x128xf32, #tpu.memory_space<vmem>>
    %dma_wait3A_761 = tpu.memref_squeeze %dma_wait3A_760 : memref<1x64x128xf32, #tpu.memory_space<vmem>> -> memref<64x128xf32, #tpu.memory_space<vmem>>
    %dma_wait3A_762 = arith.constant 0 : i32
    %dma_wait3A_763 = tpu.memref_slice %arg4[%add3A_739, %dma_wait3A_762] : memref<16384x128xf32, #tpu.memory_space<hbm>> -> memref<64x128xf32, #tpu.memory_space<hbm>>
    %dma_wait3A_764 = tpu.memref_slice %arg14[%dma_wait3A_757] : memref<5x!tpu.dma_semaphore, #tpu.memory_space<semaphore_mem>> -> memref<1x!tpu.dma_semaphore, #tpu.memory_space<semaphore_mem>>
    %dma_wait3A_765 = tpu.memref_squeeze %dma_wait3A_764 : memref<1x!tpu.dma_semaphore, #tpu.memory_space<semaphore_mem>> -> memref<!tpu.dma_semaphore, #tpu.memory_space<semaphore_mem>>
    %dma_wait3A_766 = arith.constant 0 : i32
    %dma_wait3A_767 = tpu.memref_slice %arg4[%add3A_739, %dma_wait3A_766] : memref<16384x128xf32, #tpu.memory_space<hbm>> -> memref<64x128xf32, #tpu.memory_space<hbm>>
    %dma_wait3A_768 = arith.constant 0 : i32
    %dma_wait3A_769 = arith.constant 0 : i32
    %dma_wait3A_770 = tpu.memref_slice %arg11[%dma_wait3A_756, %dma_wait3A_768, %dma_wait3A_769] : memref<5x64x128xf32, #tpu.memory_space<vmem>> -> memref<1x64x128xf32, #tpu.memory_space<vmem>>
    %dma_wait3A_771 = tpu.memref_squeeze %dma_wait3A_770 : memref<1x64x128xf32, #tpu.memory_space<vmem>> -> memref<64x128xf32, #tpu.memory_space<vmem>>
    tpu.wait_dma2 semaphore(%dma_wait3A_765 : memref<!tpu.dma_semaphore, #tpu.memory_space<semaphore_mem>>) src(%dma_wait3A_771 : memref<64x128xf32, #tpu.memory_space<vmem>>) dst(%dma_wait3A_767 : memref<64x128xf32, #tpu.memory_space<hbm>>)
    %dma_start3A_772 = arith.constant 4 : i32
    %dma_start3A_773 = arith.constant 4 : i32
    %dma_start3A_774 = arith.constant 0 : i32
    %dma_start3A_775 = arith.constant 0 : i32
    %dma_start3A_776 = tpu.memref_slice %arg11[%dma_start3A_772, %dma_start3A_774, %dma_start3A_775] : memref<5x64x128xf32, #tpu.memory_space<vmem>> -> memref<1x64x128xf32, #tpu.memory_space<vmem>>
    %dma_start3A_777 = tpu.memref_squeeze %dma_start3A_776 : memref<1x64x128xf32, #tpu.memory_space<vmem>> -> memref<64x128xf32, #tpu.memory_space<vmem>>
    %dma_start3A_778 = arith.constant 896 : i32
    %dma_start3A_779 = tpu.memref_slice %arg10[%dma_start3A_778] : memref<1024xi32, #tpu.memory_space<vmem>> -> memref<64xi32, #tpu.memory_space<vmem>>
    %dma_start3A_780 = arith.constant 0 : i32
    %dma_start3A_781 = arith.constant 0 : i32
    %dma_start3A_782 = tpu.memref_slice %arg3[%dma_start3A_780, %dma_start3A_781] : memref<16384x128xf32, #tpu.memory_space<hbm>> -> memref<16384x128xf32, #tpu.memory_space<hbm>>
    %dma_start3A_783 = tpu.memref_slice %arg13[%dma_start3A_773] : memref<5x!tpu.dma_semaphore, #tpu.memory_space<semaphore_mem>> -> memref<1x!tpu.dma_semaphore, #tpu.memory_space<semaphore_mem>>
    %dma_start3A_784 = tpu.memref_squeeze %dma_start3A_783 : memref<1x!tpu.dma_semaphore, #tpu.memory_space<semaphore_mem>> -> memref<!tpu.dma_semaphore, #tpu.memory_space<semaphore_mem>>
    tpu.enqueue_indirect_dma source(%dma_start3A_782 : memref<16384x128xf32, #tpu.memory_space<hbm>>) target(%dma_start3A_777 : memref<64x128xf32, #tpu.memory_space<vmem>>) offsets(%dma_start3A_779 : memref<64xi32, #tpu.memory_space<vmem>>) semaphore(%dma_start3A_784 : memref<!tpu.dma_semaphore, #tpu.memory_space<semaphore_mem>>)
    %dma_wait3A_785 = arith.constant 0 : i32
    %dma_wait3A_786 = arith.constant 0 : i32
    %dma_wait3A_787 = arith.constant 0 : i32
    %dma_wait3A_788 = arith.constant 0 : i32
    %dma_wait3A_789 = tpu.memref_slice %arg11[%dma_wait3A_785, %dma_wait3A_787, %dma_wait3A_788] : memref<5x64x128xf32, #tpu.memory_space<vmem>> -> memref<1x64x128xf32, #tpu.memory_space<vmem>>
    %dma_wait3A_790 = tpu.memref_squeeze %dma_wait3A_789 : memref<1x64x128xf32, #tpu.memory_space<vmem>> -> memref<64x128xf32, #tpu.memory_space<vmem>>
    %dma_wait3A_791 = arith.constant 640 : i32
    %dma_wait3A_792 = tpu.memref_slice %arg10[%dma_wait3A_791] : memref<1024xi32, #tpu.memory_space<vmem>> -> memref<64xi32, #tpu.memory_space<vmem>>
    %dma_wait3A_793 = arith.constant 0 : i32
    %dma_wait3A_794 = arith.constant 0 : i32
    %dma_wait3A_795 = tpu.memref_slice %arg3[%dma_wait3A_793, %dma_wait3A_794] : memref<16384x128xf32, #tpu.memory_space<hbm>> -> memref<16384x128xf32, #tpu.memory_space<hbm>>
    %dma_wait3A_796 = tpu.memref_slice %arg13[%dma_wait3A_786] : memref<5x!tpu.dma_semaphore, #tpu.memory_space<semaphore_mem>> -> memref<1x!tpu.dma_semaphore, #tpu.memory_space<semaphore_mem>>
    %dma_wait3A_797 = tpu.memref_squeeze %dma_wait3A_796 : memref<1x!tpu.dma_semaphore, #tpu.memory_space<semaphore_mem>> -> memref<!tpu.dma_semaphore, #tpu.memory_space<semaphore_mem>>
    tpu.wait_indirect_dma semaphore(%dma_wait3A_797 : memref<!tpu.dma_semaphore, #tpu.memory_space<semaphore_mem>>) src(%dma_wait3A_795 : memref<16384x128xf32, #tpu.memory_space<hbm>>) dst(%dma_wait3A_790 : memref<64x128xf32, #tpu.memory_space<vmem>>)
    %add3A_798 = arith.constant 640 : i32
    %add3A_799 = arith.addi %mul3A_19, %add3A_798 : i32
    %dma_start3A_800 = arith.constant 0 : i32
    %dma_start3A_801 = arith.constant 0 : i32
    %dma_start3A_802 = arith.constant 0 : i32
    %dma_start3A_803 = arith.constant 0 : i32
    %dma_start3A_804 = tpu.memref_slice %arg11[%dma_start3A_800, %dma_start3A_802, %dma_start3A_803] : memref<5x64x128xf32, #tpu.memory_space<vmem>> -> memref<1x64x128xf32, #tpu.memory_space<vmem>>
    %dma_start3A_805 = tpu.memref_squeeze %dma_start3A_804 : memref<1x64x128xf32, #tpu.memory_space<vmem>> -> memref<64x128xf32, #tpu.memory_space<vmem>>
    %dma_start3A_806 = arith.constant 0 : i32
    %dma_start3A_807 = tpu.memref_slice %arg4[%add3A_799, %dma_start3A_806] : memref<16384x128xf32, #tpu.memory_space<hbm>> -> memref<64x128xf32, #tpu.memory_space<hbm>>
    %dma_start3A_808 = tpu.memref_slice %arg14[%dma_start3A_801] : memref<5x!tpu.dma_semaphore, #tpu.memory_space<semaphore_mem>> -> memref<1x!tpu.dma_semaphore, #tpu.memory_space<semaphore_mem>>
    %dma_start3A_809 = tpu.memref_squeeze %dma_start3A_808 : memref<1x!tpu.dma_semaphore, #tpu.memory_space<semaphore_mem>> -> memref<!tpu.dma_semaphore, #tpu.memory_space<semaphore_mem>>
    %dma_start3A_810 = arith.constant 0 : i32
    %dma_start3A_811 = tpu.memref_slice %arg4[%add3A_799, %dma_start3A_810] : memref<16384x128xf32, #tpu.memory_space<hbm>> -> memref<64x128xf32, #tpu.memory_space<hbm>>
    %dma_start3A_812 = arith.constant 0 : i32
    %dma_start3A_813 = arith.constant 0 : i32
    %dma_start3A_814 = tpu.memref_slice %arg11[%dma_start3A_800, %dma_start3A_812, %dma_start3A_813] : memref<5x64x128xf32, #tpu.memory_space<vmem>> -> memref<1x64x128xf32, #tpu.memory_space<vmem>>
    %dma_start3A_815 = tpu.memref_squeeze %dma_start3A_814 : memref<1x64x128xf32, #tpu.memory_space<vmem>> -> memref<64x128xf32, #tpu.memory_space<vmem>>
    tpu.enqueue_dma source(%dma_start3A_815 : memref<64x128xf32, #tpu.memory_space<vmem>>) target(%dma_start3A_811 : memref<64x128xf32, #tpu.memory_space<hbm>>) target_semaphore(%dma_start3A_809 : memref<!tpu.dma_semaphore, #tpu.memory_space<semaphore_mem>>)
    %dma_wait3A_816 = arith.constant 0 : i32
    %dma_wait3A_817 = arith.constant 0 : i32
    %dma_wait3A_818 = arith.constant 0 : i32
    %dma_wait3A_819 = arith.constant 0 : i32
    %dma_wait3A_820 = tpu.memref_slice %arg11[%dma_wait3A_816, %dma_wait3A_818, %dma_wait3A_819] : memref<5x64x128xf32, #tpu.memory_space<vmem>> -> memref<1x64x128xf32, #tpu.memory_space<vmem>>
    %dma_wait3A_821 = tpu.memref_squeeze %dma_wait3A_820 : memref<1x64x128xf32, #tpu.memory_space<vmem>> -> memref<64x128xf32, #tpu.memory_space<vmem>>
    %dma_wait3A_822 = arith.constant 0 : i32
    %dma_wait3A_823 = tpu.memref_slice %arg4[%add3A_799, %dma_wait3A_822] : memref<16384x128xf32, #tpu.memory_space<hbm>> -> memref<64x128xf32, #tpu.memory_space<hbm>>
    %dma_wait3A_824 = tpu.memref_slice %arg14[%dma_wait3A_817] : memref<5x!tpu.dma_semaphore, #tpu.memory_space<semaphore_mem>> -> memref<1x!tpu.dma_semaphore, #tpu.memory_space<semaphore_mem>>
    %dma_wait3A_825 = tpu.memref_squeeze %dma_wait3A_824 : memref<1x!tpu.dma_semaphore, #tpu.memory_space<semaphore_mem>> -> memref<!tpu.dma_semaphore, #tpu.memory_space<semaphore_mem>>
    %dma_wait3A_826 = arith.constant 0 : i32
    %dma_wait3A_827 = tpu.memref_slice %arg4[%add3A_799, %dma_wait3A_826] : memref<16384x128xf32, #tpu.memory_space<hbm>> -> memref<64x128xf32, #tpu.memory_space<hbm>>
    %dma_wait3A_828 = arith.constant 0 : i32
    %dma_wait3A_829 = arith.constant 0 : i32
    %dma_wait3A_830 = tpu.memref_slice %arg11[%dma_wait3A_816, %dma_wait3A_828, %dma_wait3A_829] : memref<5x64x128xf32, #tpu.memory_space<vmem>> -> memref<1x64x128xf32, #tpu.memory_space<vmem>>
    %dma_wait3A_831 = tpu.memref_squeeze %dma_wait3A_830 : memref<1x64x128xf32, #tpu.memory_space<vmem>> -> memref<64x128xf32, #tpu.memory_space<vmem>>
    tpu.wait_dma2 semaphore(%dma_wait3A_825 : memref<!tpu.dma_semaphore, #tpu.memory_space<semaphore_mem>>) src(%dma_wait3A_831 : memref<64x128xf32, #tpu.memory_space<vmem>>) dst(%dma_wait3A_827 : memref<64x128xf32, #tpu.memory_space<hbm>>)
    %dma_start3A_832 = arith.constant 0 : i32
    %dma_start3A_833 = arith.constant 0 : i32
    %dma_start3A_834 = arith.constant 0 : i32
    %dma_start3A_835 = arith.constant 0 : i32
    %dma_start3A_836 = tpu.memref_slice %arg11[%dma_start3A_832, %dma_start3A_834, %dma_start3A_835] : memref<5x64x128xf32, #tpu.memory_space<vmem>> -> memref<1x64x128xf32, #tpu.memory_space<vmem>>
    %dma_start3A_837 = tpu.memref_squeeze %dma_start3A_836 : memref<1x64x128xf32, #tpu.memory_space<vmem>> -> memref<64x128xf32, #tpu.memory_space<vmem>>
    %dma_start3A_838 = arith.constant 960 : i32
    %dma_start3A_839 = tpu.memref_slice %arg10[%dma_start3A_838] : memref<1024xi32, #tpu.memory_space<vmem>> -> memref<64xi32, #tpu.memory_space<vmem>>
    %dma_start3A_840 = arith.constant 0 : i32
    %dma_start3A_841 = arith.constant 0 : i32
    %dma_start3A_842 = tpu.memref_slice %arg3[%dma_start3A_840, %dma_start3A_841] : memref<16384x128xf32, #tpu.memory_space<hbm>> -> memref<16384x128xf32, #tpu.memory_space<hbm>>
    %dma_start3A_843 = tpu.memref_slice %arg13[%dma_start3A_833] : memref<5x!tpu.dma_semaphore, #tpu.memory_space<semaphore_mem>> -> memref<1x!tpu.dma_semaphore, #tpu.memory_space<semaphore_mem>>
    %dma_start3A_844 = tpu.memref_squeeze %dma_start3A_843 : memref<1x!tpu.dma_semaphore, #tpu.memory_space<semaphore_mem>> -> memref<!tpu.dma_semaphore, #tpu.memory_space<semaphore_mem>>
    tpu.enqueue_indirect_dma source(%dma_start3A_842 : memref<16384x128xf32, #tpu.memory_space<hbm>>) target(%dma_start3A_837 : memref<64x128xf32, #tpu.memory_space<vmem>>) offsets(%dma_start3A_839 : memref<64xi32, #tpu.memory_space<vmem>>) semaphore(%dma_start3A_844 : memref<!tpu.dma_semaphore, #tpu.memory_space<semaphore_mem>>)
    %dma_wait3A_845 = arith.constant 1 : i32
    %dma_wait3A_846 = arith.constant 1 : i32
    %dma_wait3A_847 = arith.constant 0 : i32
    %dma_wait3A_848 = arith.constant 0 : i32
    %dma_wait3A_849 = tpu.memref_slice %arg11[%dma_wait3A_845, %dma_wait3A_847, %dma_wait3A_848] : memref<5x64x128xf32, #tpu.memory_space<vmem>> -> memref<1x64x128xf32, #tpu.memory_space<vmem>>
    %dma_wait3A_850 = tpu.memref_squeeze %dma_wait3A_849 : memref<1x64x128xf32, #tpu.memory_space<vmem>> -> memref<64x128xf32, #tpu.memory_space<vmem>>
    %dma_wait3A_851 = arith.constant 704 : i32
    %dma_wait3A_852 = tpu.memref_slice %arg10[%dma_wait3A_851] : memref<1024xi32, #tpu.memory_space<vmem>> -> memref<64xi32, #tpu.memory_space<vmem>>
    %dma_wait3A_853 = arith.constant 0 : i32
    %dma_wait3A_854 = arith.constant 0 : i32
    %dma_wait3A_855 = tpu.memref_slice %arg3[%dma_wait3A_853, %dma_wait3A_854] : memref<16384x128xf32, #tpu.memory_space<hbm>> -> memref<16384x128xf32, #tpu.memory_space<hbm>>
    %dma_wait3A_856 = tpu.memref_slice %arg13[%dma_wait3A_846] : memref<5x!tpu.dma_semaphore, #tpu.memory_space<semaphore_mem>> -> memref<1x!tpu.dma_semaphore, #tpu.memory_space<semaphore_mem>>
    %dma_wait3A_857 = tpu.memref_squeeze %dma_wait3A_856 : memref<1x!tpu.dma_semaphore, #tpu.memory_space<semaphore_mem>> -> memref<!tpu.dma_semaphore, #tpu.memory_space<semaphore_mem>>
    tpu.wait_indirect_dma semaphore(%dma_wait3A_857 : memref<!tpu.dma_semaphore, #tpu.memory_space<semaphore_mem>>) src(%dma_wait3A_855 : memref<16384x128xf32, #tpu.memory_space<hbm>>) dst(%dma_wait3A_850 : memref<64x128xf32, #tpu.memory_space<vmem>>)
    %add3A_858 = arith.constant 704 : i32
    %add3A_859 = arith.addi %mul3A_19, %add3A_858 : i32
    %dma_start3A_860 = arith.constant 1 : i32
    %dma_start3A_861 = arith.constant 1 : i32
    %dma_start3A_862 = arith.constant 0 : i32
    %dma_start3A_863 = arith.constant 0 : i32
    %dma_start3A_864 = tpu.memref_slice %arg11[%dma_start3A_860, %dma_start3A_862, %dma_start3A_863] : memref<5x64x128xf32, #tpu.memory_space<vmem>> -> memref<1x64x128xf32, #tpu.memory_space<vmem>>
    %dma_start3A_865 = tpu.memref_squeeze %dma_start3A_864 : memref<1x64x128xf32, #tpu.memory_space<vmem>> -> memref<64x128xf32, #tpu.memory_space<vmem>>
    %dma_start3A_866 = arith.constant 0 : i32
    %dma_start3A_867 = tpu.memref_slice %arg4[%add3A_859, %dma_start3A_866] : memref<16384x128xf32, #tpu.memory_space<hbm>> -> memref<64x128xf32, #tpu.memory_space<hbm>>
    %dma_start3A_868 = tpu.memref_slice %arg14[%dma_start3A_861] : memref<5x!tpu.dma_semaphore, #tpu.memory_space<semaphore_mem>> -> memref<1x!tpu.dma_semaphore, #tpu.memory_space<semaphore_mem>>
    %dma_start3A_869 = tpu.memref_squeeze %dma_start3A_868 : memref<1x!tpu.dma_semaphore, #tpu.memory_space<semaphore_mem>> -> memref<!tpu.dma_semaphore, #tpu.memory_space<semaphore_mem>>
    %dma_start3A_870 = arith.constant 0 : i32
    %dma_start3A_871 = tpu.memref_slice %arg4[%add3A_859, %dma_start3A_870] : memref<16384x128xf32, #tpu.memory_space<hbm>> -> memref<64x128xf32, #tpu.memory_space<hbm>>
    %dma_start3A_872 = arith.constant 0 : i32
    %dma_start3A_873 = arith.constant 0 : i32
    %dma_start3A_874 = tpu.memref_slice %arg11[%dma_start3A_860, %dma_start3A_872, %dma_start3A_873] : memref<5x64x128xf32, #tpu.memory_space<vmem>> -> memref<1x64x128xf32, #tpu.memory_space<vmem>>
    %dma_start3A_875 = tpu.memref_squeeze %dma_start3A_874 : memref<1x64x128xf32, #tpu.memory_space<vmem>> -> memref<64x128xf32, #tpu.memory_space<vmem>>
    tpu.enqueue_dma source(%dma_start3A_875 : memref<64x128xf32, #tpu.memory_space<vmem>>) target(%dma_start3A_871 : memref<64x128xf32, #tpu.memory_space<hbm>>) target_semaphore(%dma_start3A_869 : memref<!tpu.dma_semaphore, #tpu.memory_space<semaphore_mem>>)
    %dma_wait3A_876 = arith.constant 2 : i32
    %dma_wait3A_877 = arith.constant 2 : i32
    %dma_wait3A_878 = arith.constant 0 : i32
    %dma_wait3A_879 = arith.constant 0 : i32
    %dma_wait3A_880 = tpu.memref_slice %arg11[%dma_wait3A_876, %dma_wait3A_878, %dma_wait3A_879] : memref<5x64x128xf32, #tpu.memory_space<vmem>> -> memref<1x64x128xf32, #tpu.memory_space<vmem>>
    %dma_wait3A_881 = tpu.memref_squeeze %dma_wait3A_880 : memref<1x64x128xf32, #tpu.memory_space<vmem>> -> memref<64x128xf32, #tpu.memory_space<vmem>>
    %dma_wait3A_882 = arith.constant 768 : i32
    %dma_wait3A_883 = tpu.memref_slice %arg10[%dma_wait3A_882] : memref<1024xi32, #tpu.memory_space<vmem>> -> memref<64xi32, #tpu.memory_space<vmem>>
    %dma_wait3A_884 = arith.constant 0 : i32
    %dma_wait3A_885 = arith.constant 0 : i32
    %dma_wait3A_886 = tpu.memref_slice %arg3[%dma_wait3A_884, %dma_wait3A_885] : memref<16384x128xf32, #tpu.memory_space<hbm>> -> memref<16384x128xf32, #tpu.memory_space<hbm>>
    %dma_wait3A_887 = tpu.memref_slice %arg13[%dma_wait3A_877] : memref<5x!tpu.dma_semaphore, #tpu.memory_space<semaphore_mem>> -> memref<1x!tpu.dma_semaphore, #tpu.memory_space<semaphore_mem>>
    %dma_wait3A_888 = tpu.memref_squeeze %dma_wait3A_887 : memref<1x!tpu.dma_semaphore, #tpu.memory_space<semaphore_mem>> -> memref<!tpu.dma_semaphore, #tpu.memory_space<semaphore_mem>>
    tpu.wait_indirect_dma semaphore(%dma_wait3A_888 : memref<!tpu.dma_semaphore, #tpu.memory_space<semaphore_mem>>) src(%dma_wait3A_886 : memref<16384x128xf32, #tpu.memory_space<hbm>>) dst(%dma_wait3A_881 : memref<64x128xf32, #tpu.memory_space<vmem>>)
    %add3A_889 = arith.constant 768 : i32
    %add3A_890 = arith.addi %mul3A_19, %add3A_889 : i32
    %dma_start3A_891 = arith.constant 2 : i32
    %dma_start3A_892 = arith.constant 2 : i32
    %dma_start3A_893 = arith.constant 0 : i32
    %dma_start3A_894 = arith.constant 0 : i32
    %dma_start3A_895 = tpu.memref_slice %arg11[%dma_start3A_891, %dma_start3A_893, %dma_start3A_894] : memref<5x64x128xf32, #tpu.memory_space<vmem>> -> memref<1x64x128xf32, #tpu.memory_space<vmem>>
    %dma_start3A_896 = tpu.memref_squeeze %dma_start3A_895 : memref<1x64x128xf32, #tpu.memory_space<vmem>> -> memref<64x128xf32, #tpu.memory_space<vmem>>
    %dma_start3A_897 = arith.constant 0 : i32
    %dma_start3A_898 = tpu.memref_slice %arg4[%add3A_890, %dma_start3A_897] : memref<16384x128xf32, #tpu.memory_space<hbm>> -> memref<64x128xf32, #tpu.memory_space<hbm>>
    %dma_start3A_899 = tpu.memref_slice %arg14[%dma_start3A_892] : memref<5x!tpu.dma_semaphore, #tpu.memory_space<semaphore_mem>> -> memref<1x!tpu.dma_semaphore, #tpu.memory_space<semaphore_mem>>
    %dma_start3A_900 = tpu.memref_squeeze %dma_start3A_899 : memref<1x!tpu.dma_semaphore, #tpu.memory_space<semaphore_mem>> -> memref<!tpu.dma_semaphore, #tpu.memory_space<semaphore_mem>>
    %dma_start3A_901 = arith.constant 0 : i32
    %dma_start3A_902 = tpu.memref_slice %arg4[%add3A_890, %dma_start3A_901] : memref<16384x128xf32, #tpu.memory_space<hbm>> -> memref<64x128xf32, #tpu.memory_space<hbm>>
    %dma_start3A_903 = arith.constant 0 : i32
    %dma_start3A_904 = arith.constant 0 : i32
    %dma_start3A_905 = tpu.memref_slice %arg11[%dma_start3A_891, %dma_start3A_903, %dma_start3A_904] : memref<5x64x128xf32, #tpu.memory_space<vmem>> -> memref<1x64x128xf32, #tpu.memory_space<vmem>>
    %dma_start3A_906 = tpu.memref_squeeze %dma_start3A_905 : memref<1x64x128xf32, #tpu.memory_space<vmem>> -> memref<64x128xf32, #tpu.memory_space<vmem>>
    tpu.enqueue_dma source(%dma_start3A_906 : memref<64x128xf32, #tpu.memory_space<vmem>>) target(%dma_start3A_902 : memref<64x128xf32, #tpu.memory_space<hbm>>) target_semaphore(%dma_start3A_900 : memref<!tpu.dma_semaphore, #tpu.memory_space<semaphore_mem>>)
    %dma_wait3A_907 = arith.constant 3 : i32
    %dma_wait3A_908 = arith.constant 3 : i32
    %dma_wait3A_909 = arith.constant 0 : i32
    %dma_wait3A_910 = arith.constant 0 : i32
    %dma_wait3A_911 = tpu.memref_slice %arg11[%dma_wait3A_907, %dma_wait3A_909, %dma_wait3A_910] : memref<5x64x128xf32, #tpu.memory_space<vmem>> -> memref<1x64x128xf32, #tpu.memory_space<vmem>>
    %dma_wait3A_912 = tpu.memref_squeeze %dma_wait3A_911 : memref<1x64x128xf32, #tpu.memory_space<vmem>> -> memref<64x128xf32, #tpu.memory_space<vmem>>
    %dma_wait3A_913 = arith.constant 832 : i32
    %dma_wait3A_914 = tpu.memref_slice %arg10[%dma_wait3A_913] : memref<1024xi32, #tpu.memory_space<vmem>> -> memref<64xi32, #tpu.memory_space<vmem>>
    %dma_wait3A_915 = arith.constant 0 : i32
    %dma_wait3A_916 = arith.constant 0 : i32
    %dma_wait3A_917 = tpu.memref_slice %arg3[%dma_wait3A_915, %dma_wait3A_916] : memref<16384x128xf32, #tpu.memory_space<hbm>> -> memref<16384x128xf32, #tpu.memory_space<hbm>>
    %dma_wait3A_918 = tpu.memref_slice %arg13[%dma_wait3A_908] : memref<5x!tpu.dma_semaphore, #tpu.memory_space<semaphore_mem>> -> memref<1x!tpu.dma_semaphore, #tpu.memory_space<semaphore_mem>>
    %dma_wait3A_919 = tpu.memref_squeeze %dma_wait3A_918 : memref<1x!tpu.dma_semaphore, #tpu.memory_space<semaphore_mem>> -> memref<!tpu.dma_semaphore, #tpu.memory_space<semaphore_mem>>
    tpu.wait_indirect_dma semaphore(%dma_wait3A_919 : memref<!tpu.dma_semaphore, #tpu.memory_space<semaphore_mem>>) src(%dma_wait3A_917 : memref<16384x128xf32, #tpu.memory_space<hbm>>) dst(%dma_wait3A_912 : memref<64x128xf32, #tpu.memory_space<vmem>>)
    %add3A_920 = arith.constant 832 : i32
    %add3A_921 = arith.addi %mul3A_19, %add3A_920 : i32
    %dma_start3A_922 = arith.constant 3 : i32
    %dma_start3A_923 = arith.constant 3 : i32
    %dma_start3A_924 = arith.constant 0 : i32
    %dma_start3A_925 = arith.constant 0 : i32
    %dma_start3A_926 = tpu.memref_slice %arg11[%dma_start3A_922, %dma_start3A_924, %dma_start3A_925] : memref<5x64x128xf32, #tpu.memory_space<vmem>> -> memref<1x64x128xf32, #tpu.memory_space<vmem>>
    %dma_start3A_927 = tpu.memref_squeeze %dma_start3A_926 : memref<1x64x128xf32, #tpu.memory_space<vmem>> -> memref<64x128xf32, #tpu.memory_space<vmem>>
    %dma_start3A_928 = arith.constant 0 : i32
    %dma_start3A_929 = tpu.memref_slice %arg4[%add3A_921, %dma_start3A_928] : memref<16384x128xf32, #tpu.memory_space<hbm>> -> memref<64x128xf32, #tpu.memory_space<hbm>>
    %dma_start3A_930 = tpu.memref_slice %arg14[%dma_start3A_923] : memref<5x!tpu.dma_semaphore, #tpu.memory_space<semaphore_mem>> -> memref<1x!tpu.dma_semaphore, #tpu.memory_space<semaphore_mem>>
    %dma_start3A_931 = tpu.memref_squeeze %dma_start3A_930 : memref<1x!tpu.dma_semaphore, #tpu.memory_space<semaphore_mem>> -> memref<!tpu.dma_semaphore, #tpu.memory_space<semaphore_mem>>
    %dma_start3A_932 = arith.constant 0 : i32
    %dma_start3A_933 = tpu.memref_slice %arg4[%add3A_921, %dma_start3A_932] : memref<16384x128xf32, #tpu.memory_space<hbm>> -> memref<64x128xf32, #tpu.memory_space<hbm>>
    %dma_start3A_934 = arith.constant 0 : i32
    %dma_start3A_935 = arith.constant 0 : i32
    %dma_start3A_936 = tpu.memref_slice %arg11[%dma_start3A_922, %dma_start3A_934, %dma_start3A_935] : memref<5x64x128xf32, #tpu.memory_space<vmem>> -> memref<1x64x128xf32, #tpu.memory_space<vmem>>
    %dma_start3A_937 = tpu.memref_squeeze %dma_start3A_936 : memref<1x64x128xf32, #tpu.memory_space<vmem>> -> memref<64x128xf32, #tpu.memory_space<vmem>>
    tpu.enqueue_dma source(%dma_start3A_937 : memref<64x128xf32, #tpu.memory_space<vmem>>) target(%dma_start3A_933 : memref<64x128xf32, #tpu.memory_space<hbm>>) target_semaphore(%dma_start3A_931 : memref<!tpu.dma_semaphore, #tpu.memory_space<semaphore_mem>>)
    %dma_wait3A_938 = arith.constant 4 : i32
    %dma_wait3A_939 = arith.constant 4 : i32
    %dma_wait3A_940 = arith.constant 0 : i32
    %dma_wait3A_941 = arith.constant 0 : i32
    %dma_wait3A_942 = tpu.memref_slice %arg11[%dma_wait3A_938, %dma_wait3A_940, %dma_wait3A_941] : memref<5x64x128xf32, #tpu.memory_space<vmem>> -> memref<1x64x128xf32, #tpu.memory_space<vmem>>
    %dma_wait3A_943 = tpu.memref_squeeze %dma_wait3A_942 : memref<1x64x128xf32, #tpu.memory_space<vmem>> -> memref<64x128xf32, #tpu.memory_space<vmem>>
    %dma_wait3A_944 = arith.constant 896 : i32
    %dma_wait3A_945 = tpu.memref_slice %arg10[%dma_wait3A_944] : memref<1024xi32, #tpu.memory_space<vmem>> -> memref<64xi32, #tpu.memory_space<vmem>>
    %dma_wait3A_946 = arith.constant 0 : i32
    %dma_wait3A_947 = arith.constant 0 : i32
    %dma_wait3A_948 = tpu.memref_slice %arg3[%dma_wait3A_946, %dma_wait3A_947] : memref<16384x128xf32, #tpu.memory_space<hbm>> -> memref<16384x128xf32, #tpu.memory_space<hbm>>
    %dma_wait3A_949 = tpu.memref_slice %arg13[%dma_wait3A_939] : memref<5x!tpu.dma_semaphore, #tpu.memory_space<semaphore_mem>> -> memref<1x!tpu.dma_semaphore, #tpu.memory_space<semaphore_mem>>
    %dma_wait3A_950 = tpu.memref_squeeze %dma_wait3A_949 : memref<1x!tpu.dma_semaphore, #tpu.memory_space<semaphore_mem>> -> memref<!tpu.dma_semaphore, #tpu.memory_space<semaphore_mem>>
    tpu.wait_indirect_dma semaphore(%dma_wait3A_950 : memref<!tpu.dma_semaphore, #tpu.memory_space<semaphore_mem>>) src(%dma_wait3A_948 : memref<16384x128xf32, #tpu.memory_space<hbm>>) dst(%dma_wait3A_943 : memref<64x128xf32, #tpu.memory_space<vmem>>)
    %add3A_951 = arith.constant 896 : i32
    %add3A_952 = arith.addi %mul3A_19, %add3A_951 : i32
    %dma_start3A_953 = arith.constant 4 : i32
    %dma_start3A_954 = arith.constant 4 : i32
    %dma_start3A_955 = arith.constant 0 : i32
    %dma_start3A_956 = arith.constant 0 : i32
    %dma_start3A_957 = tpu.memref_slice %arg11[%dma_start3A_953, %dma_start3A_955, %dma_start3A_956] : memref<5x64x128xf32, #tpu.memory_space<vmem>> -> memref<1x64x128xf32, #tpu.memory_space<vmem>>
    %dma_start3A_958 = tpu.memref_squeeze %dma_start3A_957 : memref<1x64x128xf32, #tpu.memory_space<vmem>> -> memref<64x128xf32, #tpu.memory_space<vmem>>
    %dma_start3A_959 = arith.constant 0 : i32
    %dma_start3A_960 = tpu.memref_slice %arg4[%add3A_952, %dma_start3A_959] : memref<16384x128xf32, #tpu.memory_space<hbm>> -> memref<64x128xf32, #tpu.memory_space<hbm>>
    %dma_start3A_961 = tpu.memref_slice %arg14[%dma_start3A_954] : memref<5x!tpu.dma_semaphore, #tpu.memory_space<semaphore_mem>> -> memref<1x!tpu.dma_semaphore, #tpu.memory_space<semaphore_mem>>
    %dma_start3A_962 = tpu.memref_squeeze %dma_start3A_961 : memref<1x!tpu.dma_semaphore, #tpu.memory_space<semaphore_mem>> -> memref<!tpu.dma_semaphore, #tpu.memory_space<semaphore_mem>>
    %dma_start3A_963 = arith.constant 0 : i32
    %dma_start3A_964 = tpu.memref_slice %arg4[%add3A_952, %dma_start3A_963] : memref<16384x128xf32, #tpu.memory_space<hbm>> -> memref<64x128xf32, #tpu.memory_space<hbm>>
    %dma_start3A_965 = arith.constant 0 : i32
    %dma_start3A_966 = arith.constant 0 : i32
    %dma_start3A_967 = tpu.memref_slice %arg11[%dma_start3A_953, %dma_start3A_965, %dma_start3A_966] : memref<5x64x128xf32, #tpu.memory_space<vmem>> -> memref<1x64x128xf32, #tpu.memory_space<vmem>>
    %dma_start3A_968 = tpu.memref_squeeze %dma_start3A_967 : memref<1x64x128xf32, #tpu.memory_space<vmem>> -> memref<64x128xf32, #tpu.memory_space<vmem>>
    tpu.enqueue_dma source(%dma_start3A_968 : memref<64x128xf32, #tpu.memory_space<vmem>>) target(%dma_start3A_964 : memref<64x128xf32, #tpu.memory_space<hbm>>) target_semaphore(%dma_start3A_962 : memref<!tpu.dma_semaphore, #tpu.memory_space<semaphore_mem>>)
    %dma_wait3A_969 = arith.constant 0 : i32
    %dma_wait3A_970 = arith.constant 0 : i32
    %dma_wait3A_971 = arith.constant 0 : i32
    %dma_wait3A_972 = arith.constant 0 : i32
    %dma_wait3A_973 = tpu.memref_slice %arg11[%dma_wait3A_969, %dma_wait3A_971, %dma_wait3A_972] : memref<5x64x128xf32, #tpu.memory_space<vmem>> -> memref<1x64x128xf32, #tpu.memory_space<vmem>>
    %dma_wait3A_974 = tpu.memref_squeeze %dma_wait3A_973 : memref<1x64x128xf32, #tpu.memory_space<vmem>> -> memref<64x128xf32, #tpu.memory_space<vmem>>
    %dma_wait3A_975 = arith.constant 960 : i32
    %dma_wait3A_976 = tpu.memref_slice %arg10[%dma_wait3A_975] : memref<1024xi32, #tpu.memory_space<vmem>> -> memref<64xi32, #tpu.memory_space<vmem>>
    %dma_wait3A_977 = arith.constant 0 : i32
    %dma_wait3A_978 = arith.constant 0 : i32
    %dma_wait3A_979 = tpu.memref_slice %arg3[%dma_wait3A_977, %dma_wait3A_978] : memref<16384x128xf32, #tpu.memory_space<hbm>> -> memref<16384x128xf32, #tpu.memory_space<hbm>>
    %dma_wait3A_980 = tpu.memref_slice %arg13[%dma_wait3A_970] : memref<5x!tpu.dma_semaphore, #tpu.memory_space<semaphore_mem>> -> memref<1x!tpu.dma_semaphore, #tpu.memory_space<semaphore_mem>>
    %dma_wait3A_981 = tpu.memref_squeeze %dma_wait3A_980 : memref<1x!tpu.dma_semaphore, #tpu.memory_space<semaphore_mem>> -> memref<!tpu.dma_semaphore, #tpu.memory_space<semaphore_mem>>
    tpu.wait_indirect_dma semaphore(%dma_wait3A_981 : memref<!tpu.dma_semaphore, #tpu.memory_space<semaphore_mem>>) src(%dma_wait3A_979 : memref<16384x128xf32, #tpu.memory_space<hbm>>) dst(%dma_wait3A_974 : memref<64x128xf32, #tpu.memory_space<vmem>>)
    %add3A_982 = arith.constant 960 : i32
    %add3A_983 = arith.addi %mul3A_19, %add3A_982 : i32
    %dma_start3A_984 = arith.constant 0 : i32
    %dma_start3A_985 = arith.constant 0 : i32
    %dma_start3A_986 = arith.constant 0 : i32
    %dma_start3A_987 = arith.constant 0 : i32
    %dma_start3A_988 = tpu.memref_slice %arg11[%dma_start3A_984, %dma_start3A_986, %dma_start3A_987] : memref<5x64x128xf32, #tpu.memory_space<vmem>> -> memref<1x64x128xf32, #tpu.memory_space<vmem>>
    %dma_start3A_989 = tpu.memref_squeeze %dma_start3A_988 : memref<1x64x128xf32, #tpu.memory_space<vmem>> -> memref<64x128xf32, #tpu.memory_space<vmem>>
    %dma_start3A_990 = arith.constant 0 : i32
    %dma_start3A_991 = tpu.memref_slice %arg4[%add3A_983, %dma_start3A_990] : memref<16384x128xf32, #tpu.memory_space<hbm>> -> memref<64x128xf32, #tpu.memory_space<hbm>>
    %dma_start3A_992 = tpu.memref_slice %arg14[%dma_start3A_985] : memref<5x!tpu.dma_semaphore, #tpu.memory_space<semaphore_mem>> -> memref<1x!tpu.dma_semaphore, #tpu.memory_space<semaphore_mem>>
    %dma_start3A_993 = tpu.memref_squeeze %dma_start3A_992 : memref<1x!tpu.dma_semaphore, #tpu.memory_space<semaphore_mem>> -> memref<!tpu.dma_semaphore, #tpu.memory_space<semaphore_mem>>
    %dma_start3A_994 = arith.constant 0 : i32
    %dma_start3A_995 = tpu.memref_slice %arg4[%add3A_983, %dma_start3A_994] : memref<16384x128xf32, #tpu.memory_space<hbm>> -> memref<64x128xf32, #tpu.memory_space<hbm>>
    %dma_start3A_996 = arith.constant 0 : i32
    %dma_start3A_997 = arith.constant 0 : i32
    %dma_start3A_998 = tpu.memref_slice %arg11[%dma_start3A_984, %dma_start3A_996, %dma_start3A_997] : memref<5x64x128xf32, #tpu.memory_space<vmem>> -> memref<1x64x128xf32, #tpu.memory_space<vmem>>
    %dma_start3A_999 = tpu.memref_squeeze %dma_start3A_998 : memref<1x64x128xf32, #tpu.memory_space<vmem>> -> memref<64x128xf32, #tpu.memory_space<vmem>>
    tpu.enqueue_dma source(%dma_start3A_999 : memref<64x128xf32, #tpu.memory_space<vmem>>) target(%dma_start3A_995 : memref<64x128xf32, #tpu.memory_space<hbm>>) target_semaphore(%dma_start3A_993 : memref<!tpu.dma_semaphore, #tpu.memory_space<semaphore_mem>>)
    %dma_wait3A_1000 = arith.constant 1 : i32
    %dma_wait3A_1001 = arith.constant 1 : i32
    %dma_wait3A_1002 = arith.constant 0 : i32
    %dma_wait3A_1003 = arith.constant 0 : i32
    %dma_wait3A_1004 = tpu.memref_slice %arg11[%dma_wait3A_1000, %dma_wait3A_1002, %dma_wait3A_1003] : memref<5x64x128xf32, #tpu.memory_space<vmem>> -> memref<1x64x128xf32, #tpu.memory_space<vmem>>
    %dma_wait3A_1005 = tpu.memref_squeeze %dma_wait3A_1004 : memref<1x64x128xf32, #tpu.memory_space<vmem>> -> memref<64x128xf32, #tpu.memory_space<vmem>>
    %dma_wait3A_1006 = arith.constant 0 : i32
    %dma_wait3A_1007 = tpu.memref_slice %arg4[%add3A_859, %dma_wait3A_1006] : memref<16384x128xf32, #tpu.memory_space<hbm>> -> memref<64x128xf32, #tpu.memory_space<hbm>>
    %dma_wait3A_1008 = tpu.memref_slice %arg14[%dma_wait3A_1001] : memref<5x!tpu.dma_semaphore, #tpu.memory_space<semaphore_mem>> -> memref<1x!tpu.dma_semaphore, #tpu.memory_space<semaphore_mem>>
    %dma_wait3A_1009 = tpu.memref_squeeze %dma_wait3A_1008 : memref<1x!tpu.dma_semaphore, #tpu.memory_space<semaphore_mem>> -> memref<!tpu.dma_semaphore, #tpu.memory_space<semaphore_mem>>
    %dma_wait3A_1010 = arith.constant 0 : i32
    %dma_wait3A_1011 = tpu.memref_slice %arg4[%add3A_859, %dma_wait3A_1010] : memref<16384x128xf32, #tpu.memory_space<hbm>> -> memref<64x128xf32, #tpu.memory_space<hbm>>
    %dma_wait3A_1012 = arith.constant 0 : i32
    %dma_wait3A_1013 = arith.constant 0 : i32
    %dma_wait3A_1014 = tpu.memref_slice %arg11[%dma_wait3A_1000, %dma_wait3A_1012, %dma_wait3A_1013] : memref<5x64x128xf32, #tpu.memory_space<vmem>> -> memref<1x64x128xf32, #tpu.memory_space<vmem>>
    %dma_wait3A_1015 = tpu.memref_squeeze %dma_wait3A_1014 : memref<1x64x128xf32, #tpu.memory_space<vmem>> -> memref<64x128xf32, #tpu.memory_space<vmem>>
    tpu.wait_dma2 semaphore(%dma_wait3A_1009 : memref<!tpu.dma_semaphore, #tpu.memory_space<semaphore_mem>>) src(%dma_wait3A_1015 : memref<64x128xf32, #tpu.memory_space<vmem>>) dst(%dma_wait3A_1011 : memref<64x128xf32, #tpu.memory_space<hbm>>)
    %dma_wait3A_1016 = arith.constant 2 : i32
    %dma_wait3A_1017 = arith.constant 2 : i32
    %dma_wait3A_1018 = arith.constant 0 : i32
    %dma_wait3A_1019 = arith.constant 0 : i32
    %dma_wait3A_1020 = tpu.memref_slice %arg11[%dma_wait3A_1016, %dma_wait3A_1018, %dma_wait3A_1019] : memref<5x64x128xf32, #tpu.memory_space<vmem>> -> memref<1x64x128xf32, #tpu.memory_space<vmem>>
    %dma_wait3A_1021 = tpu.memref_squeeze %dma_wait3A_1020 : memref<1x64x128xf32, #tpu.memory_space<vmem>> -> memref<64x128xf32, #tpu.memory_space<vmem>>
    %dma_wait3A_1022 = arith.constant 0 : i32
    %dma_wait3A_1023 = tpu.memref_slice %arg4[%add3A_890, %dma_wait3A_1022] : memref<16384x128xf32, #tpu.memory_space<hbm>> -> memref<64x128xf32, #tpu.memory_space<hbm>>
    %dma_wait3A_1024 = tpu.memref_slice %arg14[%dma_wait3A_1017] : memref<5x!tpu.dma_semaphore, #tpu.memory_space<semaphore_mem>> -> memref<1x!tpu.dma_semaphore, #tpu.memory_space<semaphore_mem>>
    %dma_wait3A_1025 = tpu.memref_squeeze %dma_wait3A_1024 : memref<1x!tpu.dma_semaphore, #tpu.memory_space<semaphore_mem>> -> memref<!tpu.dma_semaphore, #tpu.memory_space<semaphore_mem>>
    %dma_wait3A_1026 = arith.constant 0 : i32
    %dma_wait3A_1027 = tpu.memref_slice %arg4[%add3A_890, %dma_wait3A_1026] : memref<16384x128xf32, #tpu.memory_space<hbm>> -> memref<64x128xf32, #tpu.memory_space<hbm>>
    %dma_wait3A_1028 = arith.constant 0 : i32
    %dma_wait3A_1029 = arith.constant 0 : i32
    %dma_wait3A_1030 = tpu.memref_slice %arg11[%dma_wait3A_1016, %dma_wait3A_1028, %dma_wait3A_1029] : memref<5x64x128xf32, #tpu.memory_space<vmem>> -> memref<1x64x128xf32, #tpu.memory_space<vmem>>
    %dma_wait3A_1031 = tpu.memref_squeeze %dma_wait3A_1030 : memref<1x64x128xf32, #tpu.memory_space<vmem>> -> memref<64x128xf32, #tpu.memory_space<vmem>>
    tpu.wait_dma2 semaphore(%dma_wait3A_1025 : memref<!tpu.dma_semaphore, #tpu.memory_space<semaphore_mem>>) src(%dma_wait3A_1031 : memref<64x128xf32, #tpu.memory_space<vmem>>) dst(%dma_wait3A_1027 : memref<64x128xf32, #tpu.memory_space<hbm>>)
    %dma_wait3A_1032 = arith.constant 3 : i32
    %dma_wait3A_1033 = arith.constant 3 : i32
    %dma_wait3A_1034 = arith.constant 0 : i32
    %dma_wait3A_1035 = arith.constant 0 : i32
    %dma_wait3A_1036 = tpu.memref_slice %arg11[%dma_wait3A_1032, %dma_wait3A_1034, %dma_wait3A_1035] : memref<5x64x128xf32, #tpu.memory_space<vmem>> -> memref<1x64x128xf32, #tpu.memory_space<vmem>>
    %dma_wait3A_1037 = tpu.memref_squeeze %dma_wait3A_1036 : memref<1x64x128xf32, #tpu.memory_space<vmem>> -> memref<64x128xf32, #tpu.memory_space<vmem>>
    %dma_wait3A_1038 = arith.constant 0 : i32
    %dma_wait3A_1039 = tpu.memref_slice %arg4[%add3A_921, %dma_wait3A_1038] : memref<16384x128xf32, #tpu.memory_space<hbm>> -> memref<64x128xf32, #tpu.memory_space<hbm>>
    %dma_wait3A_1040 = tpu.memref_slice %arg14[%dma_wait3A_1033] : memref<5x!tpu.dma_semaphore, #tpu.memory_space<semaphore_mem>> -> memref<1x!tpu.dma_semaphore, #tpu.memory_space<semaphore_mem>>
    %dma_wait3A_1041 = tpu.memref_squeeze %dma_wait3A_1040 : memref<1x!tpu.dma_semaphore, #tpu.memory_space<semaphore_mem>> -> memref<!tpu.dma_semaphore, #tpu.memory_space<semaphore_mem>>
    %dma_wait3A_1042 = arith.constant 0 : i32
    %dma_wait3A_1043 = tpu.memref_slice %arg4[%add3A_921, %dma_wait3A_1042] : memref<16384x128xf32, #tpu.memory_space<hbm>> -> memref<64x128xf32, #tpu.memory_space<hbm>>
    %dma_wait3A_1044 = arith.constant 0 : i32
    %dma_wait3A_1045 = arith.constant 0 : i32
    %dma_wait3A_1046 = tpu.memref_slice %arg11[%dma_wait3A_1032, %dma_wait3A_1044, %dma_wait3A_1045] : memref<5x64x128xf32, #tpu.memory_space<vmem>> -> memref<1x64x128xf32, #tpu.memory_space<vmem>>
    %dma_wait3A_1047 = tpu.memref_squeeze %dma_wait3A_1046 : memref<1x64x128xf32, #tpu.memory_space<vmem>> -> memref<64x128xf32, #tpu.memory_space<vmem>>
    tpu.wait_dma2 semaphore(%dma_wait3A_1041 : memref<!tpu.dma_semaphore, #tpu.memory_space<semaphore_mem>>) src(%dma_wait3A_1047 : memref<64x128xf32, #tpu.memory_space<vmem>>) dst(%dma_wait3A_1043 : memref<64x128xf32, #tpu.memory_space<hbm>>)
    %dma_wait3A_1048 = arith.constant 4 : i32
    %dma_wait3A_1049 = arith.constant 4 : i32
    %dma_wait3A_1050 = arith.constant 0 : i32
    %dma_wait3A_1051 = arith.constant 0 : i32
    %dma_wait3A_1052 = tpu.memref_slice %arg11[%dma_wait3A_1048, %dma_wait3A_1050, %dma_wait3A_1051] : memref<5x64x128xf32, #tpu.memory_space<vmem>> -> memref<1x64x128xf32, #tpu.memory_space<vmem>>
    %dma_wait3A_1053 = tpu.memref_squeeze %dma_wait3A_1052 : memref<1x64x128xf32, #tpu.memory_space<vmem>> -> memref<64x128xf32, #tpu.memory_space<vmem>>
    %dma_wait3A_1054 = arith.constant 0 : i32
    %dma_wait3A_1055 = tpu.memref_slice %arg4[%add3A_952, %dma_wait3A_1054] : memref<16384x128xf32, #tpu.memory_space<hbm>> -> memref<64x128xf32, #tpu.memory_space<hbm>>
    %dma_wait3A_1056 = tpu.memref_slice %arg14[%dma_wait3A_1049] : memref<5x!tpu.dma_semaphore, #tpu.memory_space<semaphore_mem>> -> memref<1x!tpu.dma_semaphore, #tpu.memory_space<semaphore_mem>>
    %dma_wait3A_1057 = tpu.memref_squeeze %dma_wait3A_1056 : memref<1x!tpu.dma_semaphore, #tpu.memory_space<semaphore_mem>> -> memref<!tpu.dma_semaphore, #tpu.memory_space<semaphore_mem>>
    %dma_wait3A_1058 = arith.constant 0 : i32
    %dma_wait3A_1059 = tpu.memref_slice %arg4[%add3A_952, %dma_wait3A_1058] : memref<16384x128xf32, #tpu.memory_space<hbm>> -> memref<64x128xf32, #tpu.memory_space<hbm>>
    %dma_wait3A_1060 = arith.constant 0 : i32
    %dma_wait3A_1061 = arith.constant 0 : i32
    %dma_wait3A_1062 = tpu.memref_slice %arg11[%dma_wait3A_1048, %dma_wait3A_1060, %dma_wait3A_1061] : memref<5x64x128xf32, #tpu.memory_space<vmem>> -> memref<1x64x128xf32, #tpu.memory_space<vmem>>
    %dma_wait3A_1063 = tpu.memref_squeeze %dma_wait3A_1062 : memref<1x64x128xf32, #tpu.memory_space<vmem>> -> memref<64x128xf32, #tpu.memory_space<vmem>>
    tpu.wait_dma2 semaphore(%dma_wait3A_1057 : memref<!tpu.dma_semaphore, #tpu.memory_space<semaphore_mem>>) src(%dma_wait3A_1063 : memref<64x128xf32, #tpu.memory_space<vmem>>) dst(%dma_wait3A_1059 : memref<64x128xf32, #tpu.memory_space<hbm>>)
    %dma_wait3A_1064 = arith.constant 0 : i32
    %dma_wait3A_1065 = arith.constant 0 : i32
    %dma_wait3A_1066 = arith.constant 0 : i32
    %dma_wait3A_1067 = arith.constant 0 : i32
    %dma_wait3A_1068 = tpu.memref_slice %arg11[%dma_wait3A_1064, %dma_wait3A_1066, %dma_wait3A_1067] : memref<5x64x128xf32, #tpu.memory_space<vmem>> -> memref<1x64x128xf32, #tpu.memory_space<vmem>>
    %dma_wait3A_1069 = tpu.memref_squeeze %dma_wait3A_1068 : memref<1x64x128xf32, #tpu.memory_space<vmem>> -> memref<64x128xf32, #tpu.memory_space<vmem>>
    %dma_wait3A_1070 = arith.constant 0 : i32
    %dma_wait3A_1071 = tpu.memref_slice %arg4[%add3A_983, %dma_wait3A_1070] : memref<16384x128xf32, #tpu.memory_space<hbm>> -> memref<64x128xf32, #tpu.memory_space<hbm>>
    %dma_wait3A_1072 = tpu.memref_slice %arg14[%dma_wait3A_1065] : memref<5x!tpu.dma_semaphore, #tpu.memory_space<semaphore_mem>> -> memref<1x!tpu.dma_semaphore, #tpu.memory_space<semaphore_mem>>
    %dma_wait3A_1073 = tpu.memref_squeeze %dma_wait3A_1072 : memref<1x!tpu.dma_semaphore, #tpu.memory_space<semaphore_mem>> -> memref<!tpu.dma_semaphore, #tpu.memory_space<semaphore_mem>>
    %dma_wait3A_1074 = arith.constant 0 : i32
    %dma_wait3A_1075 = tpu.memref_slice %arg4[%add3A_983, %dma_wait3A_1074] : memref<16384x128xf32, #tpu.memory_space<hbm>> -> memref<64x128xf32, #tpu.memory_space<hbm>>
    %dma_wait3A_1076 = arith.constant 0 : i32
    %dma_wait3A_1077 = arith.constant 0 : i32
    %dma_wait3A_1078 = tpu.memref_slice %arg11[%dma_wait3A_1064, %dma_wait3A_1076, %dma_wait3A_1077] : memref<5x64x128xf32, #tpu.memory_space<vmem>> -> memref<1x64x128xf32, #tpu.memory_space<vmem>>
    %dma_wait3A_1079 = tpu.memref_squeeze %dma_wait3A_1078 : memref<1x64x128xf32, #tpu.memory_space<vmem>> -> memref<64x128xf32, #tpu.memory_space<vmem>>
    tpu.wait_dma2 semaphore(%dma_wait3A_1073 : memref<!tpu.dma_semaphore, #tpu.memory_space<semaphore_mem>>) src(%dma_wait3A_1079 : memref<64x128xf32, #tpu.memory_space<vmem>>) dst(%dma_wait3A_1075 : memref<64x128xf32, #tpu.memory_space<hbm>>)
    "tpu.trace_stop"() : () -> ()
    return
  }
}

</mosaic_0001>

<sc_bundles>
// kernel: kernel.3.cloned.1.call-start
scs
__scs_entry_jumppad:
0x0: {  	(pc) =	sbr.rel $0x88, $3  }
0x1: {  	(tag) =	ssettag $0x0;
	lr =	simm.s32 $0x1  }
0x2: {  	[smem:$0x3F9F] =	sst lr;
	_ =	strace $0xD0000000  }
0x3: {  	_ = 	snop  }
0x4: {  	_ = 	snop  }
0x5: {  	_ = 	snop  }
0x6: {  	_ = 	snop  }
0x7: {  	_ = 	snop  }
__scs_overlays_trampoline_lowered:
0x8: {  	[smem:$0x3FAE] =	sst s0  }
0x9: {  	[smem:$0x3FAF] =	sst s1  }
0xa: {  	[smem:$0x3FB0] =	sst s2  }
0xb: {  	[smem:$0x3FB1] =	sst s3  }
0xc: {  	[smem:$0x3FB2] =	sst s4  }
0xd: {  	[smem:$0x3FB3] =	sst s5  }
0xe: {  	[smem:$0x3FB4] =	sst s6  }
0xf: {  	[smem:$0x3FB5] =	sst s7  }
0x10: {  	[smem:$0x3FB6] =	sst s8  }
0x11: {  	[smem:$0x3FB7] =	sst s9;
	s0 =	simm.s32 @!p0 $0x0  }
0x12: {  	s1 =	sld [smem:$0x3F9D];
	s0 =	simm.s32 @p0 $0x1  }
0x13: {  	[smem:$0x3FB8] =	sst s0;
	s0 =	simm.s32 @!p1 $0x0  }
0x14: {  	s2 =	sld [smem:$0x3F9C];
	s0 =	simm.s32 @p1 $0x1  }
0x15: {  	[smem:$0x3FB9] =	sst s0;
	s0 =	simm.s32 @!p2 $0x0  }
0x16: {  	s3 =	sld [smem:$0x3FDB];
	s0 =	simm.s32 @p2 $0x1  }
0x17: {  	s4 =	simm.s32 $0x1BF5;
	[smem:$0x3FBB] =	sst s0  }
0x18: {  	s0 =	sld [smem:$0x3F9E];
	_ =	swait.ge [sflag:s4], $0x0  }
0x19: {  	s7 =	sld [smem:$0x3F9F]  }
0x1a: {  	s8 =	sadd.s32 $0xFFFFE003, lr  }
0x1b: {  	s9 =	sadd.s32 $0xFFFFFEF7, lr;
	s5 =	simm.s32 $0xFFFFFFFF;
	p2 =	slt.u32 s8, $0xFFFFF086  }
0x1c: {  	p1 =	slt.u32 s9, $0xF7A;
	s5 =	simm.s32 @!p2 $0x0  }
0x1d: {  	s5 =	simm.s32 @p1 $0x1;
	p0 =	seq.s32 s7, s2  }
0x1e: {  	s7 =	smul.u32 @!p0 $0xF7A, s2;
	p2 =	seq.s32 @!p0 s5, $0x0  }
0x1f: {  	s9 =	smul.u32 $0xF7A, s1;
	s8 =	simm.s32 @!p0 $0x1BF5;
	p2 =	por !p2, p0  }
0x20: {  	[sflag:s8] =	ssyncset.s32 @!p0 $0xFFFFF086;
	s6 =	sadd.s32 @!p0 s3, s7;
	s7 =	simm.s32 @!p0 $0x108  }
0x21: {  	s3 =	sadd.s32 s3, s9;
	s6 =	sadd.s32 @!p0 $0x88, s6;
	s7 =	simm.s32 @p2 $0x1082  }
0x22: {  	[simem:s7], [sflag:s8] =	dma.local @!p0 [hbm:s6], $0xF7A  }
0x23: {  	s9 =	sor.u32 $0xD0000000, s2;
	s6 =	simm.s32 $0x108;
	_ =	swait.ge @!p0 [sflag:s8], $0x0  }
0x24: {  	s3 =	sadd.s32 $0x88, s3;
	s6 =	simm.s32 @!p1 $0x1082;
	[sflag:s4] =	ssyncset.s32 $0xFFFFF086  }
0x25: {  	[simem:s6], [sflag:s4] =	dma.local [hbm:s3], $0xF7A  }
0x26: {  	[smem:$0x3F9F] =	sst s1;
	(tag) =	ssettag s2;
	_ =	strace s9  }
0x27: {  	s1 =	sld [smem:$0x3FAF]  }
0x28: {  	s2 =	sld [smem:$0x3FB0]  }
0x29: {  	s4 =	sld [smem:$0x3FB2]  }
0x2a: {  	p0 =	seq.s32 s5, $0x0;
	s5 =	sld [smem:$0x3FB3]  }
0x2b: {  	s6 =	sld [smem:$0x3FB4]  }
0x2c: {  	s7 =	sld [smem:$0x3FB5]  }
0x2d: {  	s3 =	simm.s32 $0x108;
	s8 =	sld [smem:$0x3FB6]  }
0x2e: {  	s3 =	simm.s32 @!p0 $0x1082;
	s9 =	sld [smem:$0x3FB7]  }
0x2f: {  	lr =	sadd.s32 s0, s3;
	s0 =	sld [smem:$0x3FAE]  }
0x30: {  	s3 =	sld [smem:$0x3FB1]  }
0x31: {  	[smem:$0x3FBA] =	sst s10  }
0x32: {  	s10 =	sld [smem:$0x3FB8];
	_ =	sdelay $0x3  }
0x33: {  	p0 =	seq.s32 s10, $0x1;
	s10 =	sld [smem:$0x3FBA];
	_ =	sdelay $0x3  }
0x34: {  	[smem:$0x3FBA] =	sst s10  }
0x35: {  	s10 =	sld [smem:$0x3FB9];
	_ =	sdelay $0x3  }
0x36: {  	p1 =	seq.s32 s10, $0x1;
	s10 =	sld [smem:$0x3FBA];
	_ =	sdelay $0x3  }
0x37: {  	[smem:$0x3FBA] =	sst s10  }
0x38: {  	s10 =	sld [smem:$0x3FBB]  }
0x39: {  	_ = 	snop;
	(pc) =	sbr.ind lr, $3  }
0x3a: {  	_ = 	snop  }
0x3b: {  	_ = 	snop  }
0x3c: {  	p2 =	seq.s32 s10, $0x1;
	s10 =	sld [smem:$0x3FBA]  }
0x3d: {  	_ =	shalt  }
0x3e: {  	_ =	shalt  }
0x3f: {  	_ =	shalt  }
0x40: {  	_ =	shalt  }
0x41: {  	_ =	shalt  }
0x42: {  	_ =	shalt  }
0x43: {  	_ =	shalt  }
0x44: {  	_ =	shalt  }
0x45: {  	_ =	shalt  }
0x46: {  	_ =	shalt  }
0x47: {  	_ =	shalt  }
0x48: {  	_ =	shalt  }
0x49: {  	_ =	shalt  }
0x4a: {  	_ =	shalt  }
0x4b: {  	_ =	shalt  }
0x4c: {  	_ =	shalt  }
0x4d: {  	_ =	shalt  }
0x4e: {  	_ =	shalt  }
0x4f: {  	_ =	shalt  }
0x50: {  	_ =	shalt  }
0x51: {  	_ =	shalt  }
0x52: {  	_ =	shalt  }
0x53: {  	_ =	shalt  }
0x54: {  	_ =	shalt  }
0x55: {  	_ =	shalt  }
0x56: {  	_ =	shalt  }
0x57: {  	_ =	shalt  }
0x58: {  	_ =	shalt  }
0x59: {  	_ =	shalt  }
0x5a: {  	_ =	shalt  }
0x5b: {  	_ =	shalt  }
0x5c: {  	_ =	shalt  }
0x5d: {  	_ =	shalt  }
0x5e: {  	_ =	shalt  }
0x5f: {  	_ =	shalt  }
0x60: {  	_ =	shalt  }
0x61: {  	_ =	shalt  }
0x62: {  	_ =	shalt  }
0x63: {  	_ =	shalt  }
0x64: {  	_ =	shalt  }
0x65: {  	_ =	shalt  }
0x66: {  	_ =	shalt  }
0x67: {  	_ =	shalt  }
0x68: {  	_ =	shalt  }
0x69: {  	_ =	shalt  }
0x6a: {  	_ =	shalt  }
0x6b: {  	_ =	shalt  }
0x6c: {  	_ =	shalt  }
0x6d: {  	_ =	shalt  }
0x6e: {  	_ =	shalt  }
0x6f: {  	_ =	shalt  }
0x70: {  	_ =	shalt  }
0x71: {  	_ =	shalt  }
0x72: {  	_ =	shalt  }
0x73: {  	_ =	shalt  }
0x74: {  	_ =	shalt  }
0x75: {  	_ =	shalt  }
0x76: {  	_ =	shalt  }
0x77: {  	_ =	shalt  }
0x78: {  	_ =	shalt  }
0x79: {  	_ =	shalt  }
0x7a: {  	_ =	shalt  }
0x7b: {  	_ =	shalt  }
0x7c: {  	_ =	shalt  }
0x7d: {  	_ =	shalt  }
0x7e: {  	_ =	shalt  }
0x7f: {  	_ =	shalt  }
0x80: {  	_ =	shalt  }
0x81: {  	_ =	shalt  }
0x82: {  	_ =	shalt  }
0x83: {  	_ =	shalt  }
0x84: {  	_ =	shalt  }
0x85: {  	_ =	shalt  }
0x86: {  	_ =	shalt  }
0x87: {  	_ =	shalt  }
.Lfunc_end0:
.L_simem_size_0:
called_computation_lowered:
.L_overlay_start_0:
0x88: {  	s0 =	sld [smem:$0x3FD9]  }
0x89: {  	s1 =	sld [smem:$0x3FFE];
	_ =	sdelay $0x3  }
0x8a: {  	s0 =	sadd.s32 s1, s0  }
0x8b: {  	[smem:$0x3FC6] =	sst s0  }
0x8c: {  	_ = 	snop  }
0x8d: {  	s16 =	sld [smem:$0x3FC9];
	(tm) =	ssettm $0x1  }
0x8e: {  	s2 =	sld [smem:$0x3FFB];
	_ =	sdelay $0x3  }
0x8f: {  	_ =	strace s2  }
0x90: {  	s2 =	sld [smem:$0x3FFC];
	_ =	sdelay $0x3  }
0x91: {  	_ =	strace s2  }
0x92: {  	s2 =	sld [smem:$0x3FFD];
	_ =	sdelay $0x3  }
0x93: {  	_ =	strace s2  }
0x94: {  	_ =	strace $0x8FFFFFFF  }
0x95: {  	s17 =	sld [smem:$0x3FDB];
	_ =	sdelay $0x1  }
0x96: {  	s3 =	simm.s32 $_scs_section_size  }
0x97: {  	s4 =	simm.s32 $_size__tile_overlayer_lowered;
	s5 =	simm.s32 $_tile_overlayer_lowered  }
0x98: {  	s20 =	simm.s32 $0x1BFF;
	s19 =	sshll.u32 s5, $0x1;
	s2 =	sadd.s32 s3, s17  }
0x99: {  	s6 =	simm.s32 $0x0;
	s18 =	sshll.u32 s4, $0x1;
	s4 =	sadd.s32 s19, s2  }
0x9a: {  	[timem:s6], [sflag:s20] =	dma.local [hbm:s4], s18  }
0x9b: {  	_ =	swait.ge [sflag:s20], s18  }
0x9c: {  	s3 =	ssub.s32 $0x0, s18;
	[sflag:s20] =	ssyncset.done $0x0  }
0x9d: {  	[sflag:s20] =	ssyncadd.s32 s3;
	_ =	sdelay $0x1  }
0x9e: {  	s21 =	simm.s32 $0x1B8B  }
0x9f: {  	_ =	swait.ge [sflag:s21], $0x1  }
0xa0: {  	[sflag:s21] =	ssyncset.done $0x0  }
0xa1: {  	s23 =	simm.s32 $0x1B8E;
	s22 =	sld [smem:$0x3FFE];
	[sflag:s21] =	ssyncadd.s32 $0xFFFFFFFF  }
0xa2: {  	s24 =	simm.s32 $execute0_lowered;
	[smem:$0x3FD2] =	sst s23  }
0xa3: {  	s4 =	sshll.u32 s24, $0x1;
	_ =	strace $0x80000046;
	[dreg:$0x1] =	wrdreg $0xFFFFFFFF  }
0xa4: {  	s25 =	simm.s32 $_size_execute0_lowered;
	s2 =	sadd.s32 s2, s4;
	[dreg:$0x0] =	wrdreg $0x0  }
0xa5: {  	s4 =	sshll.u32 s25, $0x1;
	[dreg:$0x2] =	wrdreg s2  }
0xa6: {  	[dreg:$0x3] =	wrdreg s4  }
0xa7: {  	[dreg:$0x4] =	wrdreg $0xC0  }
0xa8: {  	_ =	task [dreg:s6], $0x5FFFF  }
0xa9: {  	[dreg:$0x1] =	wrdreg $0xFFFFFFFF  }
0xaa: {  	[dreg:$0x0] =	wrdreg $0x60  }
0xab: {  	[dreg:$0x2] =	wrdreg s16  }
0xac: {  	[dreg:$0x3] =	wrdreg s22  }
0xad: {  	s0 =	sadd.s32 $0x400, s0;
	[dreg:$0x4] =	wrdreg $0x0  }
0xae: {  	[dreg:$0x5] =	wrdreg s0  }
0xaf: {  	[dreg:$0x6] =	wrdreg $0x9  }
0xb0: {  	_ =	task.clear_ibuf [dreg:s6], $0x7FFFF;
	_ =	strace $0x90000046  }
0xb1: {  	s26 =	simm.s32 $0x9;
	_ =	strace $0x8000004E  }
0xb2: {  	_ =	swait.ge [sflag:s26], $0x1  }
0xb3: {  	[sflag:s26] =	ssyncadd.s32 $0xFFFFFFFF  }
0xb4: {  	_ =	strace $0x9000004E  }
0xb5: {  	_ =	sfence  }
0xb6: {  	s28 =	sld [smem:$0x0];
	_ =	sdelay $0x1  }
0xb7: {  	s29 =	srdreg.scid  }
0xb8: {  	s30 =	sshll.u32 s29, $0xD;
	s31 =	sshrl.u32 s29, $0x2  }
0xb9: {  	s1 =	sand.u32 $0x1, s29;
	s2 =	sand.u32 $0x4000, s30;
	s0 =	sadd.s32 s31, s28  }
0xba: {  	s1 =	sor.u32 s2, s1;
	s0 =	sshll.u32 s0, $0x11  }
0xbb: {  	s0 =	sor.u32 s0, s1  }
0xbc: {  	s0 =	sadd.s32 $0x8F2B, s0  }
0xbd: {  	[sflag:s0] =	ssyncadd.remote.s32 $0x1  }
0xbe: {  	_ =	sfence.sel $0xFFFF  }
0xbf: {  	[dreg:$0x0] =	wrdreg $0xFFFFFFFF;
	(pc) =	sbr.abs _section_cstart, $3  }
0xc0: {  	[dreg:$0x1] =	wrdreg $0xFFFFFFFF  }
0xc1: {  	_ =	task.clear_ibuf [dreg:s6], $0x2FFFF;
	_ =	strace $0x9FFFFFFF  }
0xc2: {  	(tm) =	ssettm $0x7FFFFFFF  }
0xc3: {  	_ =	shalt  }
tec
execute0_lowered:
.L_overlay_start_1:
0x0: {  	(tag) =	ssettag $0x1  }
0x1: {  	s1 =	rddreg [dreg:$0x0]  }
0x2: {  	s3 =	rddreg [dreg:$0x1]  }
0x3: {  	s6 =	rddreg [dreg:$0x2]  }
0x4: {  	s4 =	rddreg [dreg:$0x3];
	s2 =	simm.s32 $0x0  }
0x5: {  	[smem:$0x7FF] =	sst s2  }
0x6: {  	s0 =	rddreg [dreg:$0x4];
	_ =	strace $0x80000047  }
0x7: {  	s5 =	simm.s32 $0x400;
	s31 =	simm.s32 $0xC;
	_ =	strace $0x80000048  }
0x8: {  	[tilespmem:s5], [sflag:$0xC] =	stream.linear.gather [hbm4b:s1+s2], $0x4000, $0x200038;
	[tilespmem:$0x1EC00] =	vst v63  }
0x9: {  	_ =	swait.ge [sflag:s31], $0x4000  }
0xa: {  	[sflag:s31] =	ssyncset.done $0x0  }
0xb: {  	s1 =	stileid.u32;
	[sflag:s31] =	ssyncadd.s32 $0xFFFFC000  }
0xc: {  	s5 =	sshll.u32 s1, $0xA;
	_ =	strace $0x90000048  }
0xd: {  	s9 =	sadd.s32 $0x420, s5;
	_ =	strace $0x80000049  }
0xe: {  	v0 =	vld [tilespmem:s9+$0xFFFFFFE0];
	_ =	sdelay $0x4  }
0xf: {  	(xrf1) =	vunique.msk.u32 $0xffff, v0;
	_ =	sdelay $0xd  }
0x10: {  	v1 =	vor.u32 $0x80000000, v0;
	_, v2, vm0 =	vpop (xrf1)  }
0x11: {  	s7 =	simm.s32 $0x14420;
	v0 =	vsel vm0, v1, v0  }
0x12: {  	[tilespmem:s7+$0xFFFFFFE0] =	vst v0  }
0x13: {  	v0 =	vld [tilespmem:s9+$0xFFFFFFF0];
	_ =	sdelay $0x4  }
0x14: {  	(xrf1) =	vunique.msk.u32 $0xffff, v0;
	_ =	sdelay $0xd  }
0x15: {  	v61 =	vor.u32 $0x80000000, v0;
	_, v2, vm13 =	vpop (xrf1)  }
0x16: {  	v0 =	vsel vm13, v61, v0  }
0x17: {  	[tilespmem:s7+$0xFFFFFFF0] =	vst v0  }
0x18: {  	v0 =	vld [tilespmem:s9+$0x0];
	_ =	sdelay $0x4  }
0x19: {  	(xrf1) =	vunique.msk.u32 $0xffff, v0;
	_ =	sdelay $0xd  }
0x1a: {  	v62 =	vor.u32 $0x80000000, v0;
	_, v2, vm14 =	vpop (xrf1)  }
0x1b: {  	v0 =	vsel vm14, v62, v0  }
0x1c: {  	[tilespmem:s7+$0x0] =	vst v0  }
0x1d: {  	v0 =	vld [tilespmem:s9+$0x10];
	_ =	sdelay $0x4  }
0x1e: {  	(xrf1) =	vunique.msk.u32 $0xffff, v0;
	_ =	sdelay $0xd  }
0x1f: {  	v63 =	vor.u32 $0x80000000, v0;
	_, v2, vm15 =	vpop (xrf1)  }
0x20: {  	s8 =	simm.s32 $0x0;
	v0 =	vsel vm15, v63, v0  }
0x21: {  	s2 =	sadd.s32 $0x400, s3;
	s3 =	sadd.s32 $0x40400, s3;
	s9 =	sadd.s32 $0x40, s9;
	[tilespmem:s7+$0x10] =	vst v0  }
.LBB2_1:
0x22: {  	v0 =	vld [tilespmem:s9+$0xFFFFFFE0];
	s8 =	sadd.s32 $0x4, s8  }
0x23: {  	p0 =	slt.u32 s8, $0x3C;
	_ =	sdelay $0x3  }
0x24: {  	(xrf1) =	vunique.msk.u32 $0xffff, v0;
	_ =	sdelay $0xd  }
0x25: {  	v1 =	vor.u32 $0x80000000, v0;
	_, v2, vm0 =	vpop (xrf1)  }
0x26: {  	s7 =	sadd.s32 $0x40, s7;
	v0 =	vsel vm0, v1, v0  }
0x27: {  	[tilespmem:s7+$0xFFFFFFE0] =	vst v0  }
0x28: {  	v0 =	vld [tilespmem:s9+$0xFFFFFFF0];
	_ =	sdelay $0x4  }
0x29: {  	(xrf1) =	vunique.msk.u32 $0xffff, v0;
	_ =	sdelay $0xd  }
0x2a: {  	v1 =	vor.u32 $0x80000000, v0;
	_, v2, vm0 =	vpop (xrf1)  }
0x2b: {  	v0 =	vsel vm0, v1, v0  }
0x2c: {  	[tilespmem:s7+$0xFFFFFFF0] =	vst v0  }
0x2d: {  	v0 =	vld [tilespmem:s9+$0x0];
	_ =	sdelay $0x4  }
0x2e: {  	(xrf1) =	vunique.msk.u32 $0xffff, v0;
	_ =	sdelay $0xd  }
0x2f: {  	v1 =	vor.u32 $0x80000000, v0;
	_, v2, vm0 =	vpop (xrf1)  }
0x30: {  	v0 =	vsel vm0, v1, v0  }
0x31: {  	[tilespmem:s7+$0x0] =	vst v0  }
0x32: {  	v0 =	vld [tilespmem:s9+$0x10];
	_ =	sdelay $0x4  }
0x33: {  	(xrf1) =	vunique.msk.u32 $0xffff, v0;
	_ =	sdelay $0xb  }
.Ltmp0:
0x34: {  	(pc) =	sbr.rel @p0 .LBB2_1-.Ltmp0, $4  }
0x35: {  	_ = 	snop  }
0x36: {  	v1 =	vor.u32 $0x80000000, v0;
	_, v2, vm0 =	vpop (xrf1)  }
0x37: {  	v0 =	vsel vm0, v1, v0  }
0x38: {  	s9 =	sadd.s32 $0x40, s9;
	[tilespmem:s7+$0x10] =	vst v0  }
0x39: {  	s7 =	sadd.s32 s5, s6;
	s8 =	simm.s32 $0x14400;
	s30 =	simm.s32 $0xC  }
0x3a: {  	[spmem:s7] =	stream.linear.scatter [tilespmem:s8], [sflag:$0xC], $0x400, $0x200038;
	[tilespmem:$0x1EC00] =	vst v63  }
0x3b: {  	_ =	swait.ge [sflag:s30], $0x400  }
0x3c: {  	[sflag:s30] =	ssyncset.done $0x0  }
0x3d: {  	[sflag:s30] =	ssyncadd.s32 $0xFFFFFC00  }
0x3e: {  	s31 =	simm.s32 $0x400;
	[bflag:$0x0] =	sbarrier.arrive $0xFFFF  }
0x3f: {  	[tilespmem:s31], [sflag:$0xC] =	stream.linear.gather [spmem:s6], $0x4000, $0x200038;
	[tilespmem:$0x1EC00] =	vst v63  }
0x40: {  	_ =	swait.ge [sflag:s30], $0x4000  }
0x41: {  	[sflag:s30] =	ssyncset.done $0x0  }
0x42: {  	[sflag:s30] =	ssyncadd.s32 $0xFFFFC000  }
0x43: {  	s9 =	simm.s32 $0x4400;
	s7 =	simm.s32 $0x70;
	_ =	strace $0x90000049  }
0x44: {  	v0 =	vmov s1;
	v1 =	vlaneseq.u32;
	s8 =	simm.s32 $0x440;
	s6 =	simm.s32 $0xFFFFFFF8;
	_ =	strace $0x8000004A  }
.LBB2_3:
0x45: {  	v2 =	vld [tilespmem:s8+$0xFFFFFFC0];
	_ =	sdelay $0x4  }
0x46: {  	v3 =	vshrl.u32 v2, $0x10  }
0x47: {  	v3 =	vand.u32 $0xF, v3  }
0x48: {  	vm0 =	vlt.s32 v2, $0x0;
	vm1 =	veq.s32 v3, v0  }
0x49: {  	vm0 =	vmand vm0, vm1  }
0x4a: {  	v2 =	vand.u32 $0xFFFF, v2;
	_ =	sdelay $0x2  }
0x4b: {  	s10 =	sadd.s32 $0xFFFFFF90, s7  }
0x4c: {  	v3 =	vor.u32 s10, v1  }
0x4d: {  	[tilespmem:v2+s9+$0x0] =	vst.idx.msk vm0, v3  }
0x4e: {  	v2 =	vld [tilespmem:s8+$0xFFFFFFD0];
	_ =	sdelay $0x4  }
0x4f: {  	v3 =	vshrl.u32 v2, $0x10  }
0x50: {  	v3 =	vand.u32 $0xF, v3  }
0x51: {  	vm14 =	vlt.s32 v2, $0x0;
	vm15 =	veq.s32 v3, v0  }
0x52: {  	vm0 =	vmand vm14, vm15  }
0x53: {  	v2 =	vand.u32 $0xFFFF, v2;
	_ =	sdelay $0x2  }
0x54: {  	s25 =	sadd.s32 $0xFFFFFFA0, s7  }
0x55: {  	v3 =	vor.u32 s25, v1  }
0x56: {  	[tilespmem:v2+s9+$0x0] =	vst.idx.msk vm0, v3  }
0x57: {  	v2 =	vld [tilespmem:s8+$0xFFFFFFE0];
	_ =	sdelay $0x4  }
0x58: {  	v3 =	vshrl.u32 v2, $0x10  }
0x59: {  	v3 =	vand.u32 $0xF, v3  }
0x5a: {  	vm4 =	vlt.s32 v2, $0x0;
	vm5 =	veq.s32 v3, v0  }
0x5b: {  	vm0 =	vmand vm4, vm5  }
0x5c: {  	v2 =	vand.u32 $0xFFFF, v2;
	_ =	sdelay $0x2  }
0x5d: {  	s26 =	sadd.s32 $0xFFFFFFB0, s7  }
0x5e: {  	v3 =	vor.u32 s26, v1  }
0x5f: {  	[tilespmem:v2+s9+$0x0] =	vst.idx.msk vm0, v3  }
0x60: {  	v2 =	vld [tilespmem:s8+$0xFFFFFFF0];
	_ =	sdelay $0x4  }
0x61: {  	v3 =	vshrl.u32 v2, $0x10  }
0x62: {  	v3 =	vand.u32 $0xF, v3  }
0x63: {  	vm6 =	vlt.s32 v2, $0x0;
	vm7 =	veq.s32 v3, v0  }
0x64: {  	vm0 =	vmand vm6, vm7  }
0x65: {  	v2 =	vand.u32 $0xFFFF, v2;
	_ =	sdelay $0x2  }
0x66: {  	s28 =	sadd.s32 $0xFFFFFFC0, s7  }
0x67: {  	v3 =	vor.u32 s28, v1  }
0x68: {  	[tilespmem:v2+s9+$0x0] =	vst.idx.msk vm0, v3  }
0x69: {  	v2 =	vld [tilespmem:s8+$0x0];
	_ =	sdelay $0x4  }
0x6a: {  	v3 =	vshrl.u32 v2, $0x10  }
0x6b: {  	v3 =	vand.u32 $0xF, v3  }
0x6c: {  	vm8 =	vlt.s32 v2, $0x0;
	vm9 =	veq.s32 v3, v0  }
0x6d: {  	vm0 =	vmand vm8, vm9  }
0x6e: {  	v2 =	vand.u32 $0xFFFF, v2;
	_ =	sdelay $0x2  }
0x6f: {  	s29 =	sadd.s32 $0xFFFFFFD0, s7  }
0x70: {  	v3 =	vor.u32 s29, v1  }
0x71: {  	[tilespmem:v2+s9+$0x0] =	vst.idx.msk vm0, v3  }
0x72: {  	v2 =	vld [tilespmem:s8+$0x10];
	_ =	sdelay $0x4  }
0x73: {  	v3 =	vshrl.u32 v2, $0x10  }
0x74: {  	v3 =	vand.u32 $0xF, v3  }
0x75: {  	vm10 =	vlt.s32 v2, $0x0;
	vm11 =	veq.s32 v3, v0  }
0x76: {  	vm0 =	vmand vm10, vm11  }
0x77: {  	v2 =	vand.u32 $0xFFFF, v2;
	_ =	sdelay $0x2  }
0x78: {  	s30 =	sadd.s32 $0xFFFFFFE0, s7  }
0x79: {  	v3 =	vor.u32 s30, v1  }
0x7a: {  	[tilespmem:v2+s9+$0x0] =	vst.idx.msk vm0, v3  }
0x7b: {  	v2 =	vld [tilespmem:s8+$0x20];
	_ =	sdelay $0x4  }
0x7c: {  	v3 =	vshrl.u32 v2, $0x10  }
0x7d: {  	v3 =	vand.u32 $0xF, v3  }
0x7e: {  	vm12 =	vlt.s32 v2, $0x0;
	vm13 =	veq.s32 v3, v0  }
0x7f: {  	vm0 =	vmand vm12, vm13  }
0x80: {  	v2 =	vand.u32 $0xFFFF, v2;
	_ =	sdelay $0x2  }
0x81: {  	s31 =	sadd.s32 $0xFFFFFFF0, s7  }
0x82: {  	v3 =	vor.u32 s31, v1  }
0x83: {  	[tilespmem:v2+s9+$0x0] =	vst.idx.msk vm0, v3  }
0x84: {  	v2 =	vld [tilespmem:s8+$0x30];
	_ =	sdelay $0x4  }
0x85: {  	v3 =	vshrl.u32 v2, $0x10  }
0x86: {  	v3 =	vand.u32 $0xF, v3  }
0x87: {  	vm14 =	vlt.s32 v2, $0x0;
	vm15 =	veq.s32 v3, v0  }
0x88: {  	s6 =	sadd.s32 $0x8, s6;
	vm0 =	vmand vm14, vm15  }
0x89: {  	p0 =	slt.u32 s6, $0x3F8;
	v2 =	vand.u32 $0xFFFF, v2  }
.Ltmp1:
0x8a: {  	_ = 	snop;
	(pc) =	sbr.rel @p0 .LBB2_3-.Ltmp1, $3  }
0x8b: {  	_ =	sdelay $0x1  }
0x8c: {  	v3 =	vor.u32 s7, v1  }
0x8d: {  	s8 =	sadd.s32 $0x80, s8;
	s7 =	sadd.s32 $0x80, s7;
	[tilespmem:v2+s9+$0x0] =	vst.idx.msk vm0, v3  }
0x8e: {  	_ =	strace $0x9000004A  }
0x8f: {  	s6 =	sshll.u32 s1, $0xD;
	s7 =	simm.s32 $0x0;
	s8 =	simm.s32 $0x4400  }
0x90: {  	s30 =	simm.s32 $0xC;
	_ =	strace $0x8000004B;
	s6 =	sadd.s32 s6, s4  }
0x91: {  	[hbm4b:s6+s7] =	stream.linear.scatter [tilespmem:s8], [sflag:$0xC], $0x10000, $0x200038;
	[tilespmem:$0x1EC00] =	vst v63  }
0x92: {  	_ =	swait.ge [sflag:s30], $0x10000  }
0x93: {  	[sflag:s30] =	ssyncset.done $0x0  }
0x94: {  	[sflag:s30] =	ssyncadd.s32 $0xFFFF0000  }
0x95: {  	[bflag:$0x0] =	sbarrier.arrive $0xFFFF  }
0x96: {  	_ =	strace $0x9000004B  }
0x97: {  	s31 =	sadd.s32 $0x440, s5;
	_ =	strace $0x8000004C  }
0x98: {  	v0 =	vld [tilespmem:s31+$0xFFFFFFC0];
	_ =	sdelay $0x4  }
0x99: {  	s5 =	simm.s32 $0x14440;
	v0 =	vand.u32 $0x7FFFFFFF, v0  }
0x9a: {  	[tilespmem:s5+$0xFFFFFFC0] =	vst v0  }
0x9b: {  	v0 =	vld [tilespmem:s31+$0xFFFFFFD0];
	_ =	sdelay $0x4  }
0x9c: {  	v0 =	vand.u32 $0x7FFFFFFF, v0  }
0x9d: {  	[tilespmem:s5+$0xFFFFFFD0] =	vst v0  }
0x9e: {  	v0 =	vld [tilespmem:s31+$0xFFFFFFE0];
	_ =	sdelay $0x4  }
0x9f: {  	v0 =	vand.u32 $0x7FFFFFFF, v0  }
0xa0: {  	[tilespmem:s5+$0xFFFFFFE0] =	vst v0  }
0xa1: {  	v0 =	vld [tilespmem:s31+$0xFFFFFFF0];
	_ =	sdelay $0x4  }
0xa2: {  	v0 =	vand.u32 $0x7FFFFFFF, v0  }
0xa3: {  	[tilespmem:s5+$0xFFFFFFF0] =	vst v0  }
0xa4: {  	v0 =	vld [tilespmem:s31+$0x0];
	_ =	sdelay $0x4  }
0xa5: {  	v0 =	vand.u32 $0x7FFFFFFF, v0  }
0xa6: {  	[tilespmem:s5+$0x0] =	vst v0  }
0xa7: {  	v0 =	vld [tilespmem:s31+$0x10];
	_ =	sdelay $0x4  }
0xa8: {  	v0 =	vand.u32 $0x7FFFFFFF, v0  }
0xa9: {  	[tilespmem:s5+$0x10] =	vst v0  }
0xaa: {  	v0 =	vld [tilespmem:s31+$0x20];
	_ =	sdelay $0x4  }
0xab: {  	v0 =	vand.u32 $0x7FFFFFFF, v0  }
0xac: {  	[tilespmem:s5+$0x20] =	vst v0  }
0xad: {  	v0 =	vld [tilespmem:s31+$0x30];
	_ =	sdelay $0x4  }
0xae: {  	v0 =	vand.u32 $0x7FFFFFFF, v0  }
0xaf: {  	s6 =	simm.s32 $0x0;
	s7 =	sadd.s32 $0x80, s31;
	[tilespmem:s5+$0x30] =	vst v0  }
.LBB2_5:
0xb0: {  	v0 =	vld [tilespmem:s7+$0xFFFFFFC0];
	s6 =	sadd.s32 $0x8, s6  }
0xb1: {  	p0 =	slt.u32 s6, $0x38;
	_ =	sdelay $0x3  }
0xb2: {  	s5 =	sadd.s32 $0x80, s5;
	v0 =	vand.u32 $0x7FFFFFFF, v0  }
0xb3: {  	[tilespmem:s5+$0xFFFFFFC0] =	vst v0  }
0xb4: {  	v0 =	vld [tilespmem:s7+$0xFFFFFFD0];
	_ =	sdelay $0x4  }
0xb5: {  	v0 =	vand.u32 $0x7FFFFFFF, v0  }
0xb6: {  	[tilespmem:s5+$0xFFFFFFD0] =	vst v0  }
0xb7: {  	v0 =	vld [tilespmem:s7+$0xFFFFFFE0];
	_ =	sdelay $0x4  }
0xb8: {  	v0 =	vand.u32 $0x7FFFFFFF, v0  }
0xb9: {  	[tilespmem:s5+$0xFFFFFFE0] =	vst v0  }
0xba: {  	v0 =	vld [tilespmem:s7+$0xFFFFFFF0];
	_ =	sdelay $0x4  }
0xbb: {  	v0 =	vand.u32 $0x7FFFFFFF, v0  }
0xbc: {  	[tilespmem:s5+$0xFFFFFFF0] =	vst v0  }
0xbd: {  	v0 =	vld [tilespmem:s7+$0x0];
	_ =	sdelay $0x4  }
0xbe: {  	v0 =	vand.u32 $0x7FFFFFFF, v0  }
0xbf: {  	[tilespmem:s5+$0x0] =	vst v0  }
0xc0: {  	v0 =	vld [tilespmem:s7+$0x10];
	_ =	sdelay $0x4  }
0xc1: {  	v0 =	vand.u32 $0x7FFFFFFF, v0  }
0xc2: {  	[tilespmem:s5+$0x10] =	vst v0  }
0xc3: {  	v0 =	vld [tilespmem:s7+$0x20];
	_ =	sdelay $0x4  }
0xc4: {  	v0 =	vand.u32 $0x7FFFFFFF, v0  }
0xc5: {  	[tilespmem:s5+$0x20] =	vst v0  }
0xc6: {  	v0 =	vld [tilespmem:s7+$0x30];
	_ =	sdelay $0x1  }
.Ltmp2:
0xc7: {  	(pc) =	sbr.rel @p0 .LBB2_5-.Ltmp2, $3  }
0xc8: {  	_ =	sdelay $0x1  }
0xc9: {  	v0 =	vand.u32 $0x7FFFFFFF, v0  }
0xca: {  	s7 =	sadd.s32 $0x80, s7;
	[tilespmem:s5+$0x30] =	vst v0  }
0xcb: {  	s6 =	simm.s32 $0x80;
	s5 =	simm.s32 $0x14400;
	s7 =	simm.s32 $0x14800  }
0xcc: {  	[tilespmem:s7], [sflag:$0x1] =	stream.indirect.gather [hbm4b:s4+s6], $0x1, s5, s6, $0x2000b8;
	[tilespmem:$0x1EC00] =	vst v63  }
0xcd: {  	s30 =	simm.s32 $0x14480;
	s8 =	simm.s32 $0x14880  }
0xce: {  	[tilespmem:s8], [sflag:$0x1] =	stream.indirect.gather [hbm4b:s4+s6], $0x1, s30, s6, $0x2000b8;
	[tilespmem:$0x1EC00] =	vst v63  }
0xcf: {  	s31 =	simm.s32 $0x14500;
	s10 =	simm.s32 $0x14900  }
0xd0: {  	[tilespmem:s10], [sflag:$0x1] =	stream.indirect.gather [hbm4b:s4+s6], $0x1, s31, s6, $0x2000b8;
	[tilespmem:$0x1EC00] =	vst v63  }
0xd1: {  	s9 =	simm.s32 $0x14580;
	s17 =	simm.s32 $0x14980  }
0xd2: {  	[tilespmem:s17], [sflag:$0x1] =	stream.indirect.gather [hbm4b:s4+s6], $0x1, s9, s6, $0x2000b8;
	[tilespmem:$0x1EC00] =	vst v63  }
0xd3: {  	s11 =	simm.s32 $0x14600;
	s21 =	simm.s32 $0x14A00  }
0xd4: {  	[tilespmem:s21], [sflag:$0x1] =	stream.indirect.gather [hbm4b:s4+s6], $0x1, s11, s6, $0x2000b8;
	[tilespmem:$0x1EC00] =	vst v63  }
0xd5: {  	s12 =	simm.s32 $0x14680;
	s16 =	simm.s32 $0x14A80  }
0xd6: {  	[tilespmem:s16], [sflag:$0x1] =	stream.indirect.gather [hbm4b:s4+s6], $0x1, s12, s6, $0x2000b8;
	[tilespmem:$0x1EC00] =	vst v63  }
0xd7: {  	s13 =	simm.s32 $0x14700;
	s12 =	simm.s32 $0x14B00  }
0xd8: {  	[tilespmem:s12], [sflag:$0x1] =	stream.indirect.gather [hbm4b:s4+s6], $0x1, s13, s6, $0x2000b8;
	[tilespmem:$0x1EC00] =	vst v63  }
0xd9: {  	s14 =	simm.s32 $0x1;
	s5 =	simm.s32 $0x14B80;
	s9 =	simm.s32 $0x14780  }
0xda: {  	[tilespmem:s5], [sflag:$0x1] =	stream.indirect.gather [hbm4b:s4+s6], $0x1, s9, s6, $0x2000b8;
	[tilespmem:$0x1EC00] =	vst v63  }
0xdb: {  	_ =	swait.ge [sflag:s14], $0x80  }
0xdc: {  	[sflag:s14] =	ssyncset.done $0x0  }
0xdd: {  	[sflag:s14] =	ssyncadd.s32 $0xFFFFFF80  }
0xde: {  	_ =	swait.ge [sflag:s14], $0x80  }
0xdf: {  	[sflag:s14] =	ssyncset.done $0x0  }
0xe0: {  	[sflag:s14] =	ssyncadd.s32 $0xFFFFFF80  }
0xe1: {  	_ =	swait.ge [sflag:s14], $0x80  }
0xe2: {  	[sflag:s14] =	ssyncset.done $0x0  }
0xe3: {  	[sflag:s14] =	ssyncadd.s32 $0xFFFFFF80  }
0xe4: {  	_ =	swait.ge [sflag:s14], $0x80  }
0xe5: {  	[sflag:s14] =	ssyncset.done $0x0  }
0xe6: {  	[sflag:s14] =	ssyncadd.s32 $0xFFFFFF80  }
0xe7: {  	_ =	swait.ge [sflag:s14], $0x80  }
0xe8: {  	[sflag:s14] =	ssyncset.done $0x0  }
0xe9: {  	[sflag:s14] =	ssyncadd.s32 $0xFFFFFF80  }
0xea: {  	_ =	swait.ge [sflag:s14], $0x80  }
0xeb: {  	[sflag:s14] =	ssyncset.done $0x0  }
0xec: {  	[sflag:s14] =	ssyncadd.s32 $0xFFFFFF80  }
0xed: {  	_ =	swait.ge [sflag:s14], $0x80  }
0xee: {  	[sflag:s14] =	ssyncset.done $0x0  }
0xef: {  	[sflag:s14] =	ssyncadd.s32 $0xFFFFFF80  }
0xf0: {  	_ =	swait.ge [sflag:s14], $0x80  }
0xf1: {  	[sflag:s14] =	ssyncset.done $0x0  }
0xf2: {  	[sflag:s14] =	ssyncadd.s32 $0xFFFFFF80  }
0xf3: {  	_ =	strace $0x9000004C  }
0xf4: {  	s4 =	simm.s32 $0x14C00;
	s14 =	simm.s32 $0x40;
	_ =	strace $0x8000004D  }
0xf5: {  	[tilespmem:s4], [sflag:$0x2] =	stream.indirect.gather [hbm4b:s2+s14], $0x80, s7, s14, $0x2000b8;
	[tilespmem:$0x1EC00] =	vst v63  }
0xf6: {  	s15 =	simm.s32 $0x14840;
	s13 =	simm.s32 $0x16C00  }
0xf7: {  	[tilespmem:s13], [sflag:$0x3] =	stream.indirect.gather [hbm4b:s2+s14], $0x80, s15, s14, $0x2000b8;
	[tilespmem:$0x1EC00] =	vst v63  }
0xf8: {  	s11 =	simm.s32 $0x18C00  }
0xf9: {  	[tilespmem:s11], [sflag:$0x4] =	stream.indirect.gather [hbm4b:s2+s14], $0x80, s8, s14, $0x2000b8;
	[tilespmem:$0x1EC00] =	vst v63  }
0xfa: {  	s18 =	simm.s32 $0x148C0;
	s9 =	simm.s32 $0x1AC00  }
0xfb: {  	[tilespmem:s9], [sflag:$0x5] =	stream.indirect.gather [hbm4b:s2+s14], $0x80, s18, s14, $0x2000b8;
	[tilespmem:$0x1EC00] =	vst v63  }
0xfc: {  	s6 =	simm.s32 $0x2;
	s7 =	simm.s32 $0x1CC00  }
0xfd: {  	[tilespmem:s7], [sflag:$0x6] =	stream.indirect.gather [hbm4b:s2+s14], $0x80, s10, s14, $0x2000b8;
	[tilespmem:$0x1EC00] =	vst v63  }
0xfe: {  	s19 =	sshll.u32 s1, $0xE;
	_ =	swait.ge [sflag:s6], $0x2000  }
0xff: {  	s8 =	sadd.s32 s3, s19;
	[sflag:s6] =	ssyncset.done $0x0  }
0x100: {  	s3 =	simm.s32 $0x7;
	s10 =	simm.s32 $0x0;
	[sflag:s6] =	ssyncadd.s32 $0xFFFFE000  }
0x101: {  	[hbm4b:s8+s10] =	stream.linear.scatter [tilespmem:s4], [sflag:$0x7], $0x2000, $0x200038;
	[tilespmem:$0x1EC00] =	vst v63  }
0x102: {  	_ =	swait.ge [sflag:s3], $0x2000  }
0x103: {  	[sflag:s3] =	ssyncset.done $0x0  }
0x104: {  	s15 =	simm.s32 $0x14940;
	s19 =	simm.s32 $0x3;
	[sflag:s3] =	ssyncadd.s32 $0xFFFFE000  }
0x105: {  	[tilespmem:s4], [sflag:$0x2] =	stream.indirect.gather [hbm4b:s2+s14], $0x80, s15, s14, $0x2000b8;
	[tilespmem:$0x1EC00] =	vst v63  }
0x106: {  	_ =	swait.ge [sflag:s19], $0x2000  }
0x107: {  	[sflag:s19] =	ssyncset.done $0x0  }
0x108: {  	s20 =	sadd.s32 $0x400, s8;
	s15 =	simm.s32 $0x8;
	[sflag:s19] =	ssyncadd.s32 $0xFFFFE000  }
0x109: {  	[hbm4b:s20+s10] =	stream.linear.scatter [tilespmem:s13], [sflag:$0x8], $0x2000, $0x200038;
	[tilespmem:$0x1EC00] =	vst v63  }
0x10a: {  	_ =	swait.ge [sflag:s15], $0x2000  }
0x10b: {  	[sflag:s15] =	ssyncset.done $0x0  }
0x10c: {  	s20 =	simm.s32 $0x4;
	[sflag:s15] =	ssyncadd.s32 $0xFFFFE000  }
0x10d: {  	[tilespmem:s13], [sflag:$0x3] =	stream.indirect.gather [hbm4b:s2+s14], $0x80, s17, s14, $0x2000b8;
	[tilespmem:$0x1EC00] =	vst v63  }
0x10e: {  	_ =	swait.ge [sflag:s20], $0x2000  }
0x10f: {  	[sflag:s20] =	ssyncset.done $0x0  }
0x110: {  	s22 =	sadd.s32 $0x800, s8;
	s17 =	simm.s32 $0x9;
	[sflag:s20] =	ssyncadd.s32 $0xFFFFE000  }
0x111: {  	[hbm4b:s22+s10] =	stream.linear.scatter [tilespmem:s11], [sflag:$0x9], $0x2000, $0x200038;
	[tilespmem:$0x1EC00] =	vst v63  }
0x112: {  	_ =	swait.ge [sflag:s17], $0x2000  }
0x113: {  	[sflag:s17] =	ssyncset.done $0x0  }
0x114: {  	s18 =	simm.s32 $0x149C0;
	s22 =	simm.s32 $0x5;
	[sflag:s17] =	ssyncadd.s32 $0xFFFFE000  }
0x115: {  	[tilespmem:s11], [sflag:$0x4] =	stream.indirect.gather [hbm4b:s2+s14], $0x80, s18, s14, $0x2000b8;
	[tilespmem:$0x1EC00] =	vst v63  }
0x116: {  	_ =	swait.ge [sflag:s22], $0x2000  }
0x117: {  	[sflag:s22] =	ssyncset.done $0x0  }
0x118: {  	s23 =	sadd.s32 $0xC00, s8;
	s18 =	simm.s32 $0xA;
	[sflag:s22] =	ssyncadd.s32 $0xFFFFE000  }
0x119: {  	[hbm4b:s23+s10] =	stream.linear.scatter [tilespmem:s9], [sflag:$0xA], $0x2000, $0x200038;
	[tilespmem:$0x1EC00] =	vst v63  }
0x11a: {  	_ =	swait.ge [sflag:s18], $0x2000  }
0x11b: {  	[sflag:s18] =	ssyncset.done $0x0  }
0x11c: {  	s23 =	simm.s32 $0x6;
	[sflag:s18] =	ssyncadd.s32 $0xFFFFE000  }
0x11d: {  	[tilespmem:s9], [sflag:$0x5] =	stream.indirect.gather [hbm4b:s2+s14], $0x80, s21, s14, $0x2000b8;
	[tilespmem:$0x1EC00] =	vst v63  }
0x11e: {  	_ =	swait.ge [sflag:s23], $0x2000  }
0x11f: {  	[sflag:s23] =	ssyncset.done $0x0  }
0x120: {  	s24 =	sadd.s32 $0x1000, s8;
	s21 =	simm.s32 $0xB;
	[sflag:s23] =	ssyncadd.s32 $0xFFFFE000  }
0x121: {  	[hbm4b:s24+s10] =	stream.linear.scatter [tilespmem:s7], [sflag:$0xB], $0x2000, $0x200038;
	[tilespmem:$0x1EC00] =	vst v63  }
0x122: {  	_ =	swait.ge [sflag:s21], $0x2000  }
0x123: {  	[sflag:s21] =	ssyncset.done $0x0  }
0x124: {  	s24 =	simm.s32 $0x14A40;
	[sflag:s21] =	ssyncadd.s32 $0xFFFFE000  }
0x125: {  	[tilespmem:s7], [sflag:$0x6] =	stream.indirect.gather [hbm4b:s2+s14], $0x80, s24, s14, $0x2000b8;
	[tilespmem:$0x1EC00] =	vst v63  }
0x126: {  	_ =	swait.ge [sflag:s6], $0x2000  }
0x127: {  	[sflag:s6] =	ssyncset.done $0x0  }
0x128: {  	s25 =	sadd.s32 $0x1400, s8;
	[sflag:s6] =	ssyncadd.s32 $0xFFFFE000  }
0x129: {  	[hbm4b:s25+s10] =	stream.linear.scatter [tilespmem:s4], [sflag:$0x7], $0x2000, $0x200038;
	[tilespmem:$0x1EC00] =	vst v63  }
0x12a: {  	_ =	swait.ge [sflag:s3], $0x2000  }
0x12b: {  	[sflag:s3] =	ssyncset.done $0x0  }
0x12c: {  	[sflag:s3] =	ssyncadd.s32 $0xFFFFE000  }
0x12d: {  	[tilespmem:s4], [sflag:$0x2] =	stream.indirect.gather [hbm4b:s2+s14], $0x80, s16, s14, $0x2000b8;
	[tilespmem:$0x1EC00] =	vst v63  }
0x12e: {  	_ =	swait.ge [sflag:s19], $0x2000  }
0x12f: {  	[sflag:s19] =	ssyncset.done $0x0  }
0x130: {  	s26 =	sadd.s32 $0x1800, s8;
	[sflag:s19] =	ssyncadd.s32 $0xFFFFE000  }
0x131: {  	[hbm4b:s26+s10] =	stream.linear.scatter [tilespmem:s13], [sflag:$0x8], $0x2000, $0x200038;
	[tilespmem:$0x1EC00] =	vst v63  }
0x132: {  	_ =	swait.ge [sflag:s15], $0x2000  }
0x133: {  	[sflag:s15] =	ssyncset.done $0x0  }
0x134: {  	s28 =	simm.s32 $0x14AC0;
	[sflag:s15] =	ssyncadd.s32 $0xFFFFE000  }
0x135: {  	[tilespmem:s13], [sflag:$0x3] =	stream.indirect.gather [hbm4b:s2+s14], $0x80, s28, s14, $0x2000b8;
	[tilespmem:$0x1EC00] =	vst v63  }
0x136: {  	_ =	swait.ge [sflag:s20], $0x2000  }
0x137: {  	[sflag:s20] =	ssyncset.done $0x0  }
0x138: {  	s29 =	sadd.s32 $0x1C00, s8;
	[sflag:s20] =	ssyncadd.s32 $0xFFFFE000  }
0x139: {  	[hbm4b:s29+s10] =	stream.linear.scatter [tilespmem:s11], [sflag:$0x9], $0x2000, $0x200038;
	[tilespmem:$0x1EC00] =	vst v63  }
0x13a: {  	_ =	swait.ge [sflag:s17], $0x2000  }
0x13b: {  	[sflag:s17] =	ssyncset.done $0x0  }
0x13c: {  	[sflag:s17] =	ssyncadd.s32 $0xFFFFE000  }
0x13d: {  	[tilespmem:s11], [sflag:$0x4] =	stream.indirect.gather [hbm4b:s2+s14], $0x80, s12, s14, $0x2000b8;
	[tilespmem:$0x1EC00] =	vst v63  }
0x13e: {  	_ =	swait.ge [sflag:s22], $0x2000  }
0x13f: {  	[sflag:s22] =	ssyncset.done $0x0  }
0x140: {  	s30 =	sadd.s32 $0x2000, s8;
	[sflag:s22] =	ssyncadd.s32 $0xFFFFE000  }
0x141: {  	[hbm4b:s30+s10] =	stream.linear.scatter [tilespmem:s9], [sflag:$0xA], $0x2000, $0x200038;
	[tilespmem:$0x1EC00] =	vst v63  }
0x142: {  	_ =	swait.ge [sflag:s18], $0x2000  }
0x143: {  	[sflag:s18] =	ssyncset.done $0x0  }
0x144: {  	s31 =	simm.s32 $0x14B40;
	[sflag:s18] =	ssyncadd.s32 $0xFFFFE000  }
0x145: {  	[tilespmem:s9], [sflag:$0x5] =	stream.indirect.gather [hbm4b:s2+s14], $0x80, s31, s14, $0x2000b8;
	[tilespmem:$0x1EC00] =	vst v63  }
0x146: {  	_ =	swait.ge [sflag:s23], $0x2000  }
0x147: {  	[sflag:s23] =	ssyncset.done $0x0  }
0x148: {  	s16 =	sadd.s32 $0x2400, s8;
	[sflag:s23] =	ssyncadd.s32 $0xFFFFE000  }
0x149: {  	[hbm4b:s16+s10] =	stream.linear.scatter [tilespmem:s7], [sflag:$0xB], $0x2000, $0x200038;
	[tilespmem:$0x1EC00] =	vst v63  }
0x14a: {  	_ =	swait.ge [sflag:s21], $0x2000  }
0x14b: {  	[sflag:s21] =	ssyncset.done $0x0  }
0x14c: {  	[sflag:s21] =	ssyncadd.s32 $0xFFFFE000  }
0x14d: {  	[tilespmem:s7], [sflag:$0x6] =	stream.indirect.gather [hbm4b:s2+s14], $0x80, s5, s14, $0x2000b8;
	[tilespmem:$0x1EC00] =	vst v63  }
0x14e: {  	_ =	swait.ge [sflag:s6], $0x2000  }
0x14f: {  	[sflag:s6] =	ssyncset.done $0x0  }
0x150: {  	s24 =	sadd.s32 $0x2800, s8;
	[sflag:s6] =	ssyncadd.s32 $0xFFFFE000  }
0x151: {  	[hbm4b:s24+s10] =	stream.linear.scatter [tilespmem:s4], [sflag:$0x7], $0x2000, $0x200038;
	[tilespmem:$0x1EC00] =	vst v63  }
0x152: {  	_ =	swait.ge [sflag:s3], $0x2000  }
0x153: {  	[sflag:s3] =	ssyncset.done $0x0  }
0x154: {  	s25 =	simm.s32 $0x14BC0;
	[sflag:s3] =	ssyncadd.s32 $0xFFFFE000  }
0x155: {  	[tilespmem:s4], [sflag:$0x2] =	stream.indirect.gather [hbm4b:s2+s14], $0x80, s25, s14, $0x2000b8;
	[tilespmem:$0x1EC00] =	vst v63  }
0x156: {  	_ =	swait.ge [sflag:s19], $0x2000  }
0x157: {  	[sflag:s19] =	ssyncset.done $0x0  }
0x158: {  	s26 =	sadd.s32 $0x2C00, s8;
	[sflag:s19] =	ssyncadd.s32 $0xFFFFE000  }
0x159: {  	[hbm4b:s26+s10] =	stream.linear.scatter [tilespmem:s13], [sflag:$0x8], $0x2000, $0x200038;
	[tilespmem:$0x1EC00] =	vst v63  }
0x15a: {  	_ =	swait.ge [sflag:s20], $0x2000  }
0x15b: {  	[sflag:s20] =	ssyncset.done $0x0  }
0x15c: {  	s28 =	sadd.s32 $0x3000, s8;
	[sflag:s20] =	ssyncadd.s32 $0xFFFFE000  }
0x15d: {  	[hbm4b:s28+s10] =	stream.linear.scatter [tilespmem:s11], [sflag:$0x9], $0x2000, $0x200038;
	[tilespmem:$0x1EC00] =	vst v63  }
0x15e: {  	_ =	swait.ge [sflag:s22], $0x2000  }
0x15f: {  	[sflag:s22] =	ssyncset.done $0x0  }
0x160: {  	s29 =	sadd.s32 $0x3400, s8;
	[sflag:s22] =	ssyncadd.s32 $0xFFFFE000  }
0x161: {  	[hbm4b:s29+s10] =	stream.linear.scatter [tilespmem:s9], [sflag:$0xA], $0x2000, $0x200038;
	[tilespmem:$0x1EC00] =	vst v63  }
0x162: {  	_ =	swait.ge [sflag:s23], $0x2000  }
0x163: {  	[sflag:s23] =	ssyncset.done $0x0  }
0x164: {  	s30 =	sadd.s32 $0x3800, s8;
	[sflag:s23] =	ssyncadd.s32 $0xFFFFE000  }
0x165: {  	[hbm4b:s30+s10] =	stream.linear.scatter [tilespmem:s7], [sflag:$0xB], $0x2000, $0x200038;
	[tilespmem:$0x1EC00] =	vst v63  }
0x166: {  	_ =	swait.ge [sflag:s6], $0x2000  }
0x167: {  	[sflag:s6] =	ssyncset.done $0x0  }
0x168: {  	s31 =	sadd.s32 $0x3C00, s8;
	[sflag:s6] =	ssyncadd.s32 $0xFFFFE000  }
0x169: {  	[hbm4b:s31+s10] =	stream.linear.scatter [tilespmem:s4], [sflag:$0x7], $0x2000, $0x200038;
	[tilespmem:$0x1EC00] =	vst v63  }
0x16a: {  	_ =	swait.ge [sflag:s15], $0x2000  }
0x16b: {  	[sflag:s15] =	ssyncset.done $0x0  }
0x16c: {  	[sflag:s15] =	ssyncadd.s32 $0xFFFFE000  }
0x16d: {  	_ =	swait.ge [sflag:s17], $0x2000  }
0x16e: {  	[sflag:s17] =	ssyncset.done $0x0  }
0x16f: {  	[sflag:s17] =	ssyncadd.s32 $0xFFFFE000  }
0x170: {  	_ =	swait.ge [sflag:s18], $0x2000  }
0x171: {  	[sflag:s18] =	ssyncset.done $0x0  }
0x172: {  	[sflag:s18] =	ssyncadd.s32 $0xFFFFE000  }
0x173: {  	_ =	swait.ge [sflag:s21], $0x2000  }
0x174: {  	[sflag:s21] =	ssyncset.done $0x0  }
0x175: {  	[sflag:s21] =	ssyncadd.s32 $0xFFFFE000  }
0x176: {  	_ =	swait.ge [sflag:s3], $0x2000  }
0x177: {  	[sflag:s3] =	ssyncset.done $0x0  }
0x178: {  	[sflag:s3] =	ssyncadd.s32 $0xFFFFE000  }
0x179: {  	_ =	strace $0x9000004D  }
0x17a: {  	_ =	sfence.sel $0x180000  }
0x17b: {  	[bflag:$0x0] =	sbarrier.arrive $0xFFFF  }
0x17c: {  	p0 =	sne.s32 s1, $0x0;
	_ =	strace $0x90000047  }
0x17d: {  	s0 =	sadd.s32 @!p0 $0x100000, s0;
	[bflag:$0x2] =	sbarrier.arrive $0xFFFF  }
0x17e: {  	[sflag:s0] =	ssyncadd.tile.s32 @!p0 $0x1;
	_ =	shalt  }
.Lfunc_end2:
_tile_overlayer_lowered:
.L_overlay_start_2:
0x17f: {  	(tag) =	ssettag $0x2  }
0x180: {  	s0 =	rddreg [dreg:$0x0];
	s2 =	stileid.u32  }
0x181: {  	s1 =	rddreg [dreg:$0x1];
	p0 =	sne.s32 s2, $0x0  }
0x182: {  	s3 =	rddreg [dreg:$0x2];
	[bflag:$0x3] =	sbarrier.arrive $0xFFFF;
	s2 =	simm.s32 @!p0 $0x1C0C  }
0x183: {  	[timem:s3], [sflag:s2] =	dma.local @!p0 [hbm:s0], s1  }
0x184: {  	s0 =	simm.s32 @!p0 $0xC  }
0x185: {  	_ =	swait.ge @!p0 [sflag:s0], s1  }
0x186: {  	s1 =	ssub.s32 @!p0 $0x0, s1;
	[sflag:s0] =	ssyncset.done @!p0 $0x0  }
0x187: {  	[sflag:s0] =	ssyncadd.s32 @!p0 s1  }
0x188: {  	[bflag:$0x3] =	sbarrier.arrive $0xFFFF  }
0x189: {  	_ =	shalt  }

</sc_bundles>
